<compile_context>
chip_gen: v7x
topology: tpu7x:2x2x1
jax: 0.10.2.dev20260603
libtpu: 0.0.44.dev20260713+nightly
codegen_flags: <defaults>
</compile_context>

<pallas_src>
import functools

import jax
import jax.numpy as jnp
from jax import lax
from jax.experimental import pallas as pl
from jax.experimental.pallas import tpu as pltpu
from jax.experimental.pallas import tpu_sc as plsc

N_NODES = 10000
N_EDGES = 320000
DIN = 128
DH = 16
H = 8
D1 = H * DH
DOUT = 64
DF = 64

NC = 2
NS = 16
NW = NC * NS
NP = 10240
ROWS_PER_TILE = NP // NS
EB = 80
EDGES_PER_W = N_EDGES // NW
NBATCH = EDGES_PER_W // EB

_MESH = plsc.VectorSubcoreMesh(core_axis_name="c", subcore_axis_name="s",
                               num_cores=NC, num_subcores=NS)


_GATHER_DNUMS = lax.GatherDimensionNumbers(
    offset_dims=(), collapsed_slice_dims=(0,), start_index_map=(0,))


def _lane_rotate(v, idx):
    return lax.gather(v, idx[:, None], _GATHER_DNUMS, (1,),
                      mode=lax.GatherScatterMode.PROMISE_IN_BOUNDS)


def _all_reduce_lanes(v):
    for sh in (8, 4, 2, 1):
        idx = (lax.iota(jnp.int32, 16) + sh) & 15
        v = v + _lane_rotate(v, idx)
    return v


def _tree4_pack(t0, t1, t2, t3, lane):
    r8 = (lane + 8) & 15
    i4 = (lane & 8) | ((lane + 4) & 7)
    i2 = (lane & 12) | ((lane + 2) & 3)
    i1 = (lane & 14) | ((lane + 1) & 1)
    mlt8 = lane < 8
    mq = (lane & 4) == 0
    u0 = t0 + _lane_rotate(t0, r8)
    u1 = t1 + _lane_rotate(t1, r8)
    u2 = t2 + _lane_rotate(t2, r8)
    u3 = t3 + _lane_rotate(t3, r8)
    m01 = jnp.where(mlt8, u0, _lane_rotate(u1, r8))
    m23 = jnp.where(mlt8, u2, _lane_rotate(u3, r8))
    m01 = m01 + _lane_rotate(m01, i4)
    m23 = m23 + _lane_rotate(m23, i4)
    mm = jnp.where(mq, m01, _lane_rotate(m23, i4))
    mm = mm + _lane_rotate(mm, i2)
    return mm + _lane_rotate(mm, i1)


def _edge_kernel_body(nheads, xl_hbm, xr_hbm, src_hbm, dst_hbm,
                      att_hbm, num_out, den_out,
                      rows_l, rows_r, wbuf, sidx, didx, att_v, num_s, den_s,
                      gsl, gsr):
    nblk = DF // 16
    cid = lax.axis_index("c")
    sid = lax.axis_index("s")
    wid = sid * NC + cid

    def zrow(i, _):
        for q in range(nblk):
            rows_l[i, pl.ds(16 * q, 16)] = jnp.zeros((16,), jnp.float32)
        wbuf[i, :] = jnp.zeros((16,), jnp.float32)
        return 0
    lax.fori_loop(0, EB, zrow, 0)

    def zcopy(k, _):
        off = sid * ROWS_PER_TILE + k * EB
        pltpu.sync_copy(rows_l, num_s.at[pl.ds(off, EB)])
        pltpu.sync_copy(wbuf, den_s.at[pl.ds(off, EB)])
        return 0
    lax.fori_loop(0, ROWS_PER_TILE // EB, zcopy, 0)
    plsc.subcore_barrier()

    pltpu.sync_copy(att_hbm, att_v)
    att_vecs = [att_v[q, :] for q in range(nblk)]
    lane = lax.iota(jnp.int32, 16)
    bph = nblk // nheads

    pltpu.sync_copy(src_hbm.at[wid], sidx)
    pltpu.sync_copy(dst_hbm.at[wid], didx)

    def batch_body(b, _):
        cp1 = pltpu.async_copy(xl_hbm.at[sidx.at[b]], rows_l, gsl)
        cp2 = pltpu.async_copy(xr_hbm.at[didx.at[b]], rows_r, gsr)
        cp1.wait()
        cp2.wait()

        if nheads == 4:
            remap = ((lane & 1) * 8) | ((lane & 2) * 2)
            splats = [jnp.full((16,), p, jnp.int32) for p in (0, 8, 4, 12)]

            def edge_body(e, _):
                ts, lvs = [], []
                for h in range(4):
                    lv = rows_l[e, pl.ds(16 * h, 16)]
                    rv = rows_r[e, pl.ds(16 * h, 16)]
                    lvs.append(lv)
                    s = lv + rv
                    ls = jnp.maximum(s, 0.2 * s)
                    ts.append(ls * att_vecs[h])
                w = jnp.exp(_tree4_pack(ts[0], ts[1], ts[2], ts[3], lane))
                wbuf[e, :] = _lane_rotate(w, remap)
                for h in range(4):
                    wh = _lane_rotate(w, splats[h])
                    rows_l[e, pl.ds(16 * h, 16)] = lvs[h] * wh
                return 0
        else:
            def edge_body(e, _):
                hacc = jnp.zeros((16,), jnp.float32)
                lvs = []
                for q in range(bph):
                    lv = rows_l[e, pl.ds(16 * q, 16)]
                    rv = rows_r[e, pl.ds(16 * q, 16)]
                    lvs.append(lv)
                    s = lv + rv
                    ls = jnp.maximum(s, 0.2 * s)
                    hacc = hacc + ls * att_vecs[q]
                wsplat = jnp.exp(_all_reduce_lanes(hacc))
                for q in range(bph):
                    rows_l[e, pl.ds(16 * q, 16)] = lvs[q] * wsplat
                wbuf[e, :] = wsplat
                return 0

        lax.fori_loop(0, EB, edge_body, 0)
        pltpu.sync_copy(rows_l, num_s.at[didx.at[b]], add=True)
        pltpu.sync_copy(wbuf, den_s.at[didx.at[b]], add=True)
        return 0

    lax.fori_loop(0, NBATCH, batch_body, 0)
    plsc.subcore_barrier()

    def ocopy(k, _):
        off = sid * ROWS_PER_TILE + k * EB
        pltpu.sync_copy(num_s.at[pl.ds(off, EB)],
                        num_out.at[cid].at[pl.ds(off, EB)])
        pltpu.sync_copy(den_s.at[pl.ds(off, EB)],
                        den_out.at[cid].at[pl.ds(off, EB)])
        return 0
    lax.fori_loop(0, ROWS_PER_TILE // EB, ocopy, 0)


def _make_edge_kernel(nheads):
    body = functools.partial(_edge_kernel_body, nheads)
    return pl.kernel(
        body,
        out_type=(
            jax.ShapeDtypeStruct((NC, NP, DF), jnp.float32),
            jax.ShapeDtypeStruct((NC, NP, 16), jnp.float32),
        ),
        mesh=_MESH,
        compiler_params=pltpu.CompilerParams(use_tc_tiling_on_sc=False),
        scratch_types=[
            pltpu.VMEM((EB, DF), jnp.float32),
            pltpu.VMEM((EB, DF), jnp.float32),
            pltpu.VMEM((EB, 16), jnp.float32),
            pltpu.VMEM((NBATCH, EB), jnp.int32),
            pltpu.VMEM((NBATCH, EB), jnp.int32),
            pltpu.VMEM((DF // 16, 16), jnp.float32),
            pltpu.VMEM_SHARED((NP, DF), jnp.float32),
            pltpu.VMEM_SHARED((NP, 16), jnp.float32),
            pltpu.SemaphoreType.DMA,
            pltpu.SemaphoreType.DMA,
        ],
    )


_edge_l1 = _make_edge_kernel(4)
_edge_l2 = _make_edge_kernel(1)



def _proj1_body(x_ref, wl_ref, bl_ref, wr_ref, br_ref,
                xla_ref, xlb_ref, xra_ref, xrb_ref):
    xb = x_ref[...]
    dn = (((1,), (1,)), ((), ()))
    xl = lax.dot_general(xb, wl_ref[...], dn,
                         preferred_element_type=jnp.float32) + bl_ref[...]
    xr = lax.dot_general(xb, wr_ref[...], dn,
                         preferred_element_type=jnp.float32) + br_ref[...]
    xla_ref[...] = xl[:, :DF]
    xlb_ref[...] = xl[:, DF:]
    xra_ref[...] = xr[:, :DF]
    xrb_ref[...] = xr[:, DF:]


def _fuse_body(na0_ref, na1_ref, nb0_ref, nb1_ref,
               da0_ref, da1_ref, db0_ref, db1_ref, bias_ref,
               wl_ref, bl_ref, wr_ref, br_ref, xl_ref, xr_ref):
    numa = na0_ref[0] + na1_ref[0]
    numb = nb0_ref[0] + nb1_ref[0]
    dena = da0_ref[0] + da1_ref[0]
    denb = db0_ref[0] + db1_ref[0]
    num = jnp.concatenate([numa, numb], axis=1)
    den8 = jnp.concatenate([dena[:, :4], denb[:, :4]], axis=1)
    colh = lax.broadcasted_iota(jnp.int32, (8, D1), 1) // DH
    rowh = lax.broadcasted_iota(jnp.int32, (8, D1), 0)
    expand = (colh == rowh).astype(jnp.float32)
    denr = lax.dot_general(den8, expand, (((1,), (0,)), ((), ())),
                           preferred_element_type=jnp.float32)
    h = num / (denr + 1e-16) + bias_ref[...]
    h = jnp.where(h > 0, h, jnp.exp(h) - 1.0)
    dn = (((1,), (1,)), ((), ()))
    xl_ref[...] = lax.dot_general(h, wl_ref[...], dn,
                                  preferred_element_type=jnp.float32) + bl_ref[...]
    xr_ref[...] = lax.dot_general(h, wr_ref[...], dn,
                                  preferred_element_type=jnp.float32) + br_ref[...]


def _final_body(numa_ref, numb_ref, dena_ref, denb_ref, bias_ref, out_ref):
    num = numa_ref[0] + numb_ref[0]
    den = dena_ref[0] + denb_ref[0]
    out_ref[...] = num / (den[:, 0:1] + 1e-16) + bias_ref[...]


def kernel(x, edge_index, Wl1, bl1, Wr1, br1, att1, bias1,
           Wl2, bl2, Wr2, br2, att2, bias2):
    src = edge_index[0].reshape(NW, NBATCH, EB)
    dst = edge_index[1].reshape(NW, NBATCH, EB)

    grid1 = N_NODES // 1000
    xla, xlb, xra, xrb = pl.pallas_call(
        _proj1_body,
        grid=(grid1,),
        in_specs=[
            pl.BlockSpec((1000, DIN), lambda i: (i, 0)),
            pl.BlockSpec((D1, DIN), lambda i: (0, 0)),
            pl.BlockSpec((1, D1), lambda i: (0, 0)),
            pl.BlockSpec((D1, DIN), lambda i: (0, 0)),
            pl.BlockSpec((1, D1), lambda i: (0, 0)),
        ],
        out_specs=[pl.BlockSpec((1000, DF), lambda i: (i, 0))] * 4,
        out_shape=[jax.ShapeDtypeStruct((N_NODES, DF), jnp.float32)] * 4,
    )(x, Wl1, bl1.reshape(1, D1), Wr1, br1.reshape(1, D1))

    numa, dena = _edge_l1(xla, xra, src, dst, att1[:4])
    numb, denb = _edge_l1(xlb, xrb, src, dst, att1[4:])

    grid2 = NP // 1024
    xl2, xr2 = pl.pallas_call(
        _fuse_body,
        grid=(grid2,),
        in_specs=[
            pl.BlockSpec((1, 1024, DF), lambda i: (0, i, 0)),
            pl.BlockSpec((1, 1024, DF), lambda i: (1, i, 0)),
            pl.BlockSpec((1, 1024, DF), lambda i: (0, i, 0)),
            pl.BlockSpec((1, 1024, DF), lambda i: (1, i, 0)),
            pl.BlockSpec((1, 1024, 16), lambda i: (0, i, 0)),
            pl.BlockSpec((1, 1024, 16), lambda i: (1, i, 0)),
            pl.BlockSpec((1, 1024, 16), lambda i: (0, i, 0)),
            pl.BlockSpec((1, 1024, 16), lambda i: (1, i, 0)),
            pl.BlockSpec((1, D1), lambda i: (0, 0)),
            pl.BlockSpec((DOUT, D1), lambda i: (0, 0)),
            pl.BlockSpec((1, DOUT), lambda i: (0, 0)),
            pl.BlockSpec((DOUT, D1), lambda i: (0, 0)),
            pl.BlockSpec((1, DOUT), lambda i: (0, 0)),
        ],
        out_specs=[
            pl.BlockSpec((1024, DOUT), lambda i: (i, 0)),
            pl.BlockSpec((1024, DOUT), lambda i: (i, 0)),
        ],
        out_shape=[
            jax.ShapeDtypeStruct((NP, DOUT), jnp.float32),
            jax.ShapeDtypeStruct((NP, DOUT), jnp.float32),
        ],
    )(numa, numa, numb, numb, dena, dena, denb, denb, bias1.reshape(1, D1),
      Wl2, bl2.reshape(1, DOUT), Wr2, br2.reshape(1, DOUT))

    num2, den2 = _edge_l2(xl2, xr2, src, dst, att2.reshape(DOUT // 16, 16))

    out = pl.pallas_call(
        _final_body,
        grid=(grid2,),
        in_specs=[
            pl.BlockSpec((1, 1024, DOUT), lambda i: (0, i, 0)),
            pl.BlockSpec((1, 1024, DOUT), lambda i: (1, i, 0)),
            pl.BlockSpec((1, 1024, 16), lambda i: (0, i, 0)),
            pl.BlockSpec((1, 1024, 16), lambda i: (1, i, 0)),
            pl.BlockSpec((1, DOUT), lambda i: (0, 0)),
        ],
        out_specs=pl.BlockSpec((1024, DOUT), lambda i: (i, 0)),
        out_shape=jax.ShapeDtypeStruct((NP, DOUT), jnp.float32),
    )(num2, num2, den2, den2, bias2.reshape(1, DOUT))

    return out[:N_NODES]

# --- scband reference (transcript-rebuilt; emitter-appended) ---
"""Pipeline reference for scband-graph-attention-network-3667902071227 (READ-ONLY COPY).

The authoritative reference and input builder live on the scoring server;
editing this copy changes nothing except your own understanding.
"""

import jax, jax.numpy as jnp
import numpy as np

N = 10000
E = 320000
DIN = 128
DH = 16
H = 8
DOUT = 64


def setup_inputs(seed: int = 0) -> dict:
    key = jax.random.key(seed)
    ks = jax.random.split(key, 16)
    s = 0.1
    x = jax.random.normal(ks[0], (N, DIN), dtype=jnp.float32)
    edge_index = jax.random.randint(ks[1], (2, E), 0, N, dtype=jnp.int32)
    Wl1 = jax.random.normal(ks[2], (H * DH, DIN), dtype=jnp.float32) * s
    bl1 = jnp.zeros((H * DH,), dtype=jnp.float32)
    Wr1 = jax.random.normal(ks[3], (H * DH, DIN), dtype=jnp.float32) * s
    br1 = jnp.zeros((H * DH,), dtype=jnp.float32)
    att1 = jax.random.normal(ks[4], (H, DH), dtype=jnp.float32) * s
    bias1 = jnp.zeros((H * DH,), dtype=jnp.float32)
    Wl2 = jax.random.normal(ks[5], (DOUT, H * DH), dtype=jnp.float32) * s
    bl2 = jnp.zeros((DOUT,), dtype=jnp.float32)
    Wr2 = jax.random.normal(ks[6], (DOUT, H * DH), dtype=jnp.float32) * s
    br2 = jnp.zeros((DOUT,), dtype=jnp.float32)
    att2 = jax.random.normal(ks[7], (1, DOUT), dtype=jnp.float32) * s
    bias2 = jnp.zeros((DOUT,), dtype=jnp.float32)
    return {"x": x, "edge_index": edge_index, "Wl1": Wl1, "bl1": bl1, "Wr1": Wr1, "br1": br1, "att1": att1, "bias1": bias1, "Wl2": Wl2, "bl2": bl2, "Wr2": Wr2, "br2": br2, "att2": att2, "bias2": bias2}


def gatv2_layer(x, edge_index, Wl, bl, Wr, br, att, bias, heads, ch):
    n = x.shape[0]
    src = edge_index[0]
    dst = edge_index[1]
    xl = (x @ Wl.T + bl).reshape(n, heads, ch)
    xr = (x @ Wr.T + br).reshape(n, heads, ch)
    xs = xl[src] + xr[dst]  # [E, H, C]
    e = jax.nn.leaky_relu(xs, negative_slope=0.2)
    alpha = (e * att[None, :, :]).sum(-1)  # [E, H]
    m = jax.ops.segment_max(alpha, dst, num_segments=n)
    m = jnp.where(jnp.isfinite(m), m, 0.0)
    ae = jnp.exp(alpha - m[dst])
    denom = jax.ops.segment_sum(ae, dst, num_segments=n)
    an = ae / (denom[dst] + 1e-16)
    out = jax.ops.segment_sum(an[:, :, None] * xl[src], dst, num_segments=n)
    return out.reshape(n, heads * ch) + bias


def reference(x, edge_index, Wl1, bl1, Wr1, br1, att1, bias1, Wl2, bl2, Wr2, br2, att2, bias2):
    # dropout (p=0.6) is identity in eval mode
    h = gatv2_layer(x, edge_index, Wl1, bl1, Wr1, br1, att1, bias1, H, DH)
    h = jax.nn.elu(h)
    h = gatv2_layer(h, edge_index, Wl2, bl2, Wr2, br2, att2, bias2, 1, DOUT)
    return h

if __name__ == "__main__":
    import jax
    _d = setup_inputs()
    print(jax.jit(kernel)(*tuple(_d.values())))

</pallas_src>

<mosaic_0001>
#map = affine_map<(d0, d1) -> (0, 0)>
#map1 = affine_map<(d0, d1) -> (0, 0, 0)>
module attributes {stable_mosaic.version = 14 : i64} {
  func.func @_edge_kernel_body(%arg0: i32, %arg1: i32, %arg2: memref<10000x64xf32, #tpu.memory_space<hbm>>, %arg3: memref<10000x64xf32, #tpu.memory_space<hbm>>, %arg4: memref<32x125x80xi32, #tpu.memory_space<hbm>>, %arg5: memref<32x125x80xi32, #tpu.memory_space<hbm>>, %arg6: memref<4x16xf32, #tpu.memory_space<hbm>>, %arg7: memref<2x10240x64xf32, #tpu.memory_space<hbm>>, %arg8: memref<2x10240x16xf32, #tpu.memory_space<hbm>>, %arg9: memref<80x64xf32, #tpu.memory_space<vmem>>, %arg10: memref<80x64xf32, #tpu.memory_space<vmem>>, %arg11: memref<80x16xf32, #tpu.memory_space<vmem>>, %arg12: memref<125x80xi32, #tpu.memory_space<vmem>>, %arg13: memref<125x80xi32, #tpu.memory_space<vmem>>, %arg14: memref<4x16xf32, #tpu.memory_space<vmem>>, %arg15: memref<10240x64xf32, #tpu.memory_space<vmem_shared>>, %arg16: memref<10240x16xf32, #tpu.memory_space<vmem_shared>>, %arg17: memref<!tpu.dma_semaphore, #tpu.memory_space<semaphore_mem>>, %arg18: memref<!tpu.dma_semaphore, #tpu.memory_space<semaphore_mem>>) attributes {dimension_semantics = [#tpu.dimension_semantics<core_parallel>, #tpu.dimension_semantics<subcore_parallel>], iteration_bounds = array<i64: 2, 16>, scalar_prefetch = 0 : i64, scratch_operands = 10 : i64, tpu.core_type = #tpu.core_type<sc_vector_subcore>, window_params = [{transform_indices = #map}, {transform_indices = #map}, {transform_indices = #map1}, {transform_indices = #map1}, {transform_indices = #map}, {transform_indices = #map1}, {transform_indices = #map1}]} {
    %mul3A = arith.constant 2 : i32
    %mul3A_0 = arith.muli %arg1, %mul3A : i32
    %add3A = arith.addi %mul3A_0, %arg0 : i32
    %scan3A = arith.constant 0 : i32
    %scan3A_1 = arith.constant 0 : i32
    %scan3A_2 = arith.constant 80 : i32
    %scan3A_3 = arith.addi %scan3A_1, %scan3A_2 : i32
    %scan3A_4 = arith.constant 1 : i32
    %scan3A_5 = scf.for %scan3A_48 = %scan3A_1 to %scan3A_3 step %scan3A_4 iter_args(%scan3A_49 = %scan3A) -> (i32)  : i32 {
      %broadcast_in_dim3A = arith.constant 0.000000e+00 : f32
      %broadcast_in_dim3A_50 = vector.broadcast %broadcast_in_dim3A : f32 to vector<16xf32>
      %swap3A = arith.index_cast %scan3A_48 : i32 to index
      %swap3A_51 = arith.constant 0 : index
      %swap3A_52 = tpu.vector_load %arg9[%swap3A, %swap3A_51] {strides = array<i32>} : memref<80x64xf32, #tpu.memory_space<vmem>>, vector<1x16xf32>,
      %swap3A_53 = vector.shape_cast %swap3A_52 : vector<1x16xf32> to vector<16xf32>
      %swap3A_54 = vector.shape_cast %broadcast_in_dim3A_50 : vector<16xf32> to vector<1x16xf32>
      tpu.vector_store %arg9[%swap3A, %swap3A_51], %swap3A_54 {strides = array<i32>} : memref<80x64xf32, #tpu.memory_space<vmem>>, vector<1x16xf32>,
      %broadcast_in_dim3A_55 = arith.constant 0.000000e+00 : f32
      %broadcast_in_dim3A_56 = vector.broadcast %broadcast_in_dim3A_55 : f32 to vector<16xf32>
      %swap3A_57 = arith.index_cast %scan3A_48 : i32 to index
      %swap3A_58 = arith.constant 16 : index
      %swap3A_59 = tpu.vector_load %arg9[%swap3A_57, %swap3A_58] {strides = array<i32>} : memref<80x64xf32, #tpu.memory_space<vmem>>, vector<1x16xf32>,
      %swap3A_60 = vector.shape_cast %swap3A_59 : vector<1x16xf32> to vector<16xf32>
      %swap3A_61 = vector.shape_cast %broadcast_in_dim3A_56 : vector<16xf32> to vector<1x16xf32>
      tpu.vector_store %arg9[%swap3A_57, %swap3A_58], %swap3A_61 {strides = array<i32>} : memref<80x64xf32, #tpu.memory_space<vmem>>, vector<1x16xf32>,
      %broadcast_in_dim3A_62 = arith.constant 0.000000e+00 : f32
      %broadcast_in_dim3A_63 = vector.broadcast %broadcast_in_dim3A_62 : f32 to vector<16xf32>
      %swap3A_64 = arith.index_cast %scan3A_48 : i32 to index
      %swap3A_65 = arith.constant 32 : index
      %swap3A_66 = tpu.vector_load %arg9[%swap3A_64, %swap3A_65] {strides = array<i32>} : memref<80x64xf32, #tpu.memory_space<vmem>>, vector<1x16xf32>,
      %swap3A_67 = vector.shape_cast %swap3A_66 : vector<1x16xf32> to vector<16xf32>
      %swap3A_68 = vector.shape_cast %broadcast_in_dim3A_63 : vector<16xf32> to vector<1x16xf32>
      tpu.vector_store %arg9[%swap3A_64, %swap3A_65], %swap3A_68 {strides = array<i32>} : memref<80x64xf32, #tpu.memory_space<vmem>>, vector<1x16xf32>,
      %broadcast_in_dim3A_69 = arith.constant 0.000000e+00 : f32
      %broadcast_in_dim3A_70 = vector.broadcast %broadcast_in_dim3A_69 : f32 to vector<16xf32>
      %swap3A_71 = arith.index_cast %scan3A_48 : i32 to index
      %swap3A_72 = arith.constant 48 : index
      %swap3A_73 = tpu.vector_load %arg9[%swap3A_71, %swap3A_72] {strides = array<i32>} : memref<80x64xf32, #tpu.memory_space<vmem>>, vector<1x16xf32>,
      %swap3A_74 = vector.shape_cast %swap3A_73 : vector<1x16xf32> to vector<16xf32>
      %swap3A_75 = vector.shape_cast %broadcast_in_dim3A_70 : vector<16xf32> to vector<1x16xf32>
      tpu.vector_store %arg9[%swap3A_71, %swap3A_72], %swap3A_75 {strides = array<i32>} : memref<80x64xf32, #tpu.memory_space<vmem>>, vector<1x16xf32>,
      %broadcast_in_dim3A_76 = arith.constant 0.000000e+00 : f32
      %broadcast_in_dim3A_77 = vector.broadcast %broadcast_in_dim3A_76 : f32 to vector<16xf32>
      %swap3A_78 = arith.index_cast %scan3A_48 : i32 to index
      %swap3A_79 = arith.constant 0 : index
      %swap3A_80 = tpu.vector_load %arg11[%swap3A_78, %swap3A_79] {strides = array<i32>} : memref<80x16xf32, #tpu.memory_space<vmem>>, vector<1x16xf32>,
      %swap3A_81 = vector.shape_cast %swap3A_80 : vector<1x16xf32> to vector<16xf32>
      %swap3A_82 = vector.shape_cast %broadcast_in_dim3A_77 : vector<16xf32> to vector<1x16xf32>
      tpu.vector_store %arg11[%swap3A_78, %swap3A_79], %swap3A_82 {strides = array<i32>} : memref<80x16xf32, #tpu.memory_space<vmem>>, vector<1x16xf32>,
      %scan3A_83 = arith.constant 0 : i32
      scf.yield %scan3A_83 : i32
    }
    %scan3A_6 = arith.constant 80 : i32
    %scan3A_7 = arith.constant 0 : i32
    %scan3A_8 = arith.constant 0 : i32
    %scan3A_9 = arith.constant 8 : i32
    %scan3A_10 = arith.addi %scan3A_8, %scan3A_9 : i32
    %scan3A_11 = arith.constant 1 : i32
    %scan3A_12 = scf.for %scan3A_48 = %scan3A_8 to %scan3A_10 step %scan3A_11 iter_args(%scan3A_49 = %scan3A_7) -> (i32)  : i32 {
      %mul3A_50 = arith.constant 640 : i32
      %mul3A_51 = arith.muli %arg1, %mul3A_50 : i32
      %mul3A_52 = arith.constant 80 : i32
      %mul3A_53 = arith.muli %scan3A_48, %mul3A_52 : i32
      %add3A_54 = arith.addi %mul3A_51, %mul3A_53 : i32
      "tpu.region"() ({
        %run_scoped3A = tpu.sem_alloc : memref<!tpu.dma_semaphore, #tpu.memory_space<semaphore_mem>>
        %dma_start3A = arith.constant 0 : i32
        %dma_start3A_56 = tpu.memref_slice %arg15[%add3A_54, %dma_start3A] : memref<10240x64xf32, #tpu.memory_space<vmem_shared>> -> memref<80x64xf32, #tpu.memory_space<vmem_shared>>
        %dma_start3A_57 = arith.constant 0 : i32
        %dma_start3A_58 = tpu.memref_slice %arg15[%add3A_54, %dma_start3A_57] : memref<10240x64xf32, #tpu.memory_space<vmem_shared>> -> memref<80x64xf32, #tpu.memory_space<vmem_shared>>
        tpu.enqueue_dma source(%arg9 : memref<80x64xf32, #tpu.memory_space<vmem>>) target(%dma_start3A_58 : memref<80x64xf32, #tpu.memory_space<vmem_shared>>) target_semaphore(%run_scoped3A : memref<!tpu.dma_semaphore, #tpu.memory_space<semaphore_mem>>)
        %dma_wait3A = arith.constant 0 : i32
        %dma_wait3A_59 = tpu.memref_slice %arg15[%add3A_54, %dma_wait3A] : memref<10240x64xf32, #tpu.memory_space<vmem_shared>> -> memref<80x64xf32, #tpu.memory_space<vmem_shared>>
        %dma_wait3A_60 = arith.constant 0 : i32
        %dma_wait3A_61 = tpu.memref_slice %arg15[%add3A_54, %dma_wait3A_60] : memref<10240x64xf32, #tpu.memory_space<vmem_shared>> -> memref<80x64xf32, #tpu.memory_space<vmem_shared>>
        tpu.wait_dma2 semaphore(%run_scoped3A : memref<!tpu.dma_semaphore, #tpu.memory_space<semaphore_mem>>) src(%arg9 : memref<80x64xf32, #tpu.memory_space<vmem>>) dst(%dma_wait3A_61 : memref<80x64xf32, #tpu.memory_space<vmem_shared>>)
        tpu.yield
      }) : () -> ()
      "tpu.region"() ({
        %run_scoped3A = tpu.sem_alloc : memref<!tpu.dma_semaphore, #tpu.memory_space<semaphore_mem>>
        %dma_start3A = arith.constant 0 : i32
        %dma_start3A_56 = tpu.memref_slice %arg16[%add3A_54, %dma_start3A] : memref<10240x16xf32, #tpu.memory_space<vmem_shared>> -> memref<80x16xf32, #tpu.memory_space<vmem_shared>>
        %dma_start3A_57 = arith.constant 0 : i32
        %dma_start3A_58 = tpu.memref_slice %arg16[%add3A_54, %dma_start3A_57] : memref<10240x16xf32, #tpu.memory_space<vmem_shared>> -> memref<80x16xf32, #tpu.memory_space<vmem_shared>>
        tpu.enqueue_dma source(%arg11 : memref<80x16xf32, #tpu.memory_space<vmem>>) target(%dma_start3A_58 : memref<80x16xf32, #tpu.memory_space<vmem_shared>>) target_semaphore(%run_scoped3A : memref<!tpu.dma_semaphore, #tpu.memory_space<semaphore_mem>>)
        %dma_wait3A = arith.constant 0 : i32
        %dma_wait3A_59 = tpu.memref_slice %arg16[%add3A_54, %dma_wait3A] : memref<10240x16xf32, #tpu.memory_space<vmem_shared>> -> memref<80x16xf32, #tpu.memory_space<vmem_shared>>
        %dma_wait3A_60 = arith.constant 0 : i32
        %dma_wait3A_61 = tpu.memref_slice %arg16[%add3A_54, %dma_wait3A_60] : memref<10240x16xf32, #tpu.memory_space<vmem_shared>> -> memref<80x16xf32, #tpu.memory_space<vmem_shared>>
        tpu.wait_dma2 semaphore(%run_scoped3A : memref<!tpu.dma_semaphore, #tpu.memory_space<semaphore_mem>>) src(%arg11 : memref<80x16xf32, #tpu.memory_space<vmem>>) dst(%dma_wait3A_61 : memref<80x16xf32, #tpu.memory_space<vmem_shared>>)
        tpu.yield
      }) : () -> ()
      %scan3A_55 = arith.constant 0 : i32
      scf.yield %scan3A_55 : i32
    }
    %scan3A_13 = arith.constant 8 : i32
    %barrier3A = arith.constant 0 : index
    tpu.barrier barrier_id(%barrier3A)
    "tpu.region"() ({
      %run_scoped3A = tpu.sem_alloc : memref<!tpu.dma_semaphore, #tpu.memory_space<semaphore_mem>>
      tpu.enqueue_dma source(%arg6 : memref<4x16xf32, #tpu.memory_space<hbm>>) target(%arg14 : memref<4x16xf32, #tpu.memory_space<vmem>>) target_semaphore(%run_scoped3A : memref<!tpu.dma_semaphore, #tpu.memory_space<semaphore_mem>>)
      tpu.wait_dma2 semaphore(%run_scoped3A : memref<!tpu.dma_semaphore, #tpu.memory_space<semaphore_mem>>) src(%arg6 : memref<4x16xf32, #tpu.memory_space<hbm>>) dst(%arg14 : memref<4x16xf32, #tpu.memory_space<vmem>>)
      tpu.yield
    }) : () -> ()
    %get3A = arith.constant 0 : i32
    %get3A_14 = arith.index_cast %get3A : i32 to index
    %get3A_15 = arith.constant 0 : index
    %get3A_16 = tpu.vector_load %arg14[%get3A_14, %get3A_15] {strides = array<i32>} : memref<4x16xf32, #tpu.memory_space<vmem>>, vector<1x16xf32>,
    %get3A_17 = vector.shape_cast %get3A_16 : vector<1x16xf32> to vector<16xf32>
    %get3A_18 = arith.constant 1 : i32
    %get3A_19 = arith.index_cast %get3A_18 : i32 to index
    %get3A_20 = arith.constant 0 : index
    %get3A_21 = tpu.vector_load %arg14[%get3A_19, %get3A_20] {strides = array<i32>} : memref<4x16xf32, #tpu.memory_space<vmem>>, vector<1x16xf32>,
    %get3A_22 = vector.shape_cast %get3A_21 : vector<1x16xf32> to vector<16xf32>
    %get3A_23 = arith.constant 2 : i32
    %get3A_24 = arith.index_cast %get3A_23 : i32 to index
    %get3A_25 = arith.constant 0 : index
    %get3A_26 = tpu.vector_load %arg14[%get3A_24, %get3A_25] {strides = array<i32>} : memref<4x16xf32, #tpu.memory_space<vmem>>, vector<1x16xf32>,
    %get3A_27 = vector.shape_cast %get3A_26 : vector<1x16xf32> to vector<16xf32>
    %get3A_28 = arith.constant 3 : i32
    %get3A_29 = arith.index_cast %get3A_28 : i32 to index
    %get3A_30 = arith.constant 0 : index
    %get3A_31 = tpu.vector_load %arg14[%get3A_29, %get3A_30] {strides = array<i32>} : memref<4x16xf32, #tpu.memory_space<vmem>>, vector<1x16xf32>,
    %get3A_32 = vector.shape_cast %get3A_31 : vector<1x16xf32> to vector<16xf32>
    %iota3A = tpu.iota {dimensions = array<i32: 0>} : vector<16xi32>
    "tpu.region"() ({
      %run_scoped3A = tpu.sem_alloc : memref<!tpu.dma_semaphore, #tpu.memory_space<semaphore_mem>>
      %dma_start3A = arith.constant 0 : i32
      %dma_start3A_48 = arith.constant 0 : i32
      %dma_start3A_49 = tpu.memref_slice %arg4[%add3A, %dma_start3A, %dma_start3A_48] : memref<32x125x80xi32, #tpu.memory_space<hbm>> -> memref<1x125x80xi32, #tpu.memory_space<hbm>>
      %dma_start3A_50 = tpu.memref_squeeze %dma_start3A_49 : memref<1x125x80xi32, #tpu.memory_space<hbm>> -> memref<125x80xi32, #tpu.memory_space<hbm>>
      %dma_start3A_51 = arith.constant 0 : i32
      %dma_start3A_52 = arith.constant 0 : i32
      %dma_start3A_53 = tpu.memref_slice %arg4[%add3A, %dma_start3A_51, %dma_start3A_52] : memref<32x125x80xi32, #tpu.memory_space<hbm>> -> memref<1x125x80xi32, #tpu.memory_space<hbm>>
      %dma_start3A_54 = tpu.memref_squeeze %dma_start3A_53 : memref<1x125x80xi32, #tpu.memory_space<hbm>> -> memref<125x80xi32, #tpu.memory_space<hbm>>
      tpu.enqueue_dma source(%dma_start3A_54 : memref<125x80xi32, #tpu.memory_space<hbm>>) target(%arg12 : memref<125x80xi32, #tpu.memory_space<vmem>>) target_semaphore(%run_scoped3A : memref<!tpu.dma_semaphore, #tpu.memory_space<semaphore_mem>>)
      %dma_wait3A = arith.constant 0 : i32
      %dma_wait3A_55 = arith.constant 0 : i32
      %dma_wait3A_56 = tpu.memref_slice %arg4[%add3A, %dma_wait3A, %dma_wait3A_55] : memref<32x125x80xi32, #tpu.memory_space<hbm>> -> memref<1x125x80xi32, #tpu.memory_space<hbm>>
      %dma_wait3A_57 = tpu.memref_squeeze %dma_wait3A_56 : memref<1x125x80xi32, #tpu.memory_space<hbm>> -> memref<125x80xi32, #tpu.memory_space<hbm>>
      %dma_wait3A_58 = arith.constant 0 : i32
      %dma_wait3A_59 = arith.constant 0 : i32
      %dma_wait3A_60 = tpu.memref_slice %arg4[%add3A, %dma_wait3A_58, %dma_wait3A_59] : memref<32x125x80xi32, #tpu.memory_space<hbm>> -> memref<1x125x80xi32, #tpu.memory_space<hbm>>
      %dma_wait3A_61 = tpu.memref_squeeze %dma_wait3A_60 : memref<1x125x80xi32, #tpu.memory_space<hbm>> -> memref<125x80xi32, #tpu.memory_space<hbm>>
      tpu.wait_dma2 semaphore(%run_scoped3A : memref<!tpu.dma_semaphore, #tpu.memory_space<semaphore_mem>>) src(%dma_wait3A_61 : memref<125x80xi32, #tpu.memory_space<hbm>>) dst(%arg12 : memref<125x80xi32, #tpu.memory_space<vmem>>)
      tpu.yield
    }) : () -> ()
    "tpu.region"() ({
      %run_scoped3A = tpu.sem_alloc : memref<!tpu.dma_semaphore, #tpu.memory_space<semaphore_mem>>
      %dma_start3A = arith.constant 0 : i32
      %dma_start3A_48 = arith.constant 0 : i32
      %dma_start3A_49 = tpu.memref_slice %arg5[%add3A, %dma_start3A, %dma_start3A_48] : memref<32x125x80xi32, #tpu.memory_space<hbm>> -> memref<1x125x80xi32, #tpu.memory_space<hbm>>
      %dma_start3A_50 = tpu.memref_squeeze %dma_start3A_49 : memref<1x125x80xi32, #tpu.memory_space<hbm>> -> memref<125x80xi32, #tpu.memory_space<hbm>>
      %dma_start3A_51 = arith.constant 0 : i32
      %dma_start3A_52 = arith.constant 0 : i32
      %dma_start3A_53 = tpu.memref_slice %arg5[%add3A, %dma_start3A_51, %dma_start3A_52] : memref<32x125x80xi32, #tpu.memory_space<hbm>> -> memref<1x125x80xi32, #tpu.memory_space<hbm>>
      %dma_start3A_54 = tpu.memref_squeeze %dma_start3A_53 : memref<1x125x80xi32, #tpu.memory_space<hbm>> -> memref<125x80xi32, #tpu.memory_space<hbm>>
      tpu.enqueue_dma source(%dma_start3A_54 : memref<125x80xi32, #tpu.memory_space<hbm>>) target(%arg13 : memref<125x80xi32, #tpu.memory_space<vmem>>) target_semaphore(%run_scoped3A : memref<!tpu.dma_semaphore, #tpu.memory_space<semaphore_mem>>)
      %dma_wait3A = arith.constant 0 : i32
      %dma_wait3A_55 = arith.constant 0 : i32
      %dma_wait3A_56 = tpu.memref_slice %arg5[%add3A, %dma_wait3A, %dma_wait3A_55] : memref<32x125x80xi32, #tpu.memory_space<hbm>> -> memref<1x125x80xi32, #tpu.memory_space<hbm>>
      %dma_wait3A_57 = tpu.memref_squeeze %dma_wait3A_56 : memref<1x125x80xi32, #tpu.memory_space<hbm>> -> memref<125x80xi32, #tpu.memory_space<hbm>>
      %dma_wait3A_58 = arith.constant 0 : i32
      %dma_wait3A_59 = arith.constant 0 : i32
      %dma_wait3A_60 = tpu.memref_slice %arg5[%add3A, %dma_wait3A_58, %dma_wait3A_59] : memref<32x125x80xi32, #tpu.memory_space<hbm>> -> memref<1x125x80xi32, #tpu.memory_space<hbm>>
      %dma_wait3A_61 = tpu.memref_squeeze %dma_wait3A_60 : memref<1x125x80xi32, #tpu.memory_space<hbm>> -> memref<125x80xi32, #tpu.memory_space<hbm>>
      tpu.wait_dma2 semaphore(%run_scoped3A : memref<!tpu.dma_semaphore, #tpu.memory_space<semaphore_mem>>) src(%dma_wait3A_61 : memref<125x80xi32, #tpu.memory_space<hbm>>) dst(%arg13 : memref<125x80xi32, #tpu.memory_space<vmem>>)
      tpu.yield
    }) : () -> ()
    %scan3A_33 = arith.constant 0 : i32
    %scan3A_34 = arith.constant 0 : i32
    %scan3A_35 = arith.constant 125 : i32
    %scan3A_36 = arith.addi %scan3A_34, %scan3A_35 : i32
    %scan3A_37 = arith.constant 1 : i32
    %scan3A_38 = scf.for %scan3A_48 = %scan3A_34 to %scan3A_36 step %scan3A_37 iter_args(%scan3A_49 = %scan3A_33) -> (i32)  : i32 {
      %dma_start3A = arith.constant 0 : i32
      %dma_start3A_50 = tpu.memref_slice %arg12[%scan3A_48, %dma_start3A] : memref<125x80xi32, #tpu.memory_space<vmem>> -> memref<1x80xi32, #tpu.memory_space<vmem>>
      %dma_start3A_51 = tpu.memref_squeeze %dma_start3A_50 : memref<1x80xi32, #tpu.memory_space<vmem>> -> memref<80xi32, #tpu.memory_space<vmem>>
      %dma_start3A_52 = arith.constant 0 : i32
      %dma_start3A_53 = arith.constant 0 : i32
      %dma_start3A_54 = tpu.memref_slice %arg2[%dma_start3A_52, %dma_start3A_53] : memref<10000x64xf32, #tpu.memory_space<hbm>> -> memref<10000x64xf32, #tpu.memory_space<hbm>>
      tpu.enqueue_indirect_dma source(%dma_start3A_54 : memref<10000x64xf32, #tpu.memory_space<hbm>>) target(%arg9 : memref<80x64xf32, #tpu.memory_space<vmem>>) offsets(%dma_start3A_51 : memref<80xi32, #tpu.memory_space<vmem>>) semaphore(%arg17 : memref<!tpu.dma_semaphore, #tpu.memory_space<semaphore_mem>>)
      %dma_start3A_55 = arith.constant 0 : i32
      %dma_start3A_56 = tpu.memref_slice %arg13[%scan3A_48, %dma_start3A_55] : memref<125x80xi32, #tpu.memory_space<vmem>> -> memref<1x80xi32, #tpu.memory_space<vmem>>
      %dma_start3A_57 = tpu.memref_squeeze %dma_start3A_56 : memref<1x80xi32, #tpu.memory_space<vmem>> -> memref<80xi32, #tpu.memory_space<vmem>>
      %dma_start3A_58 = arith.constant 0 : i32
      %dma_start3A_59 = arith.constant 0 : i32
      %dma_start3A_60 = tpu.memref_slice %arg3[%dma_start3A_58, %dma_start3A_59] : memref<10000x64xf32, #tpu.memory_space<hbm>> -> memref<10000x64xf32, #tpu.memory_space<hbm>>
      tpu.enqueue_indirect_dma source(%dma_start3A_60 : memref<10000x64xf32, #tpu.memory_space<hbm>>) target(%arg10 : memref<80x64xf32, #tpu.memory_space<vmem>>) offsets(%dma_start3A_57 : memref<80xi32, #tpu.memory_space<vmem>>) semaphore(%arg18 : memref<!tpu.dma_semaphore, #tpu.memory_space<semaphore_mem>>)
      %dma_wait3A = arith.constant 0 : i32
      %dma_wait3A_61 = tpu.memref_slice %arg12[%scan3A_48, %dma_wait3A] : memref<125x80xi32, #tpu.memory_space<vmem>> -> memref<1x80xi32, #tpu.memory_space<vmem>>
      %dma_wait3A_62 = tpu.memref_squeeze %dma_wait3A_61 : memref<1x80xi32, #tpu.memory_space<vmem>> -> memref<80xi32, #tpu.memory_space<vmem>>
      %dma_wait3A_63 = arith.constant 0 : i32
      %dma_wait3A_64 = arith.constant 0 : i32
      %dma_wait3A_65 = tpu.memref_slice %arg2[%dma_wait3A_63, %dma_wait3A_64] : memref<10000x64xf32, #tpu.memory_space<hbm>> -> memref<10000x64xf32, #tpu.memory_space<hbm>>
      tpu.wait_indirect_dma semaphore(%arg17 : memref<!tpu.dma_semaphore, #tpu.memory_space<semaphore_mem>>) src(%dma_wait3A_65 : memref<10000x64xf32, #tpu.memory_space<hbm>>) dst(%arg9 : memref<80x64xf32, #tpu.memory_space<vmem>>)
      %dma_wait3A_66 = arith.constant 0 : i32
      %dma_wait3A_67 = tpu.memref_slice %arg13[%scan3A_48, %dma_wait3A_66] : memref<125x80xi32, #tpu.memory_space<vmem>> -> memref<1x80xi32, #tpu.memory_space<vmem>>
      %dma_wait3A_68 = tpu.memref_squeeze %dma_wait3A_67 : memref<1x80xi32, #tpu.memory_space<vmem>> -> memref<80xi32, #tpu.memory_space<vmem>>
      %dma_wait3A_69 = arith.constant 0 : i32
      %dma_wait3A_70 = arith.constant 0 : i32
      %dma_wait3A_71 = tpu.memref_slice %arg3[%dma_wait3A_69, %dma_wait3A_70] : memref<10000x64xf32, #tpu.memory_space<hbm>> -> memref<10000x64xf32, #tpu.memory_space<hbm>>
      tpu.wait_indirect_dma semaphore(%arg18 : memref<!tpu.dma_semaphore, #tpu.memory_space<semaphore_mem>>) src(%dma_wait3A_71 : memref<10000x64xf32, #tpu.memory_space<hbm>>) dst(%arg10 : memref<80x64xf32, #tpu.memory_space<vmem>>)
      %and3A = arith.constant 1 : i32
      %and3A_72 = vector.broadcast %and3A : i32 to vector<16xi32>
      %and3A_73 = arith.andi %iota3A, %and3A_72 : vector<16xi32>
      %mul3A_74 = arith.constant 8 : i32
      %mul3A_75 = vector.broadcast %mul3A_74 : i32 to vector<16xi32>
      %mul3A_76 = arith.muli %and3A_73, %mul3A_75 : vector<16xi32>
      %and3A_77 = arith.constant 2 : i32
      %and3A_78 = vector.broadcast %and3A_77 : i32 to vector<16xi32>
      %and3A_79 = arith.andi %iota3A, %and3A_78 : vector<16xi32>
      %mul3A_80 = arith.constant 2 : i32
      %mul3A_81 = vector.broadcast %mul3A_80 : i32 to vector<16xi32>
      %mul3A_82 = arith.muli %and3A_79, %mul3A_81 : vector<16xi32>
      %or3A = arith.ori %mul3A_76, %mul3A_82 : vector<16xi32>
      %broadcast_in_dim3A = arith.constant 0 : i32
      %broadcast_in_dim3A_83 = vector.broadcast %broadcast_in_dim3A : i32 to vector<16xi32>
      %broadcast_in_dim3A_84 = arith.constant 8 : i32
      %broadcast_in_dim3A_85 = vector.broadcast %broadcast_in_dim3A_84 : i32 to vector<16xi32>
      %broadcast_in_dim3A_86 = arith.constant 4 : i32
      %broadcast_in_dim3A_87 = vector.broadcast %broadcast_in_dim3A_86 : i32 to vector<16xi32>
      %broadcast_in_dim3A_88 = arith.constant 12 : i32
      %broadcast_in_dim3A_89 = vector.broadcast %broadcast_in_dim3A_88 : i32 to vector<16xi32>
      %scan3A_90 = arith.constant 0 : i32
      %scan3A_91 = arith.constant 0 : i32
      %scan3A_92 = arith.constant 80 : i32
      %scan3A_93 = arith.addi %scan3A_91, %scan3A_92 : i32
      %scan3A_94 = arith.constant 1 : i32
      %scan3A_95 = scf.for %scan3A_98 = %scan3A_91 to %scan3A_93 step %scan3A_94 iter_args(%scan3A_99 = %scan3A_90) -> (i32)  : i32 {
        %get3A_100 = arith.index_cast %scan3A_98 : i32 to index
        %get3A_101 = arith.constant 0 : index
        %get3A_102 = tpu.vector_load %arg9[%get3A_100, %get3A_101] {strides = array<i32>} : memref<80x64xf32, #tpu.memory_space<vmem>>, vector<1x16xf32>,
        %get3A_103 = vector.shape_cast %get3A_102 : vector<1x16xf32> to vector<16xf32>
        %get3A_104 = arith.index_cast %scan3A_98 : i32 to index
        %get3A_105 = arith.constant 0 : index
        %get3A_106 = tpu.vector_load %arg10[%get3A_104, %get3A_105] {strides = array<i32>} : memref<80x64xf32, #tpu.memory_space<vmem>>, vector<1x16xf32>,
        %get3A_107 = vector.shape_cast %get3A_106 : vector<1x16xf32> to vector<16xf32>
        %add3A_108 = arith.addf %get3A_103, %get3A_107 : vector<16xf32>
        %mul3A_109 = arith.constant 2.000000e-01 : f32
        %mul3A_110 = vector.broadcast %mul3A_109 : f32 to vector<16xf32>
        %mul3A_111 = arith.mulf %mul3A_110, %add3A_108 : vector<16xf32>
        %max3A = arith.maximumf %add3A_108, %mul3A_111 : vector<16xf32>
        %mul3A_112 = arith.mulf %max3A, %get3A_17 : vector<16xf32>
        %get3A_113 = arith.index_cast %scan3A_98 : i32 to index
        %get3A_114 = arith.constant 16 : index
        %get3A_115 = tpu.vector_load %arg9[%get3A_113, %get3A_114] {strides = array<i32>} : memref<80x64xf32, #tpu.memory_space<vmem>>, vector<1x16xf32>,
        %get3A_116 = vector.shape_cast %get3A_115 : vector<1x16xf32> to vector<16xf32>
        %get3A_117 = arith.index_cast %scan3A_98 : i32 to index
        %get3A_118 = arith.constant 16 : index
        %get3A_119 = tpu.vector_load %arg10[%get3A_117, %get3A_118] {strides = array<i32>} : memref<80x64xf32, #tpu.memory_space<vmem>>, vector<1x16xf32>,
        %get3A_120 = vector.shape_cast %get3A_119 : vector<1x16xf32> to vector<16xf32>
        %add3A_121 = arith.addf %get3A_116, %get3A_120 : vector<16xf32>
        %mul3A_122 = arith.constant 2.000000e-01 : f32
        %mul3A_123 = vector.broadcast %mul3A_122 : f32 to vector<16xf32>
        %mul3A_124 = arith.mulf %mul3A_123, %add3A_121 : vector<16xf32>
        %max3A_125 = arith.maximumf %add3A_121, %mul3A_124 : vector<16xf32>
        %mul3A_126 = arith.mulf %max3A_125, %get3A_22 : vector<16xf32>
        %get3A_127 = arith.index_cast %scan3A_98 : i32 to index
        %get3A_128 = arith.constant 32 : index
        %get3A_129 = tpu.vector_load %arg9[%get3A_127, %get3A_128] {strides = array<i32>} : memref<80x64xf32, #tpu.memory_space<vmem>>, vector<1x16xf32>,
        %get3A_130 = vector.shape_cast %get3A_129 : vector<1x16xf32> to vector<16xf32>
        %get3A_131 = arith.index_cast %scan3A_98 : i32 to index
        %get3A_132 = arith.constant 32 : index
        %get3A_133 = tpu.vector_load %arg10[%get3A_131, %get3A_132] {strides = array<i32>} : memref<80x64xf32, #tpu.memory_space<vmem>>, vector<1x16xf32>,
        %get3A_134 = vector.shape_cast %get3A_133 : vector<1x16xf32> to vector<16xf32>
        %add3A_135 = arith.addf %get3A_130, %get3A_134 : vector<16xf32>
        %mul3A_136 = arith.constant 2.000000e-01 : f32
        %mul3A_137 = vector.broadcast %mul3A_136 : f32 to vector<16xf32>
        %mul3A_138 = arith.mulf %mul3A_137, %add3A_135 : vector<16xf32>
        %max3A_139 = arith.maximumf %add3A_135, %mul3A_138 : vector<16xf32>
        %mul3A_140 = arith.mulf %max3A_139, %get3A_27 : vector<16xf32>
        %get3A_141 = arith.index_cast %scan3A_98 : i32 to index
        %get3A_142 = arith.constant 48 : index
        %get3A_143 = tpu.vector_load %arg9[%get3A_141, %get3A_142] {strides = array<i32>} : memref<80x64xf32, #tpu.memory_space<vmem>>, vector<1x16xf32>,
        %get3A_144 = vector.shape_cast %get3A_143 : vector<1x16xf32> to vector<16xf32>
        %get3A_145 = arith.index_cast %scan3A_98 : i32 to index
        %get3A_146 = arith.constant 48 : index
        %get3A_147 = tpu.vector_load %arg10[%get3A_145, %get3A_146] {strides = array<i32>} : memref<80x64xf32, #tpu.memory_space<vmem>>, vector<1x16xf32>,
        %get3A_148 = vector.shape_cast %get3A_147 : vector<1x16xf32> to vector<16xf32>
        %add3A_149 = arith.addf %get3A_144, %get3A_148 : vector<16xf32>
        %mul3A_150 = arith.constant 2.000000e-01 : f32
        %mul3A_151 = vector.broadcast %mul3A_150 : f32 to vector<16xf32>
        %mul3A_152 = arith.mulf %mul3A_151, %add3A_149 : vector<16xf32>
        %max3A_153 = arith.maximumf %add3A_149, %mul3A_152 : vector<16xf32>
        %mul3A_154 = arith.mulf %max3A_153, %get3A_32 : vector<16xf32>
        %add3A_155 = arith.constant 8 : i32
        %add3A_156 = vector.broadcast %add3A_155 : i32 to vector<16xi32>
        %add3A_157 = arith.addi %iota3A, %add3A_156 : vector<16xi32>
        %and3A_158 = arith.constant 15 : i32
        %and3A_159 = vector.broadcast %and3A_158 : i32 to vector<16xi32>
        %and3A_160 = arith.andi %add3A_157, %and3A_159 : vector<16xi32>
        %and3A_161 = arith.constant 8 : i32
        %and3A_162 = vector.broadcast %and3A_161 : i32 to vector<16xi32>
        %and3A_163 = arith.andi %iota3A, %and3A_162 : vector<16xi32>
        %add3A_164 = arith.constant 4 : i32
        %add3A_165 = vector.broadcast %add3A_164 : i32 to vector<16xi32>
        %add3A_166 = arith.addi %iota3A, %add3A_165 : vector<16xi32>
        %and3A_167 = arith.constant 7 : i32
        %and3A_168 = vector.broadcast %and3A_167 : i32 to vector<16xi32>
        %and3A_169 = arith.andi %add3A_166, %and3A_168 : vector<16xi32>
        %or3A_170 = arith.ori %and3A_163, %and3A_169 : vector<16xi32>
        %and3A_171 = arith.constant 12 : i32
        %and3A_172 = vector.broadcast %and3A_171 : i32 to vector<16xi32>
        %and3A_173 = arith.andi %iota3A, %and3A_172 : vector<16xi32>
        %add3A_174 = arith.constant 2 : i32
        %add3A_175 = vector.broadcast %add3A_174 : i32 to vector<16xi32>
        %add3A_176 = arith.addi %iota3A, %add3A_175 : vector<16xi32>
        %and3A_177 = arith.constant 3 : i32
        %and3A_178 = vector.broadcast %and3A_177 : i32 to vector<16xi32>
        %and3A_179 = arith.andi %add3A_176, %and3A_178 : vector<16xi32>
        %or3A_180 = arith.ori %and3A_173, %and3A_179 : vector<16xi32>
        %and3A_181 = arith.constant 14 : i32
        %and3A_182 = vector.broadcast %and3A_181 : i32 to vector<16xi32>
        %and3A_183 = arith.andi %iota3A, %and3A_182 : vector<16xi32>
        %add3A_184 = arith.constant 1 : i32
        %add3A_185 = vector.broadcast %add3A_184 : i32 to vector<16xi32>
        %add3A_186 = arith.addi %iota3A, %add3A_185 : vector<16xi32>
        %and3A_187 = arith.constant 1 : i32
        %and3A_188 = vector.broadcast %and3A_187 : i32 to vector<16xi32>
        %and3A_189 = arith.andi %add3A_186, %and3A_188 : vector<16xi32>
        %or3A_190 = arith.ori %and3A_183, %and3A_189 : vector<16xi32>
        %lt3A = arith.constant 8 : i32
        %lt3A_191 = vector.broadcast %lt3A : i32 to vector<16xi32>
        %lt3A_192 = arith.cmpi slt, %iota3A, %lt3A_191 : vector<16xi32>
        %and3A_193 = arith.constant 4 : i32
        %and3A_194 = vector.broadcast %and3A_193 : i32 to vector<16xi32>
        %and3A_195 = arith.andi %iota3A, %and3A_194 : vector<16xi32>
        %eq3A = arith.constant 0 : i32
        %eq3A_196 = vector.broadcast %eq3A : i32 to vector<16xi32>
        %eq3A_197 = arith.cmpi eq, %and3A_195, %eq3A_196 : vector<16xi32>
        %broadcast_in_dim3A_198 = vector.shape_cast %and3A_160 : vector<16xi32> to vector<16x1xi32>
        %gather3A = vector.shape_cast %broadcast_in_dim3A_198 : vector<16x1xi32> to vector<16xi32>
        %gather3A_199 = tpu.dynamic_gather %mul3A_112[%gather3A] in [0] : vector<16xf32>, vector<16xi32> -> vector<16xf32>
        %add3A_200 = arith.addf %mul3A_112, %gather3A_199 : vector<16xf32>
        %broadcast_in_dim3A_201 = vector.shape_cast %and3A_160 : vector<16xi32> to vector<16x1xi32>
        %gather3A_202 = vector.shape_cast %broadcast_in_dim3A_201 : vector<16x1xi32> to vector<16xi32>
        %gather3A_203 = tpu.dynamic_gather %mul3A_126[%gather3A_202] in [0] : vector<16xf32>, vector<16xi32> -> vector<16xf32>
        %add3A_204 = arith.addf %mul3A_126, %gather3A_203 : vector<16xf32>
        %broadcast_in_dim3A_205 = vector.shape_cast %and3A_160 : vector<16xi32> to vector<16x1xi32>
        %gather3A_206 = vector.shape_cast %broadcast_in_dim3A_205 : vector<16x1xi32> to vector<16xi32>
        %gather3A_207 = tpu.dynamic_gather %mul3A_140[%gather3A_206] in [0] : vector<16xf32>, vector<16xi32> -> vector<16xf32>
        %add3A_208 = arith.addf %mul3A_140, %gather3A_207 : vector<16xf32>
        %broadcast_in_dim3A_209 = vector.shape_cast %and3A_160 : vector<16xi32> to vector<16x1xi32>
        %gather3A_210 = vector.shape_cast %broadcast_in_dim3A_209 : vector<16x1xi32> to vector<16xi32>
        %gather3A_211 = tpu.dynamic_gather %mul3A_154[%gather3A_210] in [0] : vector<16xf32>, vector<16xi32> -> vector<16xf32>
        %add3A_212 = arith.addf %mul3A_154, %gather3A_211 : vector<16xf32>
        %broadcast_in_dim3A_213 = vector.shape_cast %and3A_160 : vector<16xi32> to vector<16x1xi32>
        %gather3A_214 = vector.shape_cast %broadcast_in_dim3A_213 : vector<16x1xi32> to vector<16xi32>
        %gather3A_215 = tpu.dynamic_gather %add3A_204[%gather3A_214] in [0] : vector<16xf32>, vector<16xi32> -> vector<16xf32>
        %select_n3A = arith.select %lt3A_192, %add3A_200, %gather3A_215 : vector<16xi1>, vector<16xf32>
        %broadcast_in_dim3A_216 = vector.shape_cast %and3A_160 : vector<16xi32> to vector<16x1xi32>
        %gather3A_217 = vector.shape_cast %broadcast_in_dim3A_216 : vector<16x1xi32> to vector<16xi32>
        %gather3A_218 = tpu.dynamic_gather %add3A_212[%gather3A_217] in [0] : vector<16xf32>, vector<16xi32> -> vector<16xf32>
        %select_n3A_219 = arith.select %lt3A_192, %add3A_208, %gather3A_218 : vector<16xi1>, vector<16xf32>
        %broadcast_in_dim3A_220 = vector.shape_cast %or3A_170 : vector<16xi32> to vector<16x1xi32>
        %gather3A_221 = vector.shape_cast %broadcast_in_dim3A_220 : vector<16x1xi32> to vector<16xi32>
        %gather3A_222 = tpu.dynamic_gather %select_n3A[%gather3A_221] in [0] : vector<16xf32>, vector<16xi32> -> vector<16xf32>
        %add3A_223 = arith.addf %select_n3A, %gather3A_222 : vector<16xf32>
        %broadcast_in_dim3A_224 = vector.shape_cast %or3A_170 : vector<16xi32> to vector<16x1xi32>
        %gather3A_225 = vector.shape_cast %broadcast_in_dim3A_224 : vector<16x1xi32> to vector<16xi32>
        %gather3A_226 = tpu.dynamic_gather %select_n3A_219[%gather3A_225] in [0] : vector<16xf32>, vector<16xi32> -> vector<16xf32>
        %add3A_227 = arith.addf %select_n3A_219, %gather3A_226 : vector<16xf32>
        %broadcast_in_dim3A_228 = vector.shape_cast %or3A_170 : vector<16xi32> to vector<16x1xi32>
        %gather3A_229 = vector.shape_cast %broadcast_in_dim3A_228 : vector<16x1xi32> to vector<16xi32>
        %gather3A_230 = tpu.dynamic_gather %add3A_227[%gather3A_229] in [0] : vector<16xf32>, vector<16xi32> -> vector<16xf32>
        %select_n3A_231 = arith.select %eq3A_197, %add3A_223, %gather3A_230 : vector<16xi1>, vector<16xf32>
        %broadcast_in_dim3A_232 = vector.shape_cast %or3A_180 : vector<16xi32> to vector<16x1xi32>
        %gather3A_233 = vector.shape_cast %broadcast_in_dim3A_232 : vector<16x1xi32> to vector<16xi32>
        %gather3A_234 = tpu.dynamic_gather %select_n3A_231[%gather3A_233] in [0] : vector<16xf32>, vector<16xi32> -> vector<16xf32>
        %add3A_235 = arith.addf %select_n3A_231, %gather3A_234 : vector<16xf32>
        %broadcast_in_dim3A_236 = vector.shape_cast %or3A_190 : vector<16xi32> to vector<16x1xi32>
        %gather3A_237 = vector.shape_cast %broadcast_in_dim3A_236 : vector<16x1xi32> to vector<16xi32>
        %gather3A_238 = tpu.dynamic_gather %add3A_235[%gather3A_237] in [0] : vector<16xf32>, vector<16xi32> -> vector<16xf32>
        %add3A_239 = arith.addf %add3A_235, %gather3A_238 : vector<16xf32>
        %exp3A = math.exp %add3A_239 : vector<16xf32>
        %broadcast_in_dim3A_240 = vector.shape_cast %or3A : vector<16xi32> to vector<16x1xi32>
        %gather3A_241 = vector.shape_cast %broadcast_in_dim3A_240 : vector<16x1xi32> to vector<16xi32>
        %gather3A_242 = tpu.dynamic_gather %exp3A[%gather3A_241] in [0] : vector<16xf32>, vector<16xi32> -> vector<16xf32>
        %swap3A = arith.index_cast %scan3A_98 : i32 to index
        %swap3A_243 = arith.constant 0 : index
        %swap3A_244 = tpu.vector_load %arg11[%swap3A, %swap3A_243] {strides = array<i32>} : memref<80x16xf32, #tpu.memory_space<vmem>>, vector<1x16xf32>,
        %swap3A_245 = vector.shape_cast %swap3A_244 : vector<1x16xf32> to vector<16xf32>
        %swap3A_246 = vector.shape_cast %gather3A_242 : vector<16xf32> to vector<1x16xf32>
        tpu.vector_store %arg11[%swap3A, %swap3A_243], %swap3A_246 {strides = array<i32>} : memref<80x16xf32, #tpu.memory_space<vmem>>, vector<1x16xf32>,
        %broadcast_in_dim3A_247 = vector.shape_cast %broadcast_in_dim3A_83 : vector<16xi32> to vector<16x1xi32>
        %gather3A_248 = vector.shape_cast %broadcast_in_dim3A_247 : vector<16x1xi32> to vector<16xi32>
        %gather3A_249 = tpu.dynamic_gather %exp3A[%gather3A_248] in [0] : vector<16xf32>, vector<16xi32> -> vector<16xf32>
        %mul3A_250 = arith.mulf %get3A_103, %gather3A_249 : vector<16xf32>
        %swap3A_251 = arith.index_cast %scan3A_98 : i32 to index
        %swap3A_252 = arith.constant 0 : index
        %swap3A_253 = tpu.vector_load %arg9[%swap3A_251, %swap3A_252] {strides = array<i32>} : memref<80x64xf32, #tpu.memory_space<vmem>>, vector<1x16xf32>,
        %swap3A_254 = vector.shape_cast %swap3A_253 : vector<1x16xf32> to vector<16xf32>
        %swap3A_255 = vector.shape_cast %mul3A_250 : vector<16xf32> to vector<1x16xf32>
        tpu.vector_store %arg9[%swap3A_251, %swap3A_252], %swap3A_255 {strides = array<i32>} : memref<80x64xf32, #tpu.memory_space<vmem>>, vector<1x16xf32>,
        %broadcast_in_dim3A_256 = vector.shape_cast %broadcast_in_dim3A_85 : vector<16xi32> to vector<16x1xi32>
        %gather3A_257 = vector.shape_cast %broadcast_in_dim3A_256 : vector<16x1xi32> to vector<16xi32>
        %gather3A_258 = tpu.dynamic_gather %exp3A[%gather3A_257] in [0] : vector<16xf32>, vector<16xi32> -> vector<16xf32>
        %mul3A_259 = arith.mulf %get3A_116, %gather3A_258 : vector<16xf32>
        %swap3A_260 = arith.index_cast %scan3A_98 : i32 to index
        %swap3A_261 = arith.constant 16 : index
        %swap3A_262 = tpu.vector_load %arg9[%swap3A_260, %swap3A_261] {strides = array<i32>} : memref<80x64xf32, #tpu.memory_space<vmem>>, vector<1x16xf32>,
        %swap3A_263 = vector.shape_cast %swap3A_262 : vector<1x16xf32> to vector<16xf32>
        %swap3A_264 = vector.shape_cast %mul3A_259 : vector<16xf32> to vector<1x16xf32>
        tpu.vector_store %arg9[%swap3A_260, %swap3A_261], %swap3A_264 {strides = array<i32>} : memref<80x64xf32, #tpu.memory_space<vmem>>, vector<1x16xf32>,
        %broadcast_in_dim3A_265 = vector.shape_cast %broadcast_in_dim3A_87 : vector<16xi32> to vector<16x1xi32>
        %gather3A_266 = vector.shape_cast %broadcast_in_dim3A_265 : vector<16x1xi32> to vector<16xi32>
        %gather3A_267 = tpu.dynamic_gather %exp3A[%gather3A_266] in [0] : vector<16xf32>, vector<16xi32> -> vector<16xf32>
        %mul3A_268 = arith.mulf %get3A_130, %gather3A_267 : vector<16xf32>
        %swap3A_269 = arith.index_cast %scan3A_98 : i32 to index
        %swap3A_270 = arith.constant 32 : index
        %swap3A_271 = tpu.vector_load %arg9[%swap3A_269, %swap3A_270] {strides = array<i32>} : memref<80x64xf32, #tpu.memory_space<vmem>>, vector<1x16xf32>,
        %swap3A_272 = vector.shape_cast %swap3A_271 : vector<1x16xf32> to vector<16xf32>
        %swap3A_273 = vector.shape_cast %mul3A_268 : vector<16xf32> to vector<1x16xf32>
        tpu.vector_store %arg9[%swap3A_269, %swap3A_270], %swap3A_273 {strides = array<i32>} : memref<80x64xf32, #tpu.memory_space<vmem>>, vector<1x16xf32>,
        %broadcast_in_dim3A_274 = vector.shape_cast %broadcast_in_dim3A_89 : vector<16xi32> to vector<16x1xi32>
        %gather3A_275 = vector.shape_cast %broadcast_in_dim3A_274 : vector<16x1xi32> to vector<16xi32>
        %gather3A_276 = tpu.dynamic_gather %exp3A[%gather3A_275] in [0] : vector<16xf32>, vector<16xi32> -> vector<16xf32>
        %mul3A_277 = arith.mulf %get3A_144, %gather3A_276 : vector<16xf32>
        %swap3A_278 = arith.index_cast %scan3A_98 : i32 to index
        %swap3A_279 = arith.constant 48 : index
        %swap3A_280 = tpu.vector_load %arg9[%swap3A_278, %swap3A_279] {strides = array<i32>} : memref<80x64xf32, #tpu.memory_space<vmem>>, vector<1x16xf32>,
        %swap3A_281 = vector.shape_cast %swap3A_280 : vector<1x16xf32> to vector<16xf32>
        %swap3A_282 = vector.shape_cast %mul3A_277 : vector<16xf32> to vector<1x16xf32>
        tpu.vector_store %arg9[%swap3A_278, %swap3A_279], %swap3A_282 {strides = array<i32>} : memref<80x64xf32, #tpu.memory_space<vmem>>, vector<1x16xf32>,
        %scan3A_283 = arith.constant 0 : i32
        scf.yield %scan3A_283 : i32
      }
      %scan3A_96 = arith.constant 80 : i32
      "tpu.region"() ({
        %run_scoped3A = tpu.sem_alloc : memref<!tpu.dma_semaphore, #tpu.memory_space<semaphore_mem>>
        %dma_start3A_98 = arith.constant 0 : i32
        %dma_start3A_99 = tpu.memref_slice %arg13[%scan3A_48, %dma_start3A_98] : memref<125x80xi32, #tpu.memory_space<vmem>> -> memref<1x80xi32, #tpu.memory_space<vmem>>
        %dma_start3A_100 = tpu.memref_squeeze %dma_start3A_99 : memref<1x80xi32, #tpu.memory_space<vmem>> -> memref<80xi32, #tpu.memory_space<vmem>>
        %dma_start3A_101 = arith.constant 0 : i32
        %dma_start3A_102 = arith.constant 0 : i32
        %dma_start3A_103 = tpu.memref_slice %arg15[%dma_start3A_101, %dma_start3A_102] : memref<10240x64xf32, #tpu.memory_space<vmem_shared>> -> memref<10240x64xf32, #tpu.memory_space<vmem_shared>>
        tpu.enqueue_indirect_dma source(%arg9 : memref<80x64xf32, #tpu.memory_space<vmem>>) target(%dma_start3A_103 : memref<10240x64xf32, #tpu.memory_space<vmem_shared>>) offsets(%dma_start3A_100 : memref<80xi32, #tpu.memory_space<vmem>>) semaphore(%run_scoped3A : memref<!tpu.dma_semaphore, #tpu.memory_space<semaphore_mem>>) {add = true}
        %dma_wait3A_104 = arith.constant 0 : i32
        %dma_wait3A_105 = tpu.memref_slice %arg13[%scan3A_48, %dma_wait3A_104] : memref<125x80xi32, #tpu.memory_space<vmem>> -> memref<1x80xi32, #tpu.memory_space<vmem>>
        %dma_wait3A_106 = tpu.memref_squeeze %dma_wait3A_105 : memref<1x80xi32, #tpu.memory_space<vmem>> -> memref<80xi32, #tpu.memory_space<vmem>>
        %dma_wait3A_107 = arith.constant 0 : i32
        %dma_wait3A_108 = arith.constant 0 : i32
        %dma_wait3A_109 = tpu.memref_slice %arg15[%dma_wait3A_107, %dma_wait3A_108] : memref<10240x64xf32, #tpu.memory_space<vmem_shared>> -> memref<10240x64xf32, #tpu.memory_space<vmem_shared>>
        tpu.wait_indirect_dma semaphore(%run_scoped3A : memref<!tpu.dma_semaphore, #tpu.memory_space<semaphore_mem>>) src(%arg9 : memref<80x64xf32, #tpu.memory_space<vmem>>) dst(%dma_wait3A_109 : memref<10240x64xf32, #tpu.memory_space<vmem_shared>>)
        tpu.yield
      }) : () -> ()
      "tpu.region"() ({
        %run_scoped3A = tpu.sem_alloc : memref<!tpu.dma_semaphore, #tpu.memory_space<semaphore_mem>>
        %dma_start3A_98 = arith.constant 0 : i32
        %dma_start3A_99 = tpu.memref_slice %arg13[%scan3A_48, %dma_start3A_98] : memref<125x80xi32, #tpu.memory_space<vmem>> -> memref<1x80xi32, #tpu.memory_space<vmem>>
        %dma_start3A_100 = tpu.memref_squeeze %dma_start3A_99 : memref<1x80xi32, #tpu.memory_space<vmem>> -> memref<80xi32, #tpu.memory_space<vmem>>
        %dma_start3A_101 = arith.constant 0 : i32
        %dma_start3A_102 = arith.constant 0 : i32
        %dma_start3A_103 = tpu.memref_slice %arg16[%dma_start3A_101, %dma_start3A_102] : memref<10240x16xf32, #tpu.memory_space<vmem_shared>> -> memref<10240x16xf32, #tpu.memory_space<vmem_shared>>
        tpu.enqueue_indirect_dma source(%arg11 : memref<80x16xf32, #tpu.memory_space<vmem>>) target(%dma_start3A_103 : memref<10240x16xf32, #tpu.memory_space<vmem_shared>>) offsets(%dma_start3A_100 : memref<80xi32, #tpu.memory_space<vmem>>) semaphore(%run_scoped3A : memref<!tpu.dma_semaphore, #tpu.memory_space<semaphore_mem>>) {add = true}
        %dma_wait3A_104 = arith.constant 0 : i32
        %dma_wait3A_105 = tpu.memref_slice %arg13[%scan3A_48, %dma_wait3A_104] : memref<125x80xi32, #tpu.memory_space<vmem>> -> memref<1x80xi32, #tpu.memory_space<vmem>>
        %dma_wait3A_106 = tpu.memref_squeeze %dma_wait3A_105 : memref<1x80xi32, #tpu.memory_space<vmem>> -> memref<80xi32, #tpu.memory_space<vmem>>
        %dma_wait3A_107 = arith.constant 0 : i32
        %dma_wait3A_108 = arith.constant 0 : i32
        %dma_wait3A_109 = tpu.memref_slice %arg16[%dma_wait3A_107, %dma_wait3A_108] : memref<10240x16xf32, #tpu.memory_space<vmem_shared>> -> memref<10240x16xf32, #tpu.memory_space<vmem_shared>>
        tpu.wait_indirect_dma semaphore(%run_scoped3A : memref<!tpu.dma_semaphore, #tpu.memory_space<semaphore_mem>>) src(%arg11 : memref<80x16xf32, #tpu.memory_space<vmem>>) dst(%dma_wait3A_109 : memref<10240x16xf32, #tpu.memory_space<vmem_shared>>)
        tpu.yield
      }) : () -> ()
      %scan3A_97 = arith.constant 0 : i32
      scf.yield %scan3A_97 : i32
    }
    %scan3A_39 = arith.constant 125 : i32
    %barrier3A_40 = arith.constant 0 : index
    tpu.barrier barrier_id(%barrier3A_40)
    %scan3A_41 = arith.constant 0 : i32
    %scan3A_42 = arith.constant 0 : i32
    %scan3A_43 = arith.constant 8 : i32
    %scan3A_44 = arith.addi %scan3A_42, %scan3A_43 : i32
    %scan3A_45 = arith.constant 1 : i32
    %scan3A_46 = scf.for %scan3A_48 = %scan3A_42 to %scan3A_44 step %scan3A_45 iter_args(%scan3A_49 = %scan3A_41) -> (i32)  : i32 {
      %mul3A_50 = arith.constant 640 : i32
      %mul3A_51 = arith.muli %arg1, %mul3A_50 : i32
      %mul3A_52 = arith.constant 80 : i32
      %mul3A_53 = arith.muli %scan3A_48, %mul3A_52 : i32
      %add3A_54 = arith.addi %mul3A_51, %mul3A_53 : i32
      "tpu.region"() ({
        %run_scoped3A = tpu.sem_alloc : memref<!tpu.dma_semaphore, #tpu.memory_space<semaphore_mem>>
        %dma_start3A = arith.constant 0 : i32
        %dma_start3A_56 = arith.constant 0 : i32
        %dma_start3A_57 = tpu.memref_slice %arg7[%arg0, %dma_start3A, %dma_start3A_56] : memref<2x10240x64xf32, #tpu.memory_space<hbm>> -> memref<1x10240x64xf32, #tpu.memory_space<hbm>>
        %dma_start3A_58 = tpu.memref_squeeze %dma_start3A_57 : memref<1x10240x64xf32, #tpu.memory_space<hbm>> -> memref<10240x64xf32, #tpu.memory_space<hbm>>
        %dma_start3A_59 = arith.constant 0 : i32
        %dma_start3A_60 = tpu.memref_slice %dma_start3A_58[%add3A_54, %dma_start3A_59] : memref<10240x64xf32, #tpu.memory_space<hbm>> -> memref<80x64xf32, #tpu.memory_space<hbm>>
        %dma_start3A_61 = arith.constant 0 : i32
        %dma_start3A_62 = tpu.memref_slice %arg15[%add3A_54, %dma_start3A_61] : memref<10240x64xf32, #tpu.memory_space<vmem_shared>> -> memref<80x64xf32, #tpu.memory_space<vmem_shared>>
        tpu.enqueue_dma source(%dma_start3A_62 : memref<80x64xf32, #tpu.memory_space<vmem_shared>>) target(%dma_start3A_60 : memref<80x64xf32, #tpu.memory_space<hbm>>) target_semaphore(%run_scoped3A : memref<!tpu.dma_semaphore, #tpu.memory_space<semaphore_mem>>)
        %dma_wait3A = arith.constant 0 : i32
        %dma_wait3A_63 = arith.constant 0 : i32
        %dma_wait3A_64 = tpu.memref_slice %arg7[%arg0, %dma_wait3A, %dma_wait3A_63] : memref<2x10240x64xf32, #tpu.memory_space<hbm>> -> memref<1x10240x64xf32, #tpu.memory_space<hbm>>
        %dma_wait3A_65 = tpu.memref_squeeze %dma_wait3A_64 : memref<1x10240x64xf32, #tpu.memory_space<hbm>> -> memref<10240x64xf32, #tpu.memory_space<hbm>>
        %dma_wait3A_66 = arith.constant 0 : i32
        %dma_wait3A_67 = tpu.memref_slice %dma_wait3A_65[%add3A_54, %dma_wait3A_66] : memref<10240x64xf32, #tpu.memory_space<hbm>> -> memref<80x64xf32, #tpu.memory_space<hbm>>
        %dma_wait3A_68 = arith.constant 0 : i32
        %dma_wait3A_69 = tpu.memref_slice %arg15[%add3A_54, %dma_wait3A_68] : memref<10240x64xf32, #tpu.memory_space<vmem_shared>> -> memref<80x64xf32, #tpu.memory_space<vmem_shared>>
        tpu.wait_dma2 semaphore(%run_scoped3A : memref<!tpu.dma_semaphore, #tpu.memory_space<semaphore_mem>>) src(%dma_wait3A_69 : memref<80x64xf32, #tpu.memory_space<vmem_shared>>) dst(%dma_wait3A_67 : memref<80x64xf32, #tpu.memory_space<hbm>>)
        tpu.yield
      }) : () -> ()
      "tpu.region"() ({
        %run_scoped3A = tpu.sem_alloc : memref<!tpu.dma_semaphore, #tpu.memory_space<semaphore_mem>>
        %dma_start3A = arith.constant 0 : i32
        %dma_start3A_56 = arith.constant 0 : i32
        %dma_start3A_57 = tpu.memref_slice %arg8[%arg0, %dma_start3A, %dma_start3A_56] : memref<2x10240x16xf32, #tpu.memory_space<hbm>> -> memref<1x10240x16xf32, #tpu.memory_space<hbm>>
        %dma_start3A_58 = tpu.memref_squeeze %dma_start3A_57 : memref<1x10240x16xf32, #tpu.memory_space<hbm>> -> memref<10240x16xf32, #tpu.memory_space<hbm>>
        %dma_start3A_59 = arith.constant 0 : i32
        %dma_start3A_60 = tpu.memref_slice %dma_start3A_58[%add3A_54, %dma_start3A_59] : memref<10240x16xf32, #tpu.memory_space<hbm>> -> memref<80x16xf32, #tpu.memory_space<hbm>>
        %dma_start3A_61 = arith.constant 0 : i32
        %dma_start3A_62 = tpu.memref_slice %arg16[%add3A_54, %dma_start3A_61] : memref<10240x16xf32, #tpu.memory_space<vmem_shared>> -> memref<80x16xf32, #tpu.memory_space<vmem_shared>>
        tpu.enqueue_dma source(%dma_start3A_62 : memref<80x16xf32, #tpu.memory_space<vmem_shared>>) target(%dma_start3A_60 : memref<80x16xf32, #tpu.memory_space<hbm>>) target_semaphore(%run_scoped3A : memref<!tpu.dma_semaphore, #tpu.memory_space<semaphore_mem>>)
        %dma_wait3A = arith.constant 0 : i32
        %dma_wait3A_63 = arith.constant 0 : i32
        %dma_wait3A_64 = tpu.memref_slice %arg8[%arg0, %dma_wait3A, %dma_wait3A_63] : memref<2x10240x16xf32, #tpu.memory_space<hbm>> -> memref<1x10240x16xf32, #tpu.memory_space<hbm>>
        %dma_wait3A_65 = tpu.memref_squeeze %dma_wait3A_64 : memref<1x10240x16xf32, #tpu.memory_space<hbm>> -> memref<10240x16xf32, #tpu.memory_space<hbm>>
        %dma_wait3A_66 = arith.constant 0 : i32
        %dma_wait3A_67 = tpu.memref_slice %dma_wait3A_65[%add3A_54, %dma_wait3A_66] : memref<10240x16xf32, #tpu.memory_space<hbm>> -> memref<80x16xf32, #tpu.memory_space<hbm>>
        %dma_wait3A_68 = arith.constant 0 : i32
        %dma_wait3A_69 = tpu.memref_slice %arg16[%add3A_54, %dma_wait3A_68] : memref<10240x16xf32, #tpu.memory_space<vmem_shared>> -> memref<80x16xf32, #tpu.memory_space<vmem_shared>>
        tpu.wait_dma2 semaphore(%run_scoped3A : memref<!tpu.dma_semaphore, #tpu.memory_space<semaphore_mem>>) src(%dma_wait3A_69 : memref<80x16xf32, #tpu.memory_space<vmem_shared>>) dst(%dma_wait3A_67 : memref<80x16xf32, #tpu.memory_space<hbm>>)
        tpu.yield
      }) : () -> ()
      %scan3A_55 = arith.constant 0 : i32
      scf.yield %scan3A_55 : i32
    }
    %scan3A_47 = arith.constant 8 : i32
    return
  }
}

#map = affine_map<(d0, d1) -> (0, 0)>
#map1 = affine_map<(d0, d1) -> (0, 0, 0)>
module attributes {stable_mosaic.version = 14 : i64} {
  func.func @_edge_kernel_body(%arg0: i32, %arg1: i32, %arg2: memref<10240x64xf32, #tpu.memory_space<hbm>>, %arg3: memref<10240x64xf32, #tpu.memory_space<hbm>>, %arg4: memref<32x125x80xi32, #tpu.memory_space<hbm>>, %arg5: memref<32x125x80xi32, #tpu.memory_space<hbm>>, %arg6: memref<4x16xf32, #tpu.memory_space<hbm>>, %arg7: memref<2x10240x64xf32, #tpu.memory_space<hbm>>, %arg8: memref<2x10240x16xf32, #tpu.memory_space<hbm>>, %arg9: memref<80x64xf32, #tpu.memory_space<vmem>>, %arg10: memref<80x64xf32, #tpu.memory_space<vmem>>, %arg11: memref<80x16xf32, #tpu.memory_space<vmem>>, %arg12: memref<125x80xi32, #tpu.memory_space<vmem>>, %arg13: memref<125x80xi32, #tpu.memory_space<vmem>>, %arg14: memref<4x16xf32, #tpu.memory_space<vmem>>, %arg15: memref<10240x64xf32, #tpu.memory_space<vmem_shared>>, %arg16: memref<10240x16xf32, #tpu.memory_space<vmem_shared>>, %arg17: memref<!tpu.dma_semaphore, #tpu.memory_space<semaphore_mem>>, %arg18: memref<!tpu.dma_semaphore, #tpu.memory_space<semaphore_mem>>) attributes {dimension_semantics = [#tpu.dimension_semantics<core_parallel>, #tpu.dimension_semantics<subcore_parallel>], iteration_bounds = array<i64: 2, 16>, scalar_prefetch = 0 : i64, scratch_operands = 10 : i64, tpu.core_type = #tpu.core_type<sc_vector_subcore>, window_params = [{transform_indices = #map}, {transform_indices = #map}, {transform_indices = #map1}, {transform_indices = #map1}, {transform_indices = #map}, {transform_indices = #map1}, {transform_indices = #map1}]} {
    %mul3A = arith.constant 2 : i32
    %mul3A_0 = arith.muli %arg1, %mul3A : i32
    %add3A = arith.addi %mul3A_0, %arg0 : i32
    %scan3A = arith.constant 0 : i32
    %scan3A_1 = arith.constant 0 : i32
    %scan3A_2 = arith.constant 80 : i32
    %scan3A_3 = arith.addi %scan3A_1, %scan3A_2 : i32
    %scan3A_4 = arith.constant 1 : i32
    %scan3A_5 = scf.for %scan3A_48 = %scan3A_1 to %scan3A_3 step %scan3A_4 iter_args(%scan3A_49 = %scan3A) -> (i32)  : i32 {
      %broadcast_in_dim3A = arith.constant 0.000000e+00 : f32
      %broadcast_in_dim3A_50 = vector.broadcast %broadcast_in_dim3A : f32 to vector<16xf32>
      %swap3A = arith.index_cast %scan3A_48 : i32 to index
      %swap3A_51 = arith.constant 0 : index
      %swap3A_52 = tpu.vector_load %arg9[%swap3A, %swap3A_51] {strides = array<i32>} : memref<80x64xf32, #tpu.memory_space<vmem>>, vector<1x16xf32>,
      %swap3A_53 = vector.shape_cast %swap3A_52 : vector<1x16xf32> to vector<16xf32>
      %swap3A_54 = vector.shape_cast %broadcast_in_dim3A_50 : vector<16xf32> to vector<1x16xf32>
      tpu.vector_store %arg9[%swap3A, %swap3A_51], %swap3A_54 {strides = array<i32>} : memref<80x64xf32, #tpu.memory_space<vmem>>, vector<1x16xf32>,
      %broadcast_in_dim3A_55 = arith.constant 0.000000e+00 : f32
      %broadcast_in_dim3A_56 = vector.broadcast %broadcast_in_dim3A_55 : f32 to vector<16xf32>
      %swap3A_57 = arith.index_cast %scan3A_48 : i32 to index
      %swap3A_58 = arith.constant 16 : index
      %swap3A_59 = tpu.vector_load %arg9[%swap3A_57, %swap3A_58] {strides = array<i32>} : memref<80x64xf32, #tpu.memory_space<vmem>>, vector<1x16xf32>,
      %swap3A_60 = vector.shape_cast %swap3A_59 : vector<1x16xf32> to vector<16xf32>
      %swap3A_61 = vector.shape_cast %broadcast_in_dim3A_56 : vector<16xf32> to vector<1x16xf32>
      tpu.vector_store %arg9[%swap3A_57, %swap3A_58], %swap3A_61 {strides = array<i32>} : memref<80x64xf32, #tpu.memory_space<vmem>>, vector<1x16xf32>,
      %broadcast_in_dim3A_62 = arith.constant 0.000000e+00 : f32
      %broadcast_in_dim3A_63 = vector.broadcast %broadcast_in_dim3A_62 : f32 to vector<16xf32>
      %swap3A_64 = arith.index_cast %scan3A_48 : i32 to index
      %swap3A_65 = arith.constant 32 : index
      %swap3A_66 = tpu.vector_load %arg9[%swap3A_64, %swap3A_65] {strides = array<i32>} : memref<80x64xf32, #tpu.memory_space<vmem>>, vector<1x16xf32>,
      %swap3A_67 = vector.shape_cast %swap3A_66 : vector<1x16xf32> to vector<16xf32>
      %swap3A_68 = vector.shape_cast %broadcast_in_dim3A_63 : vector<16xf32> to vector<1x16xf32>
      tpu.vector_store %arg9[%swap3A_64, %swap3A_65], %swap3A_68 {strides = array<i32>} : memref<80x64xf32, #tpu.memory_space<vmem>>, vector<1x16xf32>,
      %broadcast_in_dim3A_69 = arith.constant 0.000000e+00 : f32
      %broadcast_in_dim3A_70 = vector.broadcast %broadcast_in_dim3A_69 : f32 to vector<16xf32>
      %swap3A_71 = arith.index_cast %scan3A_48 : i32 to index
      %swap3A_72 = arith.constant 48 : index
      %swap3A_73 = tpu.vector_load %arg9[%swap3A_71, %swap3A_72] {strides = array<i32>} : memref<80x64xf32, #tpu.memory_space<vmem>>, vector<1x16xf32>,
      %swap3A_74 = vector.shape_cast %swap3A_73 : vector<1x16xf32> to vector<16xf32>
      %swap3A_75 = vector.shape_cast %broadcast_in_dim3A_70 : vector<16xf32> to vector<1x16xf32>
      tpu.vector_store %arg9[%swap3A_71, %swap3A_72], %swap3A_75 {strides = array<i32>} : memref<80x64xf32, #tpu.memory_space<vmem>>, vector<1x16xf32>,
      %broadcast_in_dim3A_76 = arith.constant 0.000000e+00 : f32
      %broadcast_in_dim3A_77 = vector.broadcast %broadcast_in_dim3A_76 : f32 to vector<16xf32>
      %swap3A_78 = arith.index_cast %scan3A_48 : i32 to index
      %swap3A_79 = arith.constant 0 : index
      %swap3A_80 = tpu.vector_load %arg11[%swap3A_78, %swap3A_79] {strides = array<i32>} : memref<80x16xf32, #tpu.memory_space<vmem>>, vector<1x16xf32>,
      %swap3A_81 = vector.shape_cast %swap3A_80 : vector<1x16xf32> to vector<16xf32>
      %swap3A_82 = vector.shape_cast %broadcast_in_dim3A_77 : vector<16xf32> to vector<1x16xf32>
      tpu.vector_store %arg11[%swap3A_78, %swap3A_79], %swap3A_82 {strides = array<i32>} : memref<80x16xf32, #tpu.memory_space<vmem>>, vector<1x16xf32>,
      %scan3A_83 = arith.constant 0 : i32
      scf.yield %scan3A_83 : i32
    }
    %scan3A_6 = arith.constant 80 : i32
    %scan3A_7 = arith.constant 0 : i32
    %scan3A_8 = arith.constant 0 : i32
    %scan3A_9 = arith.constant 8 : i32
    %scan3A_10 = arith.addi %scan3A_8, %scan3A_9 : i32
    %scan3A_11 = arith.constant 1 : i32
    %scan3A_12 = scf.for %scan3A_48 = %scan3A_8 to %scan3A_10 step %scan3A_11 iter_args(%scan3A_49 = %scan3A_7) -> (i32)  : i32 {
      %mul3A_50 = arith.constant 640 : i32
      %mul3A_51 = arith.muli %arg1, %mul3A_50 : i32
      %mul3A_52 = arith.constant 80 : i32
      %mul3A_53 = arith.muli %scan3A_48, %mul3A_52 : i32
      %add3A_54 = arith.addi %mul3A_51, %mul3A_53 : i32
      "tpu.region"() ({
        %run_scoped3A = tpu.sem_alloc : memref<!tpu.dma_semaphore, #tpu.memory_space<semaphore_mem>>
        %dma_start3A = arith.constant 0 : i32
        %dma_start3A_56 = tpu.memref_slice %arg15[%add3A_54, %dma_start3A] : memref<10240x64xf32, #tpu.memory_space<vmem_shared>> -> memref<80x64xf32, #tpu.memory_space<vmem_shared>>
        %dma_start3A_57 = arith.constant 0 : i32
        %dma_start3A_58 = tpu.memref_slice %arg15[%add3A_54, %dma_start3A_57] : memref<10240x64xf32, #tpu.memory_space<vmem_shared>> -> memref<80x64xf32, #tpu.memory_space<vmem_shared>>
        tpu.enqueue_dma source(%arg9 : memref<80x64xf32, #tpu.memory_space<vmem>>) target(%dma_start3A_58 : memref<80x64xf32, #tpu.memory_space<vmem_shared>>) target_semaphore(%run_scoped3A : memref<!tpu.dma_semaphore, #tpu.memory_space<semaphore_mem>>)
        %dma_wait3A = arith.constant 0 : i32
        %dma_wait3A_59 = tpu.memref_slice %arg15[%add3A_54, %dma_wait3A] : memref<10240x64xf32, #tpu.memory_space<vmem_shared>> -> memref<80x64xf32, #tpu.memory_space<vmem_shared>>
        %dma_wait3A_60 = arith.constant 0 : i32
        %dma_wait3A_61 = tpu.memref_slice %arg15[%add3A_54, %dma_wait3A_60] : memref<10240x64xf32, #tpu.memory_space<vmem_shared>> -> memref<80x64xf32, #tpu.memory_space<vmem_shared>>
        tpu.wait_dma2 semaphore(%run_scoped3A : memref<!tpu.dma_semaphore, #tpu.memory_space<semaphore_mem>>) src(%arg9 : memref<80x64xf32, #tpu.memory_space<vmem>>) dst(%dma_wait3A_61 : memref<80x64xf32, #tpu.memory_space<vmem_shared>>)
        tpu.yield
      }) : () -> ()
      "tpu.region"() ({
        %run_scoped3A = tpu.sem_alloc : memref<!tpu.dma_semaphore, #tpu.memory_space<semaphore_mem>>
        %dma_start3A = arith.constant 0 : i32
        %dma_start3A_56 = tpu.memref_slice %arg16[%add3A_54, %dma_start3A] : memref<10240x16xf32, #tpu.memory_space<vmem_shared>> -> memref<80x16xf32, #tpu.memory_space<vmem_shared>>
        %dma_start3A_57 = arith.constant 0 : i32
        %dma_start3A_58 = tpu.memref_slice %arg16[%add3A_54, %dma_start3A_57] : memref<10240x16xf32, #tpu.memory_space<vmem_shared>> -> memref<80x16xf32, #tpu.memory_space<vmem_shared>>
        tpu.enqueue_dma source(%arg11 : memref<80x16xf32, #tpu.memory_space<vmem>>) target(%dma_start3A_58 : memref<80x16xf32, #tpu.memory_space<vmem_shared>>) target_semaphore(%run_scoped3A : memref<!tpu.dma_semaphore, #tpu.memory_space<semaphore_mem>>)
        %dma_wait3A = arith.constant 0 : i32
        %dma_wait3A_59 = tpu.memref_slice %arg16[%add3A_54, %dma_wait3A] : memref<10240x16xf32, #tpu.memory_space<vmem_shared>> -> memref<80x16xf32, #tpu.memory_space<vmem_shared>>
        %dma_wait3A_60 = arith.constant 0 : i32
        %dma_wait3A_61 = tpu.memref_slice %arg16[%add3A_54, %dma_wait3A_60] : memref<10240x16xf32, #tpu.memory_space<vmem_shared>> -> memref<80x16xf32, #tpu.memory_space<vmem_shared>>
        tpu.wait_dma2 semaphore(%run_scoped3A : memref<!tpu.dma_semaphore, #tpu.memory_space<semaphore_mem>>) src(%arg11 : memref<80x16xf32, #tpu.memory_space<vmem>>) dst(%dma_wait3A_61 : memref<80x16xf32, #tpu.memory_space<vmem_shared>>)
        tpu.yield
      }) : () -> ()
      %scan3A_55 = arith.constant 0 : i32
      scf.yield %scan3A_55 : i32
    }
    %scan3A_13 = arith.constant 8 : i32
    %barrier3A = arith.constant 0 : index
    tpu.barrier barrier_id(%barrier3A)
    "tpu.region"() ({
      %run_scoped3A = tpu.sem_alloc : memref<!tpu.dma_semaphore, #tpu.memory_space<semaphore_mem>>
      tpu.enqueue_dma source(%arg6 : memref<4x16xf32, #tpu.memory_space<hbm>>) target(%arg14 : memref<4x16xf32, #tpu.memory_space<vmem>>) target_semaphore(%run_scoped3A : memref<!tpu.dma_semaphore, #tpu.memory_space<semaphore_mem>>)
      tpu.wait_dma2 semaphore(%run_scoped3A : memref<!tpu.dma_semaphore, #tpu.memory_space<semaphore_mem>>) src(%arg6 : memref<4x16xf32, #tpu.memory_space<hbm>>) dst(%arg14 : memref<4x16xf32, #tpu.memory_space<vmem>>)
      tpu.yield
    }) : () -> ()
    %get3A = arith.constant 0 : i32
    %get3A_14 = arith.index_cast %get3A : i32 to index
    %get3A_15 = arith.constant 0 : index
    %get3A_16 = tpu.vector_load %arg14[%get3A_14, %get3A_15] {strides = array<i32>} : memref<4x16xf32, #tpu.memory_space<vmem>>, vector<1x16xf32>,
    %get3A_17 = vector.shape_cast %get3A_16 : vector<1x16xf32> to vector<16xf32>
    %get3A_18 = arith.constant 1 : i32
    %get3A_19 = arith.index_cast %get3A_18 : i32 to index
    %get3A_20 = arith.constant 0 : index
    %get3A_21 = tpu.vector_load %arg14[%get3A_19, %get3A_20] {strides = array<i32>} : memref<4x16xf32, #tpu.memory_space<vmem>>, vector<1x16xf32>,
    %get3A_22 = vector.shape_cast %get3A_21 : vector<1x16xf32> to vector<16xf32>
    %get3A_23 = arith.constant 2 : i32
    %get3A_24 = arith.index_cast %get3A_23 : i32 to index
    %get3A_25 = arith.constant 0 : index
    %get3A_26 = tpu.vector_load %arg14[%get3A_24, %get3A_25] {strides = array<i32>} : memref<4x16xf32, #tpu.memory_space<vmem>>, vector<1x16xf32>,
    %get3A_27 = vector.shape_cast %get3A_26 : vector<1x16xf32> to vector<16xf32>
    %get3A_28 = arith.constant 3 : i32
    %get3A_29 = arith.index_cast %get3A_28 : i32 to index
    %get3A_30 = arith.constant 0 : index
    %get3A_31 = tpu.vector_load %arg14[%get3A_29, %get3A_30] {strides = array<i32>} : memref<4x16xf32, #tpu.memory_space<vmem>>, vector<1x16xf32>,
    %get3A_32 = vector.shape_cast %get3A_31 : vector<1x16xf32> to vector<16xf32>
    %iota3A = tpu.iota {dimensions = array<i32: 0>} : vector<16xi32>
    "tpu.region"() ({
      %run_scoped3A = tpu.sem_alloc : memref<!tpu.dma_semaphore, #tpu.memory_space<semaphore_mem>>
      %dma_start3A = arith.constant 0 : i32
      %dma_start3A_48 = arith.constant 0 : i32
      %dma_start3A_49 = tpu.memref_slice %arg4[%add3A, %dma_start3A, %dma_start3A_48] : memref<32x125x80xi32, #tpu.memory_space<hbm>> -> memref<1x125x80xi32, #tpu.memory_space<hbm>>
      %dma_start3A_50 = tpu.memref_squeeze %dma_start3A_49 : memref<1x125x80xi32, #tpu.memory_space<hbm>> -> memref<125x80xi32, #tpu.memory_space<hbm>>
      %dma_start3A_51 = arith.constant 0 : i32
      %dma_start3A_52 = arith.constant 0 : i32
      %dma_start3A_53 = tpu.memref_slice %arg4[%add3A, %dma_start3A_51, %dma_start3A_52] : memref<32x125x80xi32, #tpu.memory_space<hbm>> -> memref<1x125x80xi32, #tpu.memory_space<hbm>>
      %dma_start3A_54 = tpu.memref_squeeze %dma_start3A_53 : memref<1x125x80xi32, #tpu.memory_space<hbm>> -> memref<125x80xi32, #tpu.memory_space<hbm>>
      tpu.enqueue_dma source(%dma_start3A_54 : memref<125x80xi32, #tpu.memory_space<hbm>>) target(%arg12 : memref<125x80xi32, #tpu.memory_space<vmem>>) target_semaphore(%run_scoped3A : memref<!tpu.dma_semaphore, #tpu.memory_space<semaphore_mem>>)
      %dma_wait3A = arith.constant 0 : i32
      %dma_wait3A_55 = arith.constant 0 : i32
      %dma_wait3A_56 = tpu.memref_slice %arg4[%add3A, %dma_wait3A, %dma_wait3A_55] : memref<32x125x80xi32, #tpu.memory_space<hbm>> -> memref<1x125x80xi32, #tpu.memory_space<hbm>>
      %dma_wait3A_57 = tpu.memref_squeeze %dma_wait3A_56 : memref<1x125x80xi32, #tpu.memory_space<hbm>> -> memref<125x80xi32, #tpu.memory_space<hbm>>
      %dma_wait3A_58 = arith.constant 0 : i32
      %dma_wait3A_59 = arith.constant 0 : i32
      %dma_wait3A_60 = tpu.memref_slice %arg4[%add3A, %dma_wait3A_58, %dma_wait3A_59] : memref<32x125x80xi32, #tpu.memory_space<hbm>> -> memref<1x125x80xi32, #tpu.memory_space<hbm>>
      %dma_wait3A_61 = tpu.memref_squeeze %dma_wait3A_60 : memref<1x125x80xi32, #tpu.memory_space<hbm>> -> memref<125x80xi32, #tpu.memory_space<hbm>>
      tpu.wait_dma2 semaphore(%run_scoped3A : memref<!tpu.dma_semaphore, #tpu.memory_space<semaphore_mem>>) src(%dma_wait3A_61 : memref<125x80xi32, #tpu.memory_space<hbm>>) dst(%arg12 : memref<125x80xi32, #tpu.memory_space<vmem>>)
      tpu.yield
    }) : () -> ()
    "tpu.region"() ({
      %run_scoped3A = tpu.sem_alloc : memref<!tpu.dma_semaphore, #tpu.memory_space<semaphore_mem>>
      %dma_start3A = arith.constant 0 : i32
      %dma_start3A_48 = arith.constant 0 : i32
      %dma_start3A_49 = tpu.memref_slice %arg5[%add3A, %dma_start3A, %dma_start3A_48] : memref<32x125x80xi32, #tpu.memory_space<hbm>> -> memref<1x125x80xi32, #tpu.memory_space<hbm>>
      %dma_start3A_50 = tpu.memref_squeeze %dma_start3A_49 : memref<1x125x80xi32, #tpu.memory_space<hbm>> -> memref<125x80xi32, #tpu.memory_space<hbm>>
      %dma_start3A_51 = arith.constant 0 : i32
      %dma_start3A_52 = arith.constant 0 : i32
      %dma_start3A_53 = tpu.memref_slice %arg5[%add3A, %dma_start3A_51, %dma_start3A_52] : memref<32x125x80xi32, #tpu.memory_space<hbm>> -> memref<1x125x80xi32, #tpu.memory_space<hbm>>
      %dma_start3A_54 = tpu.memref_squeeze %dma_start3A_53 : memref<1x125x80xi32, #tpu.memory_space<hbm>> -> memref<125x80xi32, #tpu.memory_space<hbm>>
      tpu.enqueue_dma source(%dma_start3A_54 : memref<125x80xi32, #tpu.memory_space<hbm>>) target(%arg13 : memref<125x80xi32, #tpu.memory_space<vmem>>) target_semaphore(%run_scoped3A : memref<!tpu.dma_semaphore, #tpu.memory_space<semaphore_mem>>)
      %dma_wait3A = arith.constant 0 : i32
      %dma_wait3A_55 = arith.constant 0 : i32
      %dma_wait3A_56 = tpu.memref_slice %arg5[%add3A, %dma_wait3A, %dma_wait3A_55] : memref<32x125x80xi32, #tpu.memory_space<hbm>> -> memref<1x125x80xi32, #tpu.memory_space<hbm>>
      %dma_wait3A_57 = tpu.memref_squeeze %dma_wait3A_56 : memref<1x125x80xi32, #tpu.memory_space<hbm>> -> memref<125x80xi32, #tpu.memory_space<hbm>>
      %dma_wait3A_58 = arith.constant 0 : i32
      %dma_wait3A_59 = arith.constant 0 : i32
      %dma_wait3A_60 = tpu.memref_slice %arg5[%add3A, %dma_wait3A_58, %dma_wait3A_59] : memref<32x125x80xi32, #tpu.memory_space<hbm>> -> memref<1x125x80xi32, #tpu.memory_space<hbm>>
      %dma_wait3A_61 = tpu.memref_squeeze %dma_wait3A_60 : memref<1x125x80xi32, #tpu.memory_space<hbm>> -> memref<125x80xi32, #tpu.memory_space<hbm>>
      tpu.wait_dma2 semaphore(%run_scoped3A : memref<!tpu.dma_semaphore, #tpu.memory_space<semaphore_mem>>) src(%dma_wait3A_61 : memref<125x80xi32, #tpu.memory_space<hbm>>) dst(%arg13 : memref<125x80xi32, #tpu.memory_space<vmem>>)
      tpu.yield
    }) : () -> ()
    %scan3A_33 = arith.constant 0 : i32
    %scan3A_34 = arith.constant 0 : i32
    %scan3A_35 = arith.constant 125 : i32
    %scan3A_36 = arith.addi %scan3A_34, %scan3A_35 : i32
    %scan3A_37 = arith.constant 1 : i32
    %scan3A_38 = scf.for %scan3A_48 = %scan3A_34 to %scan3A_36 step %scan3A_37 iter_args(%scan3A_49 = %scan3A_33) -> (i32)  : i32 {
      %dma_start3A = arith.constant 0 : i32
      %dma_start3A_50 = tpu.memref_slice %arg12[%scan3A_48, %dma_start3A] : memref<125x80xi32, #tpu.memory_space<vmem>> -> memref<1x80xi32, #tpu.memory_space<vmem>>
      %dma_start3A_51 = tpu.memref_squeeze %dma_start3A_50 : memref<1x80xi32, #tpu.memory_space<vmem>> -> memref<80xi32, #tpu.memory_space<vmem>>
      %dma_start3A_52 = arith.constant 0 : i32
      %dma_start3A_53 = arith.constant 0 : i32
      %dma_start3A_54 = tpu.memref_slice %arg2[%dma_start3A_52, %dma_start3A_53] : memref<10240x64xf32, #tpu.memory_space<hbm>> -> memref<10240x64xf32, #tpu.memory_space<hbm>>
      tpu.enqueue_indirect_dma source(%dma_start3A_54 : memref<10240x64xf32, #tpu.memory_space<hbm>>) target(%arg9 : memref<80x64xf32, #tpu.memory_space<vmem>>) offsets(%dma_start3A_51 : memref<80xi32, #tpu.memory_space<vmem>>) semaphore(%arg17 : memref<!tpu.dma_semaphore, #tpu.memory_space<semaphore_mem>>)
      %dma_start3A_55 = arith.constant 0 : i32
      %dma_start3A_56 = tpu.memref_slice %arg13[%scan3A_48, %dma_start3A_55] : memref<125x80xi32, #tpu.memory_space<vmem>> -> memref<1x80xi32, #tpu.memory_space<vmem>>
      %dma_start3A_57 = tpu.memref_squeeze %dma_start3A_56 : memref<1x80xi32, #tpu.memory_space<vmem>> -> memref<80xi32, #tpu.memory_space<vmem>>
      %dma_start3A_58 = arith.constant 0 : i32
      %dma_start3A_59 = arith.constant 0 : i32
      %dma_start3A_60 = tpu.memref_slice %arg3[%dma_start3A_58, %dma_start3A_59] : memref<10240x64xf32, #tpu.memory_space<hbm>> -> memref<10240x64xf32, #tpu.memory_space<hbm>>
      tpu.enqueue_indirect_dma source(%dma_start3A_60 : memref<10240x64xf32, #tpu.memory_space<hbm>>) target(%arg10 : memref<80x64xf32, #tpu.memory_space<vmem>>) offsets(%dma_start3A_57 : memref<80xi32, #tpu.memory_space<vmem>>) semaphore(%arg18 : memref<!tpu.dma_semaphore, #tpu.memory_space<semaphore_mem>>)
      %dma_wait3A = arith.constant 0 : i32
      %dma_wait3A_61 = tpu.memref_slice %arg12[%scan3A_48, %dma_wait3A] : memref<125x80xi32, #tpu.memory_space<vmem>> -> memref<1x80xi32, #tpu.memory_space<vmem>>
      %dma_wait3A_62 = tpu.memref_squeeze %dma_wait3A_61 : memref<1x80xi32, #tpu.memory_space<vmem>> -> memref<80xi32, #tpu.memory_space<vmem>>
      %dma_wait3A_63 = arith.constant 0 : i32
      %dma_wait3A_64 = arith.constant 0 : i32
      %dma_wait3A_65 = tpu.memref_slice %arg2[%dma_wait3A_63, %dma_wait3A_64] : memref<10240x64xf32, #tpu.memory_space<hbm>> -> memref<10240x64xf32, #tpu.memory_space<hbm>>
      tpu.wait_indirect_dma semaphore(%arg17 : memref<!tpu.dma_semaphore, #tpu.memory_space<semaphore_mem>>) src(%dma_wait3A_65 : memref<10240x64xf32, #tpu.memory_space<hbm>>) dst(%arg9 : memref<80x64xf32, #tpu.memory_space<vmem>>)
      %dma_wait3A_66 = arith.constant 0 : i32
      %dma_wait3A_67 = tpu.memref_slice %arg13[%scan3A_48, %dma_wait3A_66] : memref<125x80xi32, #tpu.memory_space<vmem>> -> memref<1x80xi32, #tpu.memory_space<vmem>>
      %dma_wait3A_68 = tpu.memref_squeeze %dma_wait3A_67 : memref<1x80xi32, #tpu.memory_space<vmem>> -> memref<80xi32, #tpu.memory_space<vmem>>
      %dma_wait3A_69 = arith.constant 0 : i32
      %dma_wait3A_70 = arith.constant 0 : i32
      %dma_wait3A_71 = tpu.memref_slice %arg3[%dma_wait3A_69, %dma_wait3A_70] : memref<10240x64xf32, #tpu.memory_space<hbm>> -> memref<10240x64xf32, #tpu.memory_space<hbm>>
      tpu.wait_indirect_dma semaphore(%arg18 : memref<!tpu.dma_semaphore, #tpu.memory_space<semaphore_mem>>) src(%dma_wait3A_71 : memref<10240x64xf32, #tpu.memory_space<hbm>>) dst(%arg10 : memref<80x64xf32, #tpu.memory_space<vmem>>)
      %scan3A_72 = arith.constant 0 : i32
      %scan3A_73 = arith.constant 0 : i32
      %scan3A_74 = arith.constant 80 : i32
      %scan3A_75 = arith.addi %scan3A_73, %scan3A_74 : i32
      %scan3A_76 = arith.constant 1 : i32
      %scan3A_77 = scf.for %scan3A_80 = %scan3A_73 to %scan3A_75 step %scan3A_76 iter_args(%scan3A_81 = %scan3A_72) -> (i32)  : i32 {
        %broadcast_in_dim3A = arith.constant 0.000000e+00 : f32
        %broadcast_in_dim3A_82 = vector.broadcast %broadcast_in_dim3A : f32 to vector<16xf32>
        %get3A_83 = arith.index_cast %scan3A_80 : i32 to index
        %get3A_84 = arith.constant 0 : index
        %get3A_85 = tpu.vector_load %arg9[%get3A_83, %get3A_84] {strides = array<i32>} : memref<80x64xf32, #tpu.memory_space<vmem>>, vector<1x16xf32>,
        %get3A_86 = vector.shape_cast %get3A_85 : vector<1x16xf32> to vector<16xf32>
        %get3A_87 = arith.index_cast %scan3A_80 : i32 to index
        %get3A_88 = arith.constant 0 : index
        %get3A_89 = tpu.vector_load %arg10[%get3A_87, %get3A_88] {strides = array<i32>} : memref<80x64xf32, #tpu.memory_space<vmem>>, vector<1x16xf32>,
        %get3A_90 = vector.shape_cast %get3A_89 : vector<1x16xf32> to vector<16xf32>
        %add3A_91 = arith.addf %get3A_86, %get3A_90 : vector<16xf32>
        %mul3A_92 = arith.constant 2.000000e-01 : f32
        %mul3A_93 = vector.broadcast %mul3A_92 : f32 to vector<16xf32>
        %mul3A_94 = arith.mulf %mul3A_93, %add3A_91 : vector<16xf32>
        %max3A = arith.maximumf %add3A_91, %mul3A_94 : vector<16xf32>
        %mul3A_95 = arith.mulf %max3A, %get3A_17 : vector<16xf32>
        %add3A_96 = arith.addf %broadcast_in_dim3A_82, %mul3A_95 : vector<16xf32>
        %get3A_97 = arith.index_cast %scan3A_80 : i32 to index
        %get3A_98 = arith.constant 16 : index
        %get3A_99 = tpu.vector_load %arg9[%get3A_97, %get3A_98] {strides = array<i32>} : memref<80x64xf32, #tpu.memory_space<vmem>>, vector<1x16xf32>,
        %get3A_100 = vector.shape_cast %get3A_99 : vector<1x16xf32> to vector<16xf32>
        %get3A_101 = arith.index_cast %scan3A_80 : i32 to index
        %get3A_102 = arith.constant 16 : index
        %get3A_103 = tpu.vector_load %arg10[%get3A_101, %get3A_102] {strides = array<i32>} : memref<80x64xf32, #tpu.memory_space<vmem>>, vector<1x16xf32>,
        %get3A_104 = vector.shape_cast %get3A_103 : vector<1x16xf32> to vector<16xf32>
        %add3A_105 = arith.addf %get3A_100, %get3A_104 : vector<16xf32>
        %mul3A_106 = arith.constant 2.000000e-01 : f32
        %mul3A_107 = vector.broadcast %mul3A_106 : f32 to vector<16xf32>
        %mul3A_108 = arith.mulf %mul3A_107, %add3A_105 : vector<16xf32>
        %max3A_109 = arith.maximumf %add3A_105, %mul3A_108 : vector<16xf32>
        %mul3A_110 = arith.mulf %max3A_109, %get3A_22 : vector<16xf32>
        %add3A_111 = arith.addf %add3A_96, %mul3A_110 : vector<16xf32>
        %get3A_112 = arith.index_cast %scan3A_80 : i32 to index
        %get3A_113 = arith.constant 32 : index
        %get3A_114 = tpu.vector_load %arg9[%get3A_112, %get3A_113] {strides = array<i32>} : memref<80x64xf32, #tpu.memory_space<vmem>>, vector<1x16xf32>,
        %get3A_115 = vector.shape_cast %get3A_114 : vector<1x16xf32> to vector<16xf32>
        %get3A_116 = arith.index_cast %scan3A_80 : i32 to index
        %get3A_117 = arith.constant 32 : index
        %get3A_118 = tpu.vector_load %arg10[%get3A_116, %get3A_117] {strides = array<i32>} : memref<80x64xf32, #tpu.memory_space<vmem>>, vector<1x16xf32>,
        %get3A_119 = vector.shape_cast %get3A_118 : vector<1x16xf32> to vector<16xf32>
        %add3A_120 = arith.addf %get3A_115, %get3A_119 : vector<16xf32>
        %mul3A_121 = arith.constant 2.000000e-01 : f32
        %mul3A_122 = vector.broadcast %mul3A_121 : f32 to vector<16xf32>
        %mul3A_123 = arith.mulf %mul3A_122, %add3A_120 : vector<16xf32>
        %max3A_124 = arith.maximumf %add3A_120, %mul3A_123 : vector<16xf32>
        %mul3A_125 = arith.mulf %max3A_124, %get3A_27 : vector<16xf32>
        %add3A_126 = arith.addf %add3A_111, %mul3A_125 : vector<16xf32>
        %get3A_127 = arith.index_cast %scan3A_80 : i32 to index
        %get3A_128 = arith.constant 48 : index
        %get3A_129 = tpu.vector_load %arg9[%get3A_127, %get3A_128] {strides = array<i32>} : memref<80x64xf32, #tpu.memory_space<vmem>>, vector<1x16xf32>,
        %get3A_130 = vector.shape_cast %get3A_129 : vector<1x16xf32> to vector<16xf32>
        %get3A_131 = arith.index_cast %scan3A_80 : i32 to index
        %get3A_132 = arith.constant 48 : index
        %get3A_133 = tpu.vector_load %arg10[%get3A_131, %get3A_132] {strides = array<i32>} : memref<80x64xf32, #tpu.memory_space<vmem>>, vector<1x16xf32>,
        %get3A_134 = vector.shape_cast %get3A_133 : vector<1x16xf32> to vector<16xf32>
        %add3A_135 = arith.addf %get3A_130, %get3A_134 : vector<16xf32>
        %mul3A_136 = arith.constant 2.000000e-01 : f32
        %mul3A_137 = vector.broadcast %mul3A_136 : f32 to vector<16xf32>
        %mul3A_138 = arith.mulf %mul3A_137, %add3A_135 : vector<16xf32>
        %max3A_139 = arith.maximumf %add3A_135, %mul3A_138 : vector<16xf32>
        %mul3A_140 = arith.mulf %max3A_139, %get3A_32 : vector<16xf32>
        %add3A_141 = arith.addf %add3A_126, %mul3A_140 : vector<16xf32>
        %iota3A_142 = tpu.iota {dimensions = array<i32: 0>} : vector<16xi32>
        %add3A_143 = arith.constant 8 : i32
        %add3A_144 = vector.broadcast %add3A_143 : i32 to vector<16xi32>
        %add3A_145 = arith.addi %iota3A_142, %add3A_144 : vector<16xi32>
        %and3A = arith.constant 15 : i32
        %and3A_146 = vector.broadcast %and3A : i32 to vector<16xi32>
        %and3A_147 = arith.andi %add3A_145, %and3A_146 : vector<16xi32>
        %broadcast_in_dim3A_148 = vector.shape_cast %and3A_147 : vector<16xi32> to vector<16x1xi32>
        %gather3A = vector.shape_cast %broadcast_in_dim3A_148 : vector<16x1xi32> to vector<16xi32>
        %gather3A_149 = tpu.dynamic_gather %add3A_141[%gather3A] in [0] : vector<16xf32>, vector<16xi32> -> vector<16xf32>
        %add3A_150 = arith.addf %add3A_141, %gather3A_149 : vector<16xf32>
        %iota3A_151 = tpu.iota {dimensions = array<i32: 0>} : vector<16xi32>
        %add3A_152 = arith.constant 4 : i32
        %add3A_153 = vector.broadcast %add3A_152 : i32 to vector<16xi32>
        %add3A_154 = arith.addi %iota3A_151, %add3A_153 : vector<16xi32>
        %and3A_155 = arith.constant 15 : i32
        %and3A_156 = vector.broadcast %and3A_155 : i32 to vector<16xi32>
        %and3A_157 = arith.andi %add3A_154, %and3A_156 : vector<16xi32>
        %broadcast_in_dim3A_158 = vector.shape_cast %and3A_157 : vector<16xi32> to vector<16x1xi32>
        %gather3A_159 = vector.shape_cast %broadcast_in_dim3A_158 : vector<16x1xi32> to vector<16xi32>
        %gather3A_160 = tpu.dynamic_gather %add3A_150[%gather3A_159] in [0] : vector<16xf32>, vector<16xi32> -> vector<16xf32>
        %add3A_161 = arith.addf %add3A_150, %gather3A_160 : vector<16xf32>
        %iota3A_162 = tpu.iota {dimensions = array<i32: 0>} : vector<16xi32>
        %add3A_163 = arith.constant 2 : i32
        %add3A_164 = vector.broadcast %add3A_163 : i32 to vector<16xi32>
        %add3A_165 = arith.addi %iota3A_162, %add3A_164 : vector<16xi32>
        %and3A_166 = arith.constant 15 : i32
        %and3A_167 = vector.broadcast %and3A_166 : i32 to vector<16xi32>
        %and3A_168 = arith.andi %add3A_165, %and3A_167 : vector<16xi32>
        %broadcast_in_dim3A_169 = vector.shape_cast %and3A_168 : vector<16xi32> to vector<16x1xi32>
        %gather3A_170 = vector.shape_cast %broadcast_in_dim3A_169 : vector<16x1xi32> to vector<16xi32>
        %gather3A_171 = tpu.dynamic_gather %add3A_161[%gather3A_170] in [0] : vector<16xf32>, vector<16xi32> -> vector<16xf32>
        %add3A_172 = arith.addf %add3A_161, %gather3A_171 : vector<16xf32>
        %iota3A_173 = tpu.iota {dimensions = array<i32: 0>} : vector<16xi32>
        %add3A_174 = arith.constant 1 : i32
        %add3A_175 = vector.broadcast %add3A_174 : i32 to vector<16xi32>
        %add3A_176 = arith.addi %iota3A_173, %add3A_175 : vector<16xi32>
        %and3A_177 = arith.constant 15 : i32
        %and3A_178 = vector.broadcast %and3A_177 : i32 to vector<16xi32>
        %and3A_179 = arith.andi %add3A_176, %and3A_178 : vector<16xi32>
        %broadcast_in_dim3A_180 = vector.shape_cast %and3A_179 : vector<16xi32> to vector<16x1xi32>
        %gather3A_181 = vector.shape_cast %broadcast_in_dim3A_180 : vector<16x1xi32> to vector<16xi32>
        %gather3A_182 = tpu.dynamic_gather %add3A_172[%gather3A_181] in [0] : vector<16xf32>, vector<16xi32> -> vector<16xf32>
        %add3A_183 = arith.addf %add3A_172, %gather3A_182 : vector<16xf32>
        %exp3A = math.exp %add3A_183 : vector<16xf32>
        %mul3A_184 = arith.mulf %get3A_86, %exp3A : vector<16xf32>
        %swap3A = arith.index_cast %scan3A_80 : i32 to index
        %swap3A_185 = arith.constant 0 : index
        %swap3A_186 = tpu.vector_load %arg9[%swap3A, %swap3A_185] {strides = array<i32>} : memref<80x64xf32, #tpu.memory_space<vmem>>, vector<1x16xf32>,
        %swap3A_187 = vector.shape_cast %swap3A_186 : vector<1x16xf32> to vector<16xf32>
        %swap3A_188 = vector.shape_cast %mul3A_184 : vector<16xf32> to vector<1x16xf32>
        tpu.vector_store %arg9[%swap3A, %swap3A_185], %swap3A_188 {strides = array<i32>} : memref<80x64xf32, #tpu.memory_space<vmem>>, vector<1x16xf32>,
        %mul3A_189 = arith.mulf %get3A_100, %exp3A : vector<16xf32>
        %swap3A_190 = arith.index_cast %scan3A_80 : i32 to index
        %swap3A_191 = arith.constant 16 : index
        %swap3A_192 = tpu.vector_load %arg9[%swap3A_190, %swap3A_191] {strides = array<i32>} : memref<80x64xf32, #tpu.memory_space<vmem>>, vector<1x16xf32>,
        %swap3A_193 = vector.shape_cast %swap3A_192 : vector<1x16xf32> to vector<16xf32>
        %swap3A_194 = vector.shape_cast %mul3A_189 : vector<16xf32> to vector<1x16xf32>
        tpu.vector_store %arg9[%swap3A_190, %swap3A_191], %swap3A_194 {strides = array<i32>} : memref<80x64xf32, #tpu.memory_space<vmem>>, vector<1x16xf32>,
        %mul3A_195 = arith.mulf %get3A_115, %exp3A : vector<16xf32>
        %swap3A_196 = arith.index_cast %scan3A_80 : i32 to index
        %swap3A_197 = arith.constant 32 : index
        %swap3A_198 = tpu.vector_load %arg9[%swap3A_196, %swap3A_197] {strides = array<i32>} : memref<80x64xf32, #tpu.memory_space<vmem>>, vector<1x16xf32>,
        %swap3A_199 = vector.shape_cast %swap3A_198 : vector<1x16xf32> to vector<16xf32>
        %swap3A_200 = vector.shape_cast %mul3A_195 : vector<16xf32> to vector<1x16xf32>
        tpu.vector_store %arg9[%swap3A_196, %swap3A_197], %swap3A_200 {strides = array<i32>} : memref<80x64xf32, #tpu.memory_space<vmem>>, vector<1x16xf32>,
        %mul3A_201 = arith.mulf %get3A_130, %exp3A : vector<16xf32>
        %swap3A_202 = arith.index_cast %scan3A_80 : i32 to index
        %swap3A_203 = arith.constant 48 : index
        %swap3A_204 = tpu.vector_load %arg9[%swap3A_202, %swap3A_203] {strides = array<i32>} : memref<80x64xf32, #tpu.memory_space<vmem>>, vector<1x16xf32>,
        %swap3A_205 = vector.shape_cast %swap3A_204 : vector<1x16xf32> to vector<16xf32>
        %swap3A_206 = vector.shape_cast %mul3A_201 : vector<16xf32> to vector<1x16xf32>
        tpu.vector_store %arg9[%swap3A_202, %swap3A_203], %swap3A_206 {strides = array<i32>} : memref<80x64xf32, #tpu.memory_space<vmem>>, vector<1x16xf32>,
        %swap3A_207 = arith.index_cast %scan3A_80 : i32 to index
        %swap3A_208 = arith.constant 0 : index
        %swap3A_209 = tpu.vector_load %arg11[%swap3A_207, %swap3A_208] {strides = array<i32>} : memref<80x16xf32, #tpu.memory_space<vmem>>, vector<1x16xf32>,
        %swap3A_210 = vector.shape_cast %swap3A_209 : vector<1x16xf32> to vector<16xf32>
        %swap3A_211 = vector.shape_cast %exp3A : vector<16xf32> to vector<1x16xf32>
        tpu.vector_store %arg11[%swap3A_207, %swap3A_208], %swap3A_211 {strides = array<i32>} : memref<80x16xf32, #tpu.memory_space<vmem>>, vector<1x16xf32>,
        %scan3A_212 = arith.constant 0 : i32
        scf.yield %scan3A_212 : i32
      }
      %scan3A_78 = arith.constant 80 : i32
      "tpu.region"() ({
        %run_scoped3A = tpu.sem_alloc : memref<!tpu.dma_semaphore, #tpu.memory_space<semaphore_mem>>
        %dma_start3A_80 = arith.constant 0 : i32
        %dma_start3A_81 = tpu.memref_slice %arg13[%scan3A_48, %dma_start3A_80] : memref<125x80xi32, #tpu.memory_space<vmem>> -> memref<1x80xi32, #tpu.memory_space<vmem>>
        %dma_start3A_82 = tpu.memref_squeeze %dma_start3A_81 : memref<1x80xi32, #tpu.memory_space<vmem>> -> memref<80xi32, #tpu.memory_space<vmem>>
        %dma_start3A_83 = arith.constant 0 : i32
        %dma_start3A_84 = arith.constant 0 : i32
        %dma_start3A_85 = tpu.memref_slice %arg15[%dma_start3A_83, %dma_start3A_84] : memref<10240x64xf32, #tpu.memory_space<vmem_shared>> -> memref<10240x64xf32, #tpu.memory_space<vmem_shared>>
        tpu.enqueue_indirect_dma source(%arg9 : memref<80x64xf32, #tpu.memory_space<vmem>>) target(%dma_start3A_85 : memref<10240x64xf32, #tpu.memory_space<vmem_shared>>) offsets(%dma_start3A_82 : memref<80xi32, #tpu.memory_space<vmem>>) semaphore(%run_scoped3A : memref<!tpu.dma_semaphore, #tpu.memory_space<semaphore_mem>>) {add = true}
        %dma_wait3A_86 = arith.constant 0 : i32
        %dma_wait3A_87 = tpu.memref_slice %arg13[%scan3A_48, %dma_wait3A_86] : memref<125x80xi32, #tpu.memory_space<vmem>> -> memref<1x80xi32, #tpu.memory_space<vmem>>
        %dma_wait3A_88 = tpu.memref_squeeze %dma_wait3A_87 : memref<1x80xi32, #tpu.memory_space<vmem>> -> memref<80xi32, #tpu.memory_space<vmem>>
        %dma_wait3A_89 = arith.constant 0 : i32
        %dma_wait3A_90 = arith.constant 0 : i32
        %dma_wait3A_91 = tpu.memref_slice %arg15[%dma_wait3A_89, %dma_wait3A_90] : memref<10240x64xf32, #tpu.memory_space<vmem_shared>> -> memref<10240x64xf32, #tpu.memory_space<vmem_shared>>
        tpu.wait_indirect_dma semaphore(%run_scoped3A : memref<!tpu.dma_semaphore, #tpu.memory_space<semaphore_mem>>) src(%arg9 : memref<80x64xf32, #tpu.memory_space<vmem>>) dst(%dma_wait3A_91 : memref<10240x64xf32, #tpu.memory_space<vmem_shared>>)
        tpu.yield
      }) : () -> ()
      "tpu.region"() ({
        %run_scoped3A = tpu.sem_alloc : memref<!tpu.dma_semaphore, #tpu.memory_space<semaphore_mem>>
        %dma_start3A_80 = arith.constant 0 : i32
        %dma_start3A_81 = tpu.memref_slice %arg13[%scan3A_48, %dma_start3A_80] : memref<125x80xi32, #tpu.memory_space<vmem>> -> memref<1x80xi32, #tpu.memory_space<vmem>>
        %dma_start3A_82 = tpu.memref_squeeze %dma_start3A_81 : memref<1x80xi32, #tpu.memory_space<vmem>> -> memref<80xi32, #tpu.memory_space<vmem>>
        %dma_start3A_83 = arith.constant 0 : i32
        %dma_start3A_84 = arith.constant 0 : i32
        %dma_start3A_85 = tpu.memref_slice %arg16[%dma_start3A_83, %dma_start3A_84] : memref<10240x16xf32, #tpu.memory_space<vmem_shared>> -> memref<10240x16xf32, #tpu.memory_space<vmem_shared>>
        tpu.enqueue_indirect_dma source(%arg11 : memref<80x16xf32, #tpu.memory_space<vmem>>) target(%dma_start3A_85 : memref<10240x16xf32, #tpu.memory_space<vmem_shared>>) offsets(%dma_start3A_82 : memref<80xi32, #tpu.memory_space<vmem>>) semaphore(%run_scoped3A : memref<!tpu.dma_semaphore, #tpu.memory_space<semaphore_mem>>) {add = true}
        %dma_wait3A_86 = arith.constant 0 : i32
        %dma_wait3A_87 = tpu.memref_slice %arg13[%scan3A_48, %dma_wait3A_86] : memref<125x80xi32, #tpu.memory_space<vmem>> -> memref<1x80xi32, #tpu.memory_space<vmem>>
        %dma_wait3A_88 = tpu.memref_squeeze %dma_wait3A_87 : memref<1x80xi32, #tpu.memory_space<vmem>> -> memref<80xi32, #tpu.memory_space<vmem>>
        %dma_wait3A_89 = arith.constant 0 : i32
        %dma_wait3A_90 = arith.constant 0 : i32
        %dma_wait3A_91 = tpu.memref_slice %arg16[%dma_wait3A_89, %dma_wait3A_90] : memref<10240x16xf32, #tpu.memory_space<vmem_shared>> -> memref<10240x16xf32, #tpu.memory_space<vmem_shared>>
        tpu.wait_indirect_dma semaphore(%run_scoped3A : memref<!tpu.dma_semaphore, #tpu.memory_space<semaphore_mem>>) src(%arg11 : memref<80x16xf32, #tpu.memory_space<vmem>>) dst(%dma_wait3A_91 : memref<10240x16xf32, #tpu.memory_space<vmem_shared>>)
        tpu.yield
      }) : () -> ()
      %scan3A_79 = arith.constant 0 : i32
      scf.yield %scan3A_79 : i32
    }
    %scan3A_39 = arith.constant 125 : i32
    %barrier3A_40 = arith.constant 0 : index
    tpu.barrier barrier_id(%barrier3A_40)
    %scan3A_41 = arith.constant 0 : i32
    %scan3A_42 = arith.constant 0 : i32
    %scan3A_43 = arith.constant 8 : i32
    %scan3A_44 = arith.addi %scan3A_42, %scan3A_43 : i32
    %scan3A_45 = arith.constant 1 : i32
    %scan3A_46 = scf.for %scan3A_48 = %scan3A_42 to %scan3A_44 step %scan3A_45 iter_args(%scan3A_49 = %scan3A_41) -> (i32)  : i32 {
      %mul3A_50 = arith.constant 640 : i32
      %mul3A_51 = arith.muli %arg1, %mul3A_50 : i32
      %mul3A_52 = arith.constant 80 : i32
      %mul3A_53 = arith.muli %scan3A_48, %mul3A_52 : i32
      %add3A_54 = arith.addi %mul3A_51, %mul3A_53 : i32
      "tpu.region"() ({
        %run_scoped3A = tpu.sem_alloc : memref<!tpu.dma_semaphore, #tpu.memory_space<semaphore_mem>>
        %dma_start3A = arith.constant 0 : i32
        %dma_start3A_56 = arith.constant 0 : i32
        %dma_start3A_57 = tpu.memref_slice %arg7[%arg0, %dma_start3A, %dma_start3A_56] : memref<2x10240x64xf32, #tpu.memory_space<hbm>> -> memref<1x10240x64xf32, #tpu.memory_space<hbm>>
        %dma_start3A_58 = tpu.memref_squeeze %dma_start3A_57 : memref<1x10240x64xf32, #tpu.memory_space<hbm>> -> memref<10240x64xf32, #tpu.memory_space<hbm>>
        %dma_start3A_59 = arith.constant 0 : i32
        %dma_start3A_60 = tpu.memref_slice %dma_start3A_58[%add3A_54, %dma_start3A_59] : memref<10240x64xf32, #tpu.memory_space<hbm>> -> memref<80x64xf32, #tpu.memory_space<hbm>>
        %dma_start3A_61 = arith.constant 0 : i32
        %dma_start3A_62 = tpu.memref_slice %arg15[%add3A_54, %dma_start3A_61] : memref<10240x64xf32, #tpu.memory_space<vmem_shared>> -> memref<80x64xf32, #tpu.memory_space<vmem_shared>>
        tpu.enqueue_dma source(%dma_start3A_62 : memref<80x64xf32, #tpu.memory_space<vmem_shared>>) target(%dma_start3A_60 : memref<80x64xf32, #tpu.memory_space<hbm>>) target_semaphore(%run_scoped3A : memref<!tpu.dma_semaphore, #tpu.memory_space<semaphore_mem>>)
        %dma_wait3A = arith.constant 0 : i32
        %dma_wait3A_63 = arith.constant 0 : i32
        %dma_wait3A_64 = tpu.memref_slice %arg7[%arg0, %dma_wait3A, %dma_wait3A_63] : memref<2x10240x64xf32, #tpu.memory_space<hbm>> -> memref<1x10240x64xf32, #tpu.memory_space<hbm>>
        %dma_wait3A_65 = tpu.memref_squeeze %dma_wait3A_64 : memref<1x10240x64xf32, #tpu.memory_space<hbm>> -> memref<10240x64xf32, #tpu.memory_space<hbm>>
        %dma_wait3A_66 = arith.constant 0 : i32
        %dma_wait3A_67 = tpu.memref_slice %dma_wait3A_65[%add3A_54, %dma_wait3A_66] : memref<10240x64xf32, #tpu.memory_space<hbm>> -> memref<80x64xf32, #tpu.memory_space<hbm>>
        %dma_wait3A_68 = arith.constant 0 : i32
        %dma_wait3A_69 = tpu.memref_slice %arg15[%add3A_54, %dma_wait3A_68] : memref<10240x64xf32, #tpu.memory_space<vmem_shared>> -> memref<80x64xf32, #tpu.memory_space<vmem_shared>>
        tpu.wait_dma2 semaphore(%run_scoped3A : memref<!tpu.dma_semaphore, #tpu.memory_space<semaphore_mem>>) src(%dma_wait3A_69 : memref<80x64xf32, #tpu.memory_space<vmem_shared>>) dst(%dma_wait3A_67 : memref<80x64xf32, #tpu.memory_space<hbm>>)
        tpu.yield
      }) : () -> ()
      "tpu.region"() ({
        %run_scoped3A = tpu.sem_alloc : memref<!tpu.dma_semaphore, #tpu.memory_space<semaphore_mem>>
        %dma_start3A = arith.constant 0 : i32
        %dma_start3A_56 = arith.constant 0 : i32
        %dma_start3A_57 = tpu.memref_slice %arg8[%arg0, %dma_start3A, %dma_start3A_56] : memref<2x10240x16xf32, #tpu.memory_space<hbm>> -> memref<1x10240x16xf32, #tpu.memory_space<hbm>>
        %dma_start3A_58 = tpu.memref_squeeze %dma_start3A_57 : memref<1x10240x16xf32, #tpu.memory_space<hbm>> -> memref<10240x16xf32, #tpu.memory_space<hbm>>
        %dma_start3A_59 = arith.constant 0 : i32
        %dma_start3A_60 = tpu.memref_slice %dma_start3A_58[%add3A_54, %dma_start3A_59] : memref<10240x16xf32, #tpu.memory_space<hbm>> -> memref<80x16xf32, #tpu.memory_space<hbm>>
        %dma_start3A_61 = arith.constant 0 : i32
        %dma_start3A_62 = tpu.memref_slice %arg16[%add3A_54, %dma_start3A_61] : memref<10240x16xf32, #tpu.memory_space<vmem_shared>> -> memref<80x16xf32, #tpu.memory_space<vmem_shared>>
        tpu.enqueue_dma source(%dma_start3A_62 : memref<80x16xf32, #tpu.memory_space<vmem_shared>>) target(%dma_start3A_60 : memref<80x16xf32, #tpu.memory_space<hbm>>) target_semaphore(%run_scoped3A : memref<!tpu.dma_semaphore, #tpu.memory_space<semaphore_mem>>)
        %dma_wait3A = arith.constant 0 : i32
        %dma_wait3A_63 = arith.constant 0 : i32
        %dma_wait3A_64 = tpu.memref_slice %arg8[%arg0, %dma_wait3A, %dma_wait3A_63] : memref<2x10240x16xf32, #tpu.memory_space<hbm>> -> memref<1x10240x16xf32, #tpu.memory_space<hbm>>
        %dma_wait3A_65 = tpu.memref_squeeze %dma_wait3A_64 : memref<1x10240x16xf32, #tpu.memory_space<hbm>> -> memref<10240x16xf32, #tpu.memory_space<hbm>>
        %dma_wait3A_66 = arith.constant 0 : i32
        %dma_wait3A_67 = tpu.memref_slice %dma_wait3A_65[%add3A_54, %dma_wait3A_66] : memref<10240x16xf32, #tpu.memory_space<hbm>> -> memref<80x16xf32, #tpu.memory_space<hbm>>
        %dma_wait3A_68 = arith.constant 0 : i32
        %dma_wait3A_69 = tpu.memref_slice %arg16[%add3A_54, %dma_wait3A_68] : memref<10240x16xf32, #tpu.memory_space<vmem_shared>> -> memref<80x16xf32, #tpu.memory_space<vmem_shared>>
        tpu.wait_dma2 semaphore(%run_scoped3A : memref<!tpu.dma_semaphore, #tpu.memory_space<semaphore_mem>>) src(%dma_wait3A_69 : memref<80x16xf32, #tpu.memory_space<vmem_shared>>) dst(%dma_wait3A_67 : memref<80x16xf32, #tpu.memory_space<hbm>>)
        tpu.yield
      }) : () -> ()
      %scan3A_55 = arith.constant 0 : i32
      scf.yield %scan3A_55 : i32
    }
    %scan3A_47 = arith.constant 8 : i32
    return
  }
}

#map = affine_map<(d0, d1) -> (0, 0)>
#map1 = affine_map<(d0, d1) -> (0, 0, 0)>
module attributes {stable_mosaic.version = 14 : i64} {
  func.func @_edge_kernel_body(%arg0: i32, %arg1: i32, %arg2: memref<10000x64xf32, #tpu.memory_space<hbm>>, %arg3: memref<10000x64xf32, #tpu.memory_space<hbm>>, %arg4: memref<32x125x80xi32, #tpu.memory_space<hbm>>, %arg5: memref<32x125x80xi32, #tpu.memory_space<hbm>>, %arg6: memref<4x16xf32, #tpu.memory_space<hbm>>, %arg7: memref<2x10240x64xf32, #tpu.memory_space<hbm>>, %arg8: memref<2x10240x16xf32, #tpu.memory_space<hbm>>, %arg9: memref<80x64xf32, #tpu.memory_space<vmem>>, %arg10: memref<80x64xf32, #tpu.memory_space<vmem>>, %arg11: memref<80x16xf32, #tpu.memory_space<vmem>>, %arg12: memref<125x80xi32, #tpu.memory_space<vmem>>, %arg13: memref<125x80xi32, #tpu.memory_space<vmem>>, %arg14: memref<4x16xf32, #tpu.memory_space<vmem>>, %arg15: memref<10240x64xf32, #tpu.memory_space<vmem_shared>>, %arg16: memref<10240x16xf32, #tpu.memory_space<vmem_shared>>, %arg17: memref<!tpu.dma_semaphore, #tpu.memory_space<semaphore_mem>>, %arg18: memref<!tpu.dma_semaphore, #tpu.memory_space<semaphore_mem>>) attributes {dimension_semantics = [#tpu.dimension_semantics<core_parallel>, #tpu.dimension_semantics<subcore_parallel>], iteration_bounds = array<i64: 2, 16>, scalar_prefetch = 0 : i64, scratch_operands = 10 : i64, tpu.core_type = #tpu.core_type<sc_vector_subcore>, window_params = [{transform_indices = #map}, {transform_indices = #map}, {transform_indices = #map1}, {transform_indices = #map1}, {transform_indices = #map}, {transform_indices = #map1}, {transform_indices = #map1}]} {
    %mul3A = arith.constant 2 : i32
    %mul3A_0 = arith.muli %arg1, %mul3A : i32
    %add3A = arith.addi %mul3A_0, %arg0 : i32
    %scan3A = arith.constant 0 : i32
    %scan3A_1 = arith.constant 0 : i32
    %scan3A_2 = arith.constant 80 : i32
    %scan3A_3 = arith.addi %scan3A_1, %scan3A_2 : i32
    %scan3A_4 = arith.constant 1 : i32
    %scan3A_5 = scf.for %scan3A_48 = %scan3A_1 to %scan3A_3 step %scan3A_4 iter_args(%scan3A_49 = %scan3A) -> (i32)  : i32 {
      %broadcast_in_dim3A = arith.constant 0.000000e+00 : f32
      %broadcast_in_dim3A_50 = vector.broadcast %broadcast_in_dim3A : f32 to vector<16xf32>
      %swap3A = arith.index_cast %scan3A_48 : i32 to index
      %swap3A_51 = arith.constant 0 : index
      %swap3A_52 = tpu.vector_load %arg9[%swap3A, %swap3A_51] {strides = array<i32>} : memref<80x64xf32, #tpu.memory_space<vmem>>, vector<1x16xf32>,
      %swap3A_53 = vector.shape_cast %swap3A_52 : vector<1x16xf32> to vector<16xf32>
      %swap3A_54 = vector.shape_cast %broadcast_in_dim3A_50 : vector<16xf32> to vector<1x16xf32>
      tpu.vector_store %arg9[%swap3A, %swap3A_51], %swap3A_54 {strides = array<i32>} : memref<80x64xf32, #tpu.memory_space<vmem>>, vector<1x16xf32>,
      %broadcast_in_dim3A_55 = arith.constant 0.000000e+00 : f32
      %broadcast_in_dim3A_56 = vector.broadcast %broadcast_in_dim3A_55 : f32 to vector<16xf32>
      %swap3A_57 = arith.index_cast %scan3A_48 : i32 to index
      %swap3A_58 = arith.constant 16 : index
      %swap3A_59 = tpu.vector_load %arg9[%swap3A_57, %swap3A_58] {strides = array<i32>} : memref<80x64xf32, #tpu.memory_space<vmem>>, vector<1x16xf32>,
      %swap3A_60 = vector.shape_cast %swap3A_59 : vector<1x16xf32> to vector<16xf32>
      %swap3A_61 = vector.shape_cast %broadcast_in_dim3A_56 : vector<16xf32> to vector<1x16xf32>
      tpu.vector_store %arg9[%swap3A_57, %swap3A_58], %swap3A_61 {strides = array<i32>} : memref<80x64xf32, #tpu.memory_space<vmem>>, vector<1x16xf32>,
      %broadcast_in_dim3A_62 = arith.constant 0.000000e+00 : f32
      %broadcast_in_dim3A_63 = vector.broadcast %broadcast_in_dim3A_62 : f32 to vector<16xf32>
      %swap3A_64 = arith.index_cast %scan3A_48 : i32 to index
      %swap3A_65 = arith.constant 32 : index
      %swap3A_66 = tpu.vector_load %arg9[%swap3A_64, %swap3A_65] {strides = array<i32>} : memref<80x64xf32, #tpu.memory_space<vmem>>, vector<1x16xf32>,
      %swap3A_67 = vector.shape_cast %swap3A_66 : vector<1x16xf32> to vector<16xf32>
      %swap3A_68 = vector.shape_cast %broadcast_in_dim3A_63 : vector<16xf32> to vector<1x16xf32>
      tpu.vector_store %arg9[%swap3A_64, %swap3A_65], %swap3A_68 {strides = array<i32>} : memref<80x64xf32, #tpu.memory_space<vmem>>, vector<1x16xf32>,
      %broadcast_in_dim3A_69 = arith.constant 0.000000e+00 : f32
      %broadcast_in_dim3A_70 = vector.broadcast %broadcast_in_dim3A_69 : f32 to vector<16xf32>
      %swap3A_71 = arith.index_cast %scan3A_48 : i32 to index
      %swap3A_72 = arith.constant 48 : index
      %swap3A_73 = tpu.vector_load %arg9[%swap3A_71, %swap3A_72] {strides = array<i32>} : memref<80x64xf32, #tpu.memory_space<vmem>>, vector<1x16xf32>,
      %swap3A_74 = vector.shape_cast %swap3A_73 : vector<1x16xf32> to vector<16xf32>
      %swap3A_75 = vector.shape_cast %broadcast_in_dim3A_70 : vector<16xf32> to vector<1x16xf32>
      tpu.vector_store %arg9[%swap3A_71, %swap3A_72], %swap3A_75 {strides = array<i32>} : memref<80x64xf32, #tpu.memory_space<vmem>>, vector<1x16xf32>,
      %broadcast_in_dim3A_76 = arith.constant 0.000000e+00 : f32
      %broadcast_in_dim3A_77 = vector.broadcast %broadcast_in_dim3A_76 : f32 to vector<16xf32>
      %swap3A_78 = arith.index_cast %scan3A_48 : i32 to index
      %swap3A_79 = arith.constant 0 : index
      %swap3A_80 = tpu.vector_load %arg11[%swap3A_78, %swap3A_79] {strides = array<i32>} : memref<80x16xf32, #tpu.memory_space<vmem>>, vector<1x16xf32>,
      %swap3A_81 = vector.shape_cast %swap3A_80 : vector<1x16xf32> to vector<16xf32>
      %swap3A_82 = vector.shape_cast %broadcast_in_dim3A_77 : vector<16xf32> to vector<1x16xf32>
      tpu.vector_store %arg11[%swap3A_78, %swap3A_79], %swap3A_82 {strides = array<i32>} : memref<80x16xf32, #tpu.memory_space<vmem>>, vector<1x16xf32>,
      %scan3A_83 = arith.constant 0 : i32
      scf.yield %scan3A_83 : i32
    }
    %scan3A_6 = arith.constant 80 : i32
    %scan3A_7 = arith.constant 0 : i32
    %scan3A_8 = arith.constant 0 : i32
    %scan3A_9 = arith.constant 8 : i32
    %scan3A_10 = arith.addi %scan3A_8, %scan3A_9 : i32
    %scan3A_11 = arith.constant 1 : i32
    %scan3A_12 = scf.for %scan3A_48 = %scan3A_8 to %scan3A_10 step %scan3A_11 iter_args(%scan3A_49 = %scan3A_7) -> (i32)  : i32 {
      %mul3A_50 = arith.constant 640 : i32
      %mul3A_51 = arith.muli %arg1, %mul3A_50 : i32
      %mul3A_52 = arith.constant 80 : i32
      %mul3A_53 = arith.muli %scan3A_48, %mul3A_52 : i32
      %add3A_54 = arith.addi %mul3A_51, %mul3A_53 : i32
      "tpu.region"() ({
        %run_scoped3A = tpu.sem_alloc : memref<!tpu.dma_semaphore, #tpu.memory_space<semaphore_mem>>
        %dma_start3A = arith.constant 0 : i32
        %dma_start3A_56 = tpu.memref_slice %arg15[%add3A_54, %dma_start3A] : memref<10240x64xf32, #tpu.memory_space<vmem_shared>> -> memref<80x64xf32, #tpu.memory_space<vmem_shared>>
        %dma_start3A_57 = arith.constant 0 : i32
        %dma_start3A_58 = tpu.memref_slice %arg15[%add3A_54, %dma_start3A_57] : memref<10240x64xf32, #tpu.memory_space<vmem_shared>> -> memref<80x64xf32, #tpu.memory_space<vmem_shared>>
        tpu.enqueue_dma source(%arg9 : memref<80x64xf32, #tpu.memory_space<vmem>>) target(%dma_start3A_58 : memref<80x64xf32, #tpu.memory_space<vmem_shared>>) target_semaphore(%run_scoped3A : memref<!tpu.dma_semaphore, #tpu.memory_space<semaphore_mem>>)
        %dma_wait3A = arith.constant 0 : i32
        %dma_wait3A_59 = tpu.memref_slice %arg15[%add3A_54, %dma_wait3A] : memref<10240x64xf32, #tpu.memory_space<vmem_shared>> -> memref<80x64xf32, #tpu.memory_space<vmem_shared>>
        %dma_wait3A_60 = arith.constant 0 : i32
        %dma_wait3A_61 = tpu.memref_slice %arg15[%add3A_54, %dma_wait3A_60] : memref<10240x64xf32, #tpu.memory_space<vmem_shared>> -> memref<80x64xf32, #tpu.memory_space<vmem_shared>>
        tpu.wait_dma2 semaphore(%run_scoped3A : memref<!tpu.dma_semaphore, #tpu.memory_space<semaphore_mem>>) src(%arg9 : memref<80x64xf32, #tpu.memory_space<vmem>>) dst(%dma_wait3A_61 : memref<80x64xf32, #tpu.memory_space<vmem_shared>>)
        tpu.yield
      }) : () -> ()
      "tpu.region"() ({
        %run_scoped3A = tpu.sem_alloc : memref<!tpu.dma_semaphore, #tpu.memory_space<semaphore_mem>>
        %dma_start3A = arith.constant 0 : i32
        %dma_start3A_56 = tpu.memref_slice %arg16[%add3A_54, %dma_start3A] : memref<10240x16xf32, #tpu.memory_space<vmem_shared>> -> memref<80x16xf32, #tpu.memory_space<vmem_shared>>
        %dma_start3A_57 = arith.constant 0 : i32
        %dma_start3A_58 = tpu.memref_slice %arg16[%add3A_54, %dma_start3A_57] : memref<10240x16xf32, #tpu.memory_space<vmem_shared>> -> memref<80x16xf32, #tpu.memory_space<vmem_shared>>
        tpu.enqueue_dma source(%arg11 : memref<80x16xf32, #tpu.memory_space<vmem>>) target(%dma_start3A_58 : memref<80x16xf32, #tpu.memory_space<vmem_shared>>) target_semaphore(%run_scoped3A : memref<!tpu.dma_semaphore, #tpu.memory_space<semaphore_mem>>)
        %dma_wait3A = arith.constant 0 : i32
        %dma_wait3A_59 = tpu.memref_slice %arg16[%add3A_54, %dma_wait3A] : memref<10240x16xf32, #tpu.memory_space<vmem_shared>> -> memref<80x16xf32, #tpu.memory_space<vmem_shared>>
        %dma_wait3A_60 = arith.constant 0 : i32
        %dma_wait3A_61 = tpu.memref_slice %arg16[%add3A_54, %dma_wait3A_60] : memref<10240x16xf32, #tpu.memory_space<vmem_shared>> -> memref<80x16xf32, #tpu.memory_space<vmem_shared>>
        tpu.wait_dma2 semaphore(%run_scoped3A : memref<!tpu.dma_semaphore, #tpu.memory_space<semaphore_mem>>) src(%arg11 : memref<80x16xf32, #tpu.memory_space<vmem>>) dst(%dma_wait3A_61 : memref<80x16xf32, #tpu.memory_space<vmem_shared>>)
        tpu.yield
      }) : () -> ()
      %scan3A_55 = arith.constant 0 : i32
      scf.yield %scan3A_55 : i32
    }
    %scan3A_13 = arith.constant 8 : i32
    %barrier3A = arith.constant 0 : index
    tpu.barrier barrier_id(%barrier3A)
    "tpu.region"() ({
      %run_scoped3A = tpu.sem_alloc : memref<!tpu.dma_semaphore, #tpu.memory_space<semaphore_mem>>
      tpu.enqueue_dma source(%arg6 : memref<4x16xf32, #tpu.memory_space<hbm>>) target(%arg14 : memref<4x16xf32, #tpu.memory_space<vmem>>) target_semaphore(%run_scoped3A : memref<!tpu.dma_semaphore, #tpu.memory_space<semaphore_mem>>)
      tpu.wait_dma2 semaphore(%run_scoped3A : memref<!tpu.dma_semaphore, #tpu.memory_space<semaphore_mem>>) src(%arg6 : memref<4x16xf32, #tpu.memory_space<hbm>>) dst(%arg14 : memref<4x16xf32, #tpu.memory_space<vmem>>)
      tpu.yield
    }) : () -> ()
    %get3A = arith.constant 0 : i32
    %get3A_14 = arith.index_cast %get3A : i32 to index
    %get3A_15 = arith.constant 0 : index
    %get3A_16 = tpu.vector_load %arg14[%get3A_14, %get3A_15] {strides = array<i32>} : memref<4x16xf32, #tpu.memory_space<vmem>>, vector<1x16xf32>,
    %get3A_17 = vector.shape_cast %get3A_16 : vector<1x16xf32> to vector<16xf32>
    %get3A_18 = arith.constant 1 : i32
    %get3A_19 = arith.index_cast %get3A_18 : i32 to index
    %get3A_20 = arith.constant 0 : index
    %get3A_21 = tpu.vector_load %arg14[%get3A_19, %get3A_20] {strides = array<i32>} : memref<4x16xf32, #tpu.memory_space<vmem>>, vector<1x16xf32>,
    %get3A_22 = vector.shape_cast %get3A_21 : vector<1x16xf32> to vector<16xf32>
    %get3A_23 = arith.constant 2 : i32
    %get3A_24 = arith.index_cast %get3A_23 : i32 to index
    %get3A_25 = arith.constant 0 : index
    %get3A_26 = tpu.vector_load %arg14[%get3A_24, %get3A_25] {strides = array<i32>} : memref<4x16xf32, #tpu.memory_space<vmem>>, vector<1x16xf32>,
    %get3A_27 = vector.shape_cast %get3A_26 : vector<1x16xf32> to vector<16xf32>
    %get3A_28 = arith.constant 3 : i32
    %get3A_29 = arith.index_cast %get3A_28 : i32 to index
    %get3A_30 = arith.constant 0 : index
    %get3A_31 = tpu.vector_load %arg14[%get3A_29, %get3A_30] {strides = array<i32>} : memref<4x16xf32, #tpu.memory_space<vmem>>, vector<1x16xf32>,
    %get3A_32 = vector.shape_cast %get3A_31 : vector<1x16xf32> to vector<16xf32>
    %iota3A = tpu.iota {dimensions = array<i32: 0>} : vector<16xi32>
    "tpu.region"() ({
      %run_scoped3A = tpu.sem_alloc : memref<!tpu.dma_semaphore, #tpu.memory_space<semaphore_mem>>
      %dma_start3A = arith.constant 0 : i32
      %dma_start3A_48 = arith.constant 0 : i32
      %dma_start3A_49 = tpu.memref_slice %arg4[%add3A, %dma_start3A, %dma_start3A_48] : memref<32x125x80xi32, #tpu.memory_space<hbm>> -> memref<1x125x80xi32, #tpu.memory_space<hbm>>
      %dma_start3A_50 = tpu.memref_squeeze %dma_start3A_49 : memref<1x125x80xi32, #tpu.memory_space<hbm>> -> memref<125x80xi32, #tpu.memory_space<hbm>>
      %dma_start3A_51 = arith.constant 0 : i32
      %dma_start3A_52 = arith.constant 0 : i32
      %dma_start3A_53 = tpu.memref_slice %arg4[%add3A, %dma_start3A_51, %dma_start3A_52] : memref<32x125x80xi32, #tpu.memory_space<hbm>> -> memref<1x125x80xi32, #tpu.memory_space<hbm>>
      %dma_start3A_54 = tpu.memref_squeeze %dma_start3A_53 : memref<1x125x80xi32, #tpu.memory_space<hbm>> -> memref<125x80xi32, #tpu.memory_space<hbm>>
      tpu.enqueue_dma source(%dma_start3A_54 : memref<125x80xi32, #tpu.memory_space<hbm>>) target(%arg12 : memref<125x80xi32, #tpu.memory_space<vmem>>) target_semaphore(%run_scoped3A : memref<!tpu.dma_semaphore, #tpu.memory_space<semaphore_mem>>)
      %dma_wait3A = arith.constant 0 : i32
      %dma_wait3A_55 = arith.constant 0 : i32
      %dma_wait3A_56 = tpu.memref_slice %arg4[%add3A, %dma_wait3A, %dma_wait3A_55] : memref<32x125x80xi32, #tpu.memory_space<hbm>> -> memref<1x125x80xi32, #tpu.memory_space<hbm>>
      %dma_wait3A_57 = tpu.memref_squeeze %dma_wait3A_56 : memref<1x125x80xi32, #tpu.memory_space<hbm>> -> memref<125x80xi32, #tpu.memory_space<hbm>>
      %dma_wait3A_58 = arith.constant 0 : i32
      %dma_wait3A_59 = arith.constant 0 : i32
      %dma_wait3A_60 = tpu.memref_slice %arg4[%add3A, %dma_wait3A_58, %dma_wait3A_59] : memref<32x125x80xi32, #tpu.memory_space<hbm>> -> memref<1x125x80xi32, #tpu.memory_space<hbm>>
      %dma_wait3A_61 = tpu.memref_squeeze %dma_wait3A_60 : memref<1x125x80xi32, #tpu.memory_space<hbm>> -> memref<125x80xi32, #tpu.memory_space<hbm>>
      tpu.wait_dma2 semaphore(%run_scoped3A : memref<!tpu.dma_semaphore, #tpu.memory_space<semaphore_mem>>) src(%dma_wait3A_61 : memref<125x80xi32, #tpu.memory_space<hbm>>) dst(%arg12 : memref<125x80xi32, #tpu.memory_space<vmem>>)
      tpu.yield
    }) : () -> ()
    "tpu.region"() ({
      %run_scoped3A = tpu.sem_alloc : memref<!tpu.dma_semaphore, #tpu.memory_space<semaphore_mem>>
      %dma_start3A = arith.constant 0 : i32
      %dma_start3A_48 = arith.constant 0 : i32
      %dma_start3A_49 = tpu.memref_slice %arg5[%add3A, %dma_start3A, %dma_start3A_48] : memref<32x125x80xi32, #tpu.memory_space<hbm>> -> memref<1x125x80xi32, #tpu.memory_space<hbm>>
      %dma_start3A_50 = tpu.memref_squeeze %dma_start3A_49 : memref<1x125x80xi32, #tpu.memory_space<hbm>> -> memref<125x80xi32, #tpu.memory_space<hbm>>
      %dma_start3A_51 = arith.constant 0 : i32
      %dma_start3A_52 = arith.constant 0 : i32
      %dma_start3A_53 = tpu.memref_slice %arg5[%add3A, %dma_start3A_51, %dma_start3A_52] : memref<32x125x80xi32, #tpu.memory_space<hbm>> -> memref<1x125x80xi32, #tpu.memory_space<hbm>>
      %dma_start3A_54 = tpu.memref_squeeze %dma_start3A_53 : memref<1x125x80xi32, #tpu.memory_space<hbm>> -> memref<125x80xi32, #tpu.memory_space<hbm>>
      tpu.enqueue_dma source(%dma_start3A_54 : memref<125x80xi32, #tpu.memory_space<hbm>>) target(%arg13 : memref<125x80xi32, #tpu.memory_space<vmem>>) target_semaphore(%run_scoped3A : memref<!tpu.dma_semaphore, #tpu.memory_space<semaphore_mem>>)
      %dma_wait3A = arith.constant 0 : i32
      %dma_wait3A_55 = arith.constant 0 : i32
      %dma_wait3A_56 = tpu.memref_slice %arg5[%add3A, %dma_wait3A, %dma_wait3A_55] : memref<32x125x80xi32, #tpu.memory_space<hbm>> -> memref<1x125x80xi32, #tpu.memory_space<hbm>>
      %dma_wait3A_57 = tpu.memref_squeeze %dma_wait3A_56 : memref<1x125x80xi32, #tpu.memory_space<hbm>> -> memref<125x80xi32, #tpu.memory_space<hbm>>
      %dma_wait3A_58 = arith.constant 0 : i32
      %dma_wait3A_59 = arith.constant 0 : i32
      %dma_wait3A_60 = tpu.memref_slice %arg5[%add3A, %dma_wait3A_58, %dma_wait3A_59] : memref<32x125x80xi32, #tpu.memory_space<hbm>> -> memref<1x125x80xi32, #tpu.memory_space<hbm>>
      %dma_wait3A_61 = tpu.memref_squeeze %dma_wait3A_60 : memref<1x125x80xi32, #tpu.memory_space<hbm>> -> memref<125x80xi32, #tpu.memory_space<hbm>>
      tpu.wait_dma2 semaphore(%run_scoped3A : memref<!tpu.dma_semaphore, #tpu.memory_space<semaphore_mem>>) src(%dma_wait3A_61 : memref<125x80xi32, #tpu.memory_space<hbm>>) dst(%arg13 : memref<125x80xi32, #tpu.memory_space<vmem>>)
      tpu.yield
    }) : () -> ()
    %scan3A_33 = arith.constant 0 : i32
    %scan3A_34 = arith.constant 0 : i32
    %scan3A_35 = arith.constant 125 : i32
    %scan3A_36 = arith.addi %scan3A_34, %scan3A_35 : i32
    %scan3A_37 = arith.constant 1 : i32
    %scan3A_38 = scf.for %scan3A_48 = %scan3A_34 to %scan3A_36 step %scan3A_37 iter_args(%scan3A_49 = %scan3A_33) -> (i32)  : i32 {
      %dma_start3A = arith.constant 0 : i32
      %dma_start3A_50 = tpu.memref_slice %arg12[%scan3A_48, %dma_start3A] : memref<125x80xi32, #tpu.memory_space<vmem>> -> memref<1x80xi32, #tpu.memory_space<vmem>>
      %dma_start3A_51 = tpu.memref_squeeze %dma_start3A_50 : memref<1x80xi32, #tpu.memory_space<vmem>> -> memref<80xi32, #tpu.memory_space<vmem>>
      %dma_start3A_52 = arith.constant 0 : i32
      %dma_start3A_53 = arith.constant 0 : i32
      %dma_start3A_54 = tpu.memref_slice %arg2[%dma_start3A_52, %dma_start3A_53] : memref<10000x64xf32, #tpu.memory_space<hbm>> -> memref<10000x64xf32, #tpu.memory_space<hbm>>
      tpu.enqueue_indirect_dma source(%dma_start3A_54 : memref<10000x64xf32, #tpu.memory_space<hbm>>) target(%arg9 : memref<80x64xf32, #tpu.memory_space<vmem>>) offsets(%dma_start3A_51 : memref<80xi32, #tpu.memory_space<vmem>>) semaphore(%arg17 : memref<!tpu.dma_semaphore, #tpu.memory_space<semaphore_mem>>)
      %dma_start3A_55 = arith.constant 0 : i32
      %dma_start3A_56 = tpu.memref_slice %arg13[%scan3A_48, %dma_start3A_55] : memref<125x80xi32, #tpu.memory_space<vmem>> -> memref<1x80xi32, #tpu.memory_space<vmem>>
      %dma_start3A_57 = tpu.memref_squeeze %dma_start3A_56 : memref<1x80xi32, #tpu.memory_space<vmem>> -> memref<80xi32, #tpu.memory_space<vmem>>
      %dma_start3A_58 = arith.constant 0 : i32
      %dma_start3A_59 = arith.constant 0 : i32
      %dma_start3A_60 = tpu.memref_slice %arg3[%dma_start3A_58, %dma_start3A_59] : memref<10000x64xf32, #tpu.memory_space<hbm>> -> memref<10000x64xf32, #tpu.memory_space<hbm>>
      tpu.enqueue_indirect_dma source(%dma_start3A_60 : memref<10000x64xf32, #tpu.memory_space<hbm>>) target(%arg10 : memref<80x64xf32, #tpu.memory_space<vmem>>) offsets(%dma_start3A_57 : memref<80xi32, #tpu.memory_space<vmem>>) semaphore(%arg18 : memref<!tpu.dma_semaphore, #tpu.memory_space<semaphore_mem>>)
      %dma_wait3A = arith.constant 0 : i32
      %dma_wait3A_61 = tpu.memref_slice %arg12[%scan3A_48, %dma_wait3A] : memref<125x80xi32, #tpu.memory_space<vmem>> -> memref<1x80xi32, #tpu.memory_space<vmem>>
      %dma_wait3A_62 = tpu.memref_squeeze %dma_wait3A_61 : memref<1x80xi32, #tpu.memory_space<vmem>> -> memref<80xi32, #tpu.memory_space<vmem>>
      %dma_wait3A_63 = arith.constant 0 : i32
      %dma_wait3A_64 = arith.constant 0 : i32
      %dma_wait3A_65 = tpu.memref_slice %arg2[%dma_wait3A_63, %dma_wait3A_64] : memref<10000x64xf32, #tpu.memory_space<hbm>> -> memref<10000x64xf32, #tpu.memory_space<hbm>>
      tpu.wait_indirect_dma semaphore(%arg17 : memref<!tpu.dma_semaphore, #tpu.memory_space<semaphore_mem>>) src(%dma_wait3A_65 : memref<10000x64xf32, #tpu.memory_space<hbm>>) dst(%arg9 : memref<80x64xf32, #tpu.memory_space<vmem>>)
      %dma_wait3A_66 = arith.constant 0 : i32
      %dma_wait3A_67 = tpu.memref_slice %arg13[%scan3A_48, %dma_wait3A_66] : memref<125x80xi32, #tpu.memory_space<vmem>> -> memref<1x80xi32, #tpu.memory_space<vmem>>
      %dma_wait3A_68 = tpu.memref_squeeze %dma_wait3A_67 : memref<1x80xi32, #tpu.memory_space<vmem>> -> memref<80xi32, #tpu.memory_space<vmem>>
      %dma_wait3A_69 = arith.constant 0 : i32
      %dma_wait3A_70 = arith.constant 0 : i32
      %dma_wait3A_71 = tpu.memref_slice %arg3[%dma_wait3A_69, %dma_wait3A_70] : memref<10000x64xf32, #tpu.memory_space<hbm>> -> memref<10000x64xf32, #tpu.memory_space<hbm>>
      tpu.wait_indirect_dma semaphore(%arg18 : memref<!tpu.dma_semaphore, #tpu.memory_space<semaphore_mem>>) src(%dma_wait3A_71 : memref<10000x64xf32, #tpu.memory_space<hbm>>) dst(%arg10 : memref<80x64xf32, #tpu.memory_space<vmem>>)
      %and3A = arith.constant 1 : i32
      %and3A_72 = vector.broadcast %and3A : i32 to vector<16xi32>
      %and3A_73 = arith.andi %iota3A, %and3A_72 : vector<16xi32>
      %mul3A_74 = arith.constant 8 : i32
      %mul3A_75 = vector.broadcast %mul3A_74 : i32 to vector<16xi32>
      %mul3A_76 = arith.muli %and3A_73, %mul3A_75 : vector<16xi32>
      %and3A_77 = arith.constant 2 : i32
      %and3A_78 = vector.broadcast %and3A_77 : i32 to vector<16xi32>
      %and3A_79 = arith.andi %iota3A, %and3A_78 : vector<16xi32>
      %mul3A_80 = arith.constant 2 : i32
      %mul3A_81 = vector.broadcast %mul3A_80 : i32 to vector<16xi32>
      %mul3A_82 = arith.muli %and3A_79, %mul3A_81 : vector<16xi32>
      %or3A = arith.ori %mul3A_76, %mul3A_82 : vector<16xi32>
      %broadcast_in_dim3A = arith.constant 0 : i32
      %broadcast_in_dim3A_83 = vector.broadcast %broadcast_in_dim3A : i32 to vector<16xi32>
      %broadcast_in_dim3A_84 = arith.constant 8 : i32
      %broadcast_in_dim3A_85 = vector.broadcast %broadcast_in_dim3A_84 : i32 to vector<16xi32>
      %broadcast_in_dim3A_86 = arith.constant 4 : i32
      %broadcast_in_dim3A_87 = vector.broadcast %broadcast_in_dim3A_86 : i32 to vector<16xi32>
      %broadcast_in_dim3A_88 = arith.constant 12 : i32
      %broadcast_in_dim3A_89 = vector.broadcast %broadcast_in_dim3A_88 : i32 to vector<16xi32>
      %scan3A_90 = arith.constant 0 : i32
      %scan3A_91 = arith.constant 0 : i32
      %scan3A_92 = arith.constant 80 : i32
      %scan3A_93 = arith.addi %scan3A_91, %scan3A_92 : i32
      %scan3A_94 = arith.constant 1 : i32
      %scan3A_95 = scf.for %scan3A_98 = %scan3A_91 to %scan3A_93 step %scan3A_94 iter_args(%scan3A_99 = %scan3A_90) -> (i32)  : i32 {
        %get3A_100 = arith.index_cast %scan3A_98 : i32 to index
        %get3A_101 = arith.constant 0 : index
        %get3A_102 = tpu.vector_load %arg9[%get3A_100, %get3A_101] {strides = array<i32>} : memref<80x64xf32, #tpu.memory_space<vmem>>, vector<1x16xf32>,
        %get3A_103 = vector.shape_cast %get3A_102 : vector<1x16xf32> to vector<16xf32>
        %get3A_104 = arith.index_cast %scan3A_98 : i32 to index
        %get3A_105 = arith.constant 0 : index
        %get3A_106 = tpu.vector_load %arg10[%get3A_104, %get3A_105] {strides = array<i32>} : memref<80x64xf32, #tpu.memory_space<vmem>>, vector<1x16xf32>,
        %get3A_107 = vector.shape_cast %get3A_106 : vector<1x16xf32> to vector<16xf32>
        %add3A_108 = arith.addf %get3A_103, %get3A_107 : vector<16xf32>
        %mul3A_109 = arith.constant 2.000000e-01 : f32
        %mul3A_110 = vector.broadcast %mul3A_109 : f32 to vector<16xf32>
        %mul3A_111 = arith.mulf %mul3A_110, %add3A_108 : vector<16xf32>
        %max3A = arith.maximumf %add3A_108, %mul3A_111 : vector<16xf32>
        %mul3A_112 = arith.mulf %max3A, %get3A_17 : vector<16xf32>
        %get3A_113 = arith.index_cast %scan3A_98 : i32 to index
        %get3A_114 = arith.constant 16 : index
        %get3A_115 = tpu.vector_load %arg9[%get3A_113, %get3A_114] {strides = array<i32>} : memref<80x64xf32, #tpu.memory_space<vmem>>, vector<1x16xf32>,
        %get3A_116 = vector.shape_cast %get3A_115 : vector<1x16xf32> to vector<16xf32>
        %get3A_117 = arith.index_cast %scan3A_98 : i32 to index
        %get3A_118 = arith.constant 16 : index
        %get3A_119 = tpu.vector_load %arg10[%get3A_117, %get3A_118] {strides = array<i32>} : memref<80x64xf32, #tpu.memory_space<vmem>>, vector<1x16xf32>,
        %get3A_120 = vector.shape_cast %get3A_119 : vector<1x16xf32> to vector<16xf32>
        %add3A_121 = arith.addf %get3A_116, %get3A_120 : vector<16xf32>
        %mul3A_122 = arith.constant 2.000000e-01 : f32
        %mul3A_123 = vector.broadcast %mul3A_122 : f32 to vector<16xf32>
        %mul3A_124 = arith.mulf %mul3A_123, %add3A_121 : vector<16xf32>
        %max3A_125 = arith.maximumf %add3A_121, %mul3A_124 : vector<16xf32>
        %mul3A_126 = arith.mulf %max3A_125, %get3A_22 : vector<16xf32>
        %get3A_127 = arith.index_cast %scan3A_98 : i32 to index
        %get3A_128 = arith.constant 32 : index
        %get3A_129 = tpu.vector_load %arg9[%get3A_127, %get3A_128] {strides = array<i32>} : memref<80x64xf32, #tpu.memory_space<vmem>>, vector<1x16xf32>,
        %get3A_130 = vector.shape_cast %get3A_129 : vector<1x16xf32> to vector<16xf32>
        %get3A_131 = arith.index_cast %scan3A_98 : i32 to index
        %get3A_132 = arith.constant 32 : index
        %get3A_133 = tpu.vector_load %arg10[%get3A_131, %get3A_132] {strides = array<i32>} : memref<80x64xf32, #tpu.memory_space<vmem>>, vector<1x16xf32>,
        %get3A_134 = vector.shape_cast %get3A_133 : vector<1x16xf32> to vector<16xf32>
        %add3A_135 = arith.addf %get3A_130, %get3A_134 : vector<16xf32>
        %mul3A_136 = arith.constant 2.000000e-01 : f32
        %mul3A_137 = vector.broadcast %mul3A_136 : f32 to vector<16xf32>
        %mul3A_138 = arith.mulf %mul3A_137, %add3A_135 : vector<16xf32>
        %max3A_139 = arith.maximumf %add3A_135, %mul3A_138 : vector<16xf32>
        %mul3A_140 = arith.mulf %max3A_139, %get3A_27 : vector<16xf32>
        %get3A_141 = arith.index_cast %scan3A_98 : i32 to index
        %get3A_142 = arith.constant 48 : index
        %get3A_143 = tpu.vector_load %arg9[%get3A_141, %get3A_142] {strides = array<i32>} : memref<80x64xf32, #tpu.memory_space<vmem>>, vector<1x16xf32>,
        %get3A_144 = vector.shape_cast %get3A_143 : vector<1x16xf32> to vector<16xf32>
        %get3A_145 = arith.index_cast %scan3A_98 : i32 to index
        %get3A_146 = arith.constant 48 : index
        %get3A_147 = tpu.vector_load %arg10[%get3A_145, %get3A_146] {strides = array<i32>} : memref<80x64xf32, #tpu.memory_space<vmem>>, vector<1x16xf32>,
        %get3A_148 = vector.shape_cast %get3A_147 : vector<1x16xf32> to vector<16xf32>
        %add3A_149 = arith.addf %get3A_144, %get3A_148 : vector<16xf32>
        %mul3A_150 = arith.constant 2.000000e-01 : f32
        %mul3A_151 = vector.broadcast %mul3A_150 : f32 to vector<16xf32>
        %mul3A_152 = arith.mulf %mul3A_151, %add3A_149 : vector<16xf32>
        %max3A_153 = arith.maximumf %add3A_149, %mul3A_152 : vector<16xf32>
        %mul3A_154 = arith.mulf %max3A_153, %get3A_32 : vector<16xf32>
        %add3A_155 = arith.constant 8 : i32
        %add3A_156 = vector.broadcast %add3A_155 : i32 to vector<16xi32>
        %add3A_157 = arith.addi %iota3A, %add3A_156 : vector<16xi32>
        %and3A_158 = arith.constant 15 : i32
        %and3A_159 = vector.broadcast %and3A_158 : i32 to vector<16xi32>
        %and3A_160 = arith.andi %add3A_157, %and3A_159 : vector<16xi32>
        %and3A_161 = arith.constant 8 : i32
        %and3A_162 = vector.broadcast %and3A_161 : i32 to vector<16xi32>
        %and3A_163 = arith.andi %iota3A, %and3A_162 : vector<16xi32>
        %add3A_164 = arith.constant 4 : i32
        %add3A_165 = vector.broadcast %add3A_164 : i32 to vector<16xi32>
        %add3A_166 = arith.addi %iota3A, %add3A_165 : vector<16xi32>
        %and3A_167 = arith.constant 7 : i32
        %and3A_168 = vector.broadcast %and3A_167 : i32 to vector<16xi32>
        %and3A_169 = arith.andi %add3A_166, %and3A_168 : vector<16xi32>
        %or3A_170 = arith.ori %and3A_163, %and3A_169 : vector<16xi32>
        %and3A_171 = arith.constant 12 : i32
        %and3A_172 = vector.broadcast %and3A_171 : i32 to vector<16xi32>
        %and3A_173 = arith.andi %iota3A, %and3A_172 : vector<16xi32>
        %add3A_174 = arith.constant 2 : i32
        %add3A_175 = vector.broadcast %add3A_174 : i32 to vector<16xi32>
        %add3A_176 = arith.addi %iota3A, %add3A_175 : vector<16xi32>
        %and3A_177 = arith.constant 3 : i32
        %and3A_178 = vector.broadcast %and3A_177 : i32 to vector<16xi32>
        %and3A_179 = arith.andi %add3A_176, %and3A_178 : vector<16xi32>
        %or3A_180 = arith.ori %and3A_173, %and3A_179 : vector<16xi32>
        %and3A_181 = arith.constant 14 : i32
        %and3A_182 = vector.broadcast %and3A_181 : i32 to vector<16xi32>
        %and3A_183 = arith.andi %iota3A, %and3A_182 : vector<16xi32>
        %add3A_184 = arith.constant 1 : i32
        %add3A_185 = vector.broadcast %add3A_184 : i32 to vector<16xi32>
        %add3A_186 = arith.addi %iota3A, %add3A_185 : vector<16xi32>
        %and3A_187 = arith.constant 1 : i32
        %and3A_188 = vector.broadcast %and3A_187 : i32 to vector<16xi32>
        %and3A_189 = arith.andi %add3A_186, %and3A_188 : vector<16xi32>
        %or3A_190 = arith.ori %and3A_183, %and3A_189 : vector<16xi32>
        %lt3A = arith.constant 8 : i32
        %lt3A_191 = vector.broadcast %lt3A : i32 to vector<16xi32>
        %lt3A_192 = arith.cmpi slt, %iota3A, %lt3A_191 : vector<16xi32>
        %and3A_193 = arith.constant 4 : i32
        %and3A_194 = vector.broadcast %and3A_193 : i32 to vector<16xi32>
        %and3A_195 = arith.andi %iota3A, %and3A_194 : vector<16xi32>
        %eq3A = arith.constant 0 : i32
        %eq3A_196 = vector.broadcast %eq3A : i32 to vector<16xi32>
        %eq3A_197 = arith.cmpi eq, %and3A_195, %eq3A_196 : vector<16xi32>
        %broadcast_in_dim3A_198 = vector.shape_cast %and3A_160 : vector<16xi32> to vector<16x1xi32>
        %gather3A = vector.shape_cast %broadcast_in_dim3A_198 : vector<16x1xi32> to vector<16xi32>
        %gather3A_199 = tpu.dynamic_gather %mul3A_112[%gather3A] in [0] : vector<16xf32>, vector<16xi32> -> vector<16xf32>
        %add3A_200 = arith.addf %mul3A_112, %gather3A_199 : vector<16xf32>
        %broadcast_in_dim3A_201 = vector.shape_cast %and3A_160 : vector<16xi32> to vector<16x1xi32>
        %gather3A_202 = vector.shape_cast %broadcast_in_dim3A_201 : vector<16x1xi32> to vector<16xi32>
        %gather3A_203 = tpu.dynamic_gather %mul3A_126[%gather3A_202] in [0] : vector<16xf32>, vector<16xi32> -> vector<16xf32>
        %add3A_204 = arith.addf %mul3A_126, %gather3A_203 : vector<16xf32>
        %broadcast_in_dim3A_205 = vector.shape_cast %and3A_160 : vector<16xi32> to vector<16x1xi32>
        %gather3A_206 = vector.shape_cast %broadcast_in_dim3A_205 : vector<16x1xi32> to vector<16xi32>
        %gather3A_207 = tpu.dynamic_gather %mul3A_140[%gather3A_206] in [0] : vector<16xf32>, vector<16xi32> -> vector<16xf32>
        %add3A_208 = arith.addf %mul3A_140, %gather3A_207 : vector<16xf32>
        %broadcast_in_dim3A_209 = vector.shape_cast %and3A_160 : vector<16xi32> to vector<16x1xi32>
        %gather3A_210 = vector.shape_cast %broadcast_in_dim3A_209 : vector<16x1xi32> to vector<16xi32>
        %gather3A_211 = tpu.dynamic_gather %mul3A_154[%gather3A_210] in [0] : vector<16xf32>, vector<16xi32> -> vector<16xf32>
        %add3A_212 = arith.addf %mul3A_154, %gather3A_211 : vector<16xf32>
        %broadcast_in_dim3A_213 = vector.shape_cast %and3A_160 : vector<16xi32> to vector<16x1xi32>
        %gather3A_214 = vector.shape_cast %broadcast_in_dim3A_213 : vector<16x1xi32> to vector<16xi32>
        %gather3A_215 = tpu.dynamic_gather %add3A_204[%gather3A_214] in [0] : vector<16xf32>, vector<16xi32> -> vector<16xf32>
        %select_n3A = arith.select %lt3A_192, %add3A_200, %gather3A_215 : vector<16xi1>, vector<16xf32>
        %broadcast_in_dim3A_216 = vector.shape_cast %and3A_160 : vector<16xi32> to vector<16x1xi32>
        %gather3A_217 = vector.shape_cast %broadcast_in_dim3A_216 : vector<16x1xi32> to vector<16xi32>
        %gather3A_218 = tpu.dynamic_gather %add3A_212[%gather3A_217] in [0] : vector<16xf32>, vector<16xi32> -> vector<16xf32>
        %select_n3A_219 = arith.select %lt3A_192, %add3A_208, %gather3A_218 : vector<16xi1>, vector<16xf32>
        %broadcast_in_dim3A_220 = vector.shape_cast %or3A_170 : vector<16xi32> to vector<16x1xi32>
        %gather3A_221 = vector.shape_cast %broadcast_in_dim3A_220 : vector<16x1xi32> to vector<16xi32>
        %gather3A_222 = tpu.dynamic_gather %select_n3A[%gather3A_221] in [0] : vector<16xf32>, vector<16xi32> -> vector<16xf32>
        %add3A_223 = arith.addf %select_n3A, %gather3A_222 : vector<16xf32>
        %broadcast_in_dim3A_224 = vector.shape_cast %or3A_170 : vector<16xi32> to vector<16x1xi32>
        %gather3A_225 = vector.shape_cast %broadcast_in_dim3A_224 : vector<16x1xi32> to vector<16xi32>
        %gather3A_226 = tpu.dynamic_gather %select_n3A_219[%gather3A_225] in [0] : vector<16xf32>, vector<16xi32> -> vector<16xf32>
        %add3A_227 = arith.addf %select_n3A_219, %gather3A_226 : vector<16xf32>
        %broadcast_in_dim3A_228 = vector.shape_cast %or3A_170 : vector<16xi32> to vector<16x1xi32>
        %gather3A_229 = vector.shape_cast %broadcast_in_dim3A_228 : vector<16x1xi32> to vector<16xi32>
        %gather3A_230 = tpu.dynamic_gather %add3A_227[%gather3A_229] in [0] : vector<16xf32>, vector<16xi32> -> vector<16xf32>
        %select_n3A_231 = arith.select %eq3A_197, %add3A_223, %gather3A_230 : vector<16xi1>, vector<16xf32>
        %broadcast_in_dim3A_232 = vector.shape_cast %or3A_180 : vector<16xi32> to vector<16x1xi32>
        %gather3A_233 = vector.shape_cast %broadcast_in_dim3A_232 : vector<16x1xi32> to vector<16xi32>
        %gather3A_234 = tpu.dynamic_gather %select_n3A_231[%gather3A_233] in [0] : vector<16xf32>, vector<16xi32> -> vector<16xf32>
        %add3A_235 = arith.addf %select_n3A_231, %gather3A_234 : vector<16xf32>
        %broadcast_in_dim3A_236 = vector.shape_cast %or3A_190 : vector<16xi32> to vector<16x1xi32>
        %gather3A_237 = vector.shape_cast %broadcast_in_dim3A_236 : vector<16x1xi32> to vector<16xi32>
        %gather3A_238 = tpu.dynamic_gather %add3A_235[%gather3A_237] in [0] : vector<16xf32>, vector<16xi32> -> vector<16xf32>
        %add3A_239 = arith.addf %add3A_235, %gather3A_238 : vector<16xf32>
        %exp3A = math.exp %add3A_239 : vector<16xf32>
        %broadcast_in_dim3A_240 = vector.shape_cast %or3A : vector<16xi32> to vector<16x1xi32>
        %gather3A_241 = vector.shape_cast %broadcast_in_dim3A_240 : vector<16x1xi32> to vector<16xi32>
        %gather3A_242 = tpu.dynamic_gather %exp3A[%gather3A_241] in [0] : vector<16xf32>, vector<16xi32> -> vector<16xf32>
        %swap3A = arith.index_cast %scan3A_98 : i32 to index
        %swap3A_243 = arith.constant 0 : index
        %swap3A_244 = tpu.vector_load %arg11[%swap3A, %swap3A_243] {strides = array<i32>} : memref<80x16xf32, #tpu.memory_space<vmem>>, vector<1x16xf32>,
        %swap3A_245 = vector.shape_cast %swap3A_244 : vector<1x16xf32> to vector<16xf32>
        %swap3A_246 = vector.shape_cast %gather3A_242 : vector<16xf32> to vector<1x16xf32>
        tpu.vector_store %arg11[%swap3A, %swap3A_243], %swap3A_246 {strides = array<i32>} : memref<80x16xf32, #tpu.memory_space<vmem>>, vector<1x16xf32>,
        %broadcast_in_dim3A_247 = vector.shape_cast %broadcast_in_dim3A_83 : vector<16xi32> to vector<16x1xi32>
        %gather3A_248 = vector.shape_cast %broadcast_in_dim3A_247 : vector<16x1xi32> to vector<16xi32>
        %gather3A_249 = tpu.dynamic_gather %exp3A[%gather3A_248] in [0] : vector<16xf32>, vector<16xi32> -> vector<16xf32>
        %mul3A_250 = arith.mulf %get3A_103, %gather3A_249 : vector<16xf32>
        %swap3A_251 = arith.index_cast %scan3A_98 : i32 to index
        %swap3A_252 = arith.constant 0 : index
        %swap3A_253 = tpu.vector_load %arg9[%swap3A_251, %swap3A_252] {strides = array<i32>} : memref<80x64xf32, #tpu.memory_space<vmem>>, vector<1x16xf32>,
        %swap3A_254 = vector.shape_cast %swap3A_253 : vector<1x16xf32> to vector<16xf32>
        %swap3A_255 = vector.shape_cast %mul3A_250 : vector<16xf32> to vector<1x16xf32>
        tpu.vector_store %arg9[%swap3A_251, %swap3A_252], %swap3A_255 {strides = array<i32>} : memref<80x64xf32, #tpu.memory_space<vmem>>, vector<1x16xf32>,
        %broadcast_in_dim3A_256 = vector.shape_cast %broadcast_in_dim3A_85 : vector<16xi32> to vector<16x1xi32>
        %gather3A_257 = vector.shape_cast %broadcast_in_dim3A_256 : vector<16x1xi32> to vector<16xi32>
        %gather3A_258 = tpu.dynamic_gather %exp3A[%gather3A_257] in [0] : vector<16xf32>, vector<16xi32> -> vector<16xf32>
        %mul3A_259 = arith.mulf %get3A_116, %gather3A_258 : vector<16xf32>
        %swap3A_260 = arith.index_cast %scan3A_98 : i32 to index
        %swap3A_261 = arith.constant 16 : index
        %swap3A_262 = tpu.vector_load %arg9[%swap3A_260, %swap3A_261] {strides = array<i32>} : memref<80x64xf32, #tpu.memory_space<vmem>>, vector<1x16xf32>,
        %swap3A_263 = vector.shape_cast %swap3A_262 : vector<1x16xf32> to vector<16xf32>
        %swap3A_264 = vector.shape_cast %mul3A_259 : vector<16xf32> to vector<1x16xf32>
        tpu.vector_store %arg9[%swap3A_260, %swap3A_261], %swap3A_264 {strides = array<i32>} : memref<80x64xf32, #tpu.memory_space<vmem>>, vector<1x16xf32>,
        %broadcast_in_dim3A_265 = vector.shape_cast %broadcast_in_dim3A_87 : vector<16xi32> to vector<16x1xi32>
        %gather3A_266 = vector.shape_cast %broadcast_in_dim3A_265 : vector<16x1xi32> to vector<16xi32>
        %gather3A_267 = tpu.dynamic_gather %exp3A[%gather3A_266] in [0] : vector<16xf32>, vector<16xi32> -> vector<16xf32>
        %mul3A_268 = arith.mulf %get3A_130, %gather3A_267 : vector<16xf32>
        %swap3A_269 = arith.index_cast %scan3A_98 : i32 to index
        %swap3A_270 = arith.constant 32 : index
        %swap3A_271 = tpu.vector_load %arg9[%swap3A_269, %swap3A_270] {strides = array<i32>} : memref<80x64xf32, #tpu.memory_space<vmem>>, vector<1x16xf32>,
        %swap3A_272 = vector.shape_cast %swap3A_271 : vector<1x16xf32> to vector<16xf32>
        %swap3A_273 = vector.shape_cast %mul3A_268 : vector<16xf32> to vector<1x16xf32>
        tpu.vector_store %arg9[%swap3A_269, %swap3A_270], %swap3A_273 {strides = array<i32>} : memref<80x64xf32, #tpu.memory_space<vmem>>, vector<1x16xf32>,
        %broadcast_in_dim3A_274 = vector.shape_cast %broadcast_in_dim3A_89 : vector<16xi32> to vector<16x1xi32>
        %gather3A_275 = vector.shape_cast %broadcast_in_dim3A_274 : vector<16x1xi32> to vector<16xi32>
        %gather3A_276 = tpu.dynamic_gather %exp3A[%gather3A_275] in [0] : vector<16xf32>, vector<16xi32> -> vector<16xf32>
        %mul3A_277 = arith.mulf %get3A_144, %gather3A_276 : vector<16xf32>
        %swap3A_278 = arith.index_cast %scan3A_98 : i32 to index
        %swap3A_279 = arith.constant 48 : index
        %swap3A_280 = tpu.vector_load %arg9[%swap3A_278, %swap3A_279] {strides = array<i32>} : memref<80x64xf32, #tpu.memory_space<vmem>>, vector<1x16xf32>,
        %swap3A_281 = vector.shape_cast %swap3A_280 : vector<1x16xf32> to vector<16xf32>
        %swap3A_282 = vector.shape_cast %mul3A_277 : vector<16xf32> to vector<1x16xf32>
        tpu.vector_store %arg9[%swap3A_278, %swap3A_279], %swap3A_282 {strides = array<i32>} : memref<80x64xf32, #tpu.memory_space<vmem>>, vector<1x16xf32>,
        %scan3A_283 = arith.constant 0 : i32
        scf.yield %scan3A_283 : i32
      }
      %scan3A_96 = arith.constant 80 : i32
      "tpu.region"() ({
        %run_scoped3A = tpu.sem_alloc : memref<!tpu.dma_semaphore, #tpu.memory_space<semaphore_mem>>
        %dma_start3A_98 = arith.constant 0 : i32
        %dma_start3A_99 = tpu.memref_slice %arg13[%scan3A_48, %dma_start3A_98] : memref<125x80xi32, #tpu.memory_space<vmem>> -> memref<1x80xi32, #tpu.memory_space<vmem>>
        %dma_start3A_100 = tpu.memref_squeeze %dma_start3A_99 : memref<1x80xi32, #tpu.memory_space<vmem>> -> memref<80xi32, #tpu.memory_space<vmem>>
        %dma_start3A_101 = arith.constant 0 : i32
        %dma_start3A_102 = arith.constant 0 : i32
        %dma_start3A_103 = tpu.memref_slice %arg15[%dma_start3A_101, %dma_start3A_102] : memref<10240x64xf32, #tpu.memory_space<vmem_shared>> -> memref<10240x64xf32, #tpu.memory_space<vmem_shared>>
        tpu.enqueue_indirect_dma source(%arg9 : memref<80x64xf32, #tpu.memory_space<vmem>>) target(%dma_start3A_103 : memref<10240x64xf32, #tpu.memory_space<vmem_shared>>) offsets(%dma_start3A_100 : memref<80xi32, #tpu.memory_space<vmem>>) semaphore(%run_scoped3A : memref<!tpu.dma_semaphore, #tpu.memory_space<semaphore_mem>>) {add = true}
        %dma_wait3A_104 = arith.constant 0 : i32
        %dma_wait3A_105 = tpu.memref_slice %arg13[%scan3A_48, %dma_wait3A_104] : memref<125x80xi32, #tpu.memory_space<vmem>> -> memref<1x80xi32, #tpu.memory_space<vmem>>
        %dma_wait3A_106 = tpu.memref_squeeze %dma_wait3A_105 : memref<1x80xi32, #tpu.memory_space<vmem>> -> memref<80xi32, #tpu.memory_space<vmem>>
        %dma_wait3A_107 = arith.constant 0 : i32
        %dma_wait3A_108 = arith.constant 0 : i32
        %dma_wait3A_109 = tpu.memref_slice %arg15[%dma_wait3A_107, %dma_wait3A_108] : memref<10240x64xf32, #tpu.memory_space<vmem_shared>> -> memref<10240x64xf32, #tpu.memory_space<vmem_shared>>
        tpu.wait_indirect_dma semaphore(%run_scoped3A : memref<!tpu.dma_semaphore, #tpu.memory_space<semaphore_mem>>) src(%arg9 : memref<80x64xf32, #tpu.memory_space<vmem>>) dst(%dma_wait3A_109 : memref<10240x64xf32, #tpu.memory_space<vmem_shared>>)
        tpu.yield
      }) : () -> ()
      "tpu.region"() ({
        %run_scoped3A = tpu.sem_alloc : memref<!tpu.dma_semaphore, #tpu.memory_space<semaphore_mem>>
        %dma_start3A_98 = arith.constant 0 : i32
        %dma_start3A_99 = tpu.memref_slice %arg13[%scan3A_48, %dma_start3A_98] : memref<125x80xi32, #tpu.memory_space<vmem>> -> memref<1x80xi32, #tpu.memory_space<vmem>>
        %dma_start3A_100 = tpu.memref_squeeze %dma_start3A_99 : memref<1x80xi32, #tpu.memory_space<vmem>> -> memref<80xi32, #tpu.memory_space<vmem>>
        %dma_start3A_101 = arith.constant 0 : i32
        %dma_start3A_102 = arith.constant 0 : i32
        %dma_start3A_103 = tpu.memref_slice %arg16[%dma_start3A_101, %dma_start3A_102] : memref<10240x16xf32, #tpu.memory_space<vmem_shared>> -> memref<10240x16xf32, #tpu.memory_space<vmem_shared>>
        tpu.enqueue_indirect_dma source(%arg11 : memref<80x16xf32, #tpu.memory_space<vmem>>) target(%dma_start3A_103 : memref<10240x16xf32, #tpu.memory_space<vmem_shared>>) offsets(%dma_start3A_100 : memref<80xi32, #tpu.memory_space<vmem>>) semaphore(%run_scoped3A : memref<!tpu.dma_semaphore, #tpu.memory_space<semaphore_mem>>) {add = true}
        %dma_wait3A_104 = arith.constant 0 : i32
        %dma_wait3A_105 = tpu.memref_slice %arg13[%scan3A_48, %dma_wait3A_104] : memref<125x80xi32, #tpu.memory_space<vmem>> -> memref<1x80xi32, #tpu.memory_space<vmem>>
        %dma_wait3A_106 = tpu.memref_squeeze %dma_wait3A_105 : memref<1x80xi32, #tpu.memory_space<vmem>> -> memref<80xi32, #tpu.memory_space<vmem>>
        %dma_wait3A_107 = arith.constant 0 : i32
        %dma_wait3A_108 = arith.constant 0 : i32
        %dma_wait3A_109 = tpu.memref_slice %arg16[%dma_wait3A_107, %dma_wait3A_108] : memref<10240x16xf32, #tpu.memory_space<vmem_shared>> -> memref<10240x16xf32, #tpu.memory_space<vmem_shared>>
        tpu.wait_indirect_dma semaphore(%run_scoped3A : memref<!tpu.dma_semaphore, #tpu.memory_space<semaphore_mem>>) src(%arg11 : memref<80x16xf32, #tpu.memory_space<vmem>>) dst(%dma_wait3A_109 : memref<10240x16xf32, #tpu.memory_space<vmem_shared>>)
        tpu.yield
      }) : () -> ()
      %scan3A_97 = arith.constant 0 : i32
      scf.yield %scan3A_97 : i32
    }
    %scan3A_39 = arith.constant 125 : i32
    %barrier3A_40 = arith.constant 0 : index
    tpu.barrier barrier_id(%barrier3A_40)
    %scan3A_41 = arith.constant 0 : i32
    %scan3A_42 = arith.constant 0 : i32
    %scan3A_43 = arith.constant 8 : i32
    %scan3A_44 = arith.addi %scan3A_42, %scan3A_43 : i32
    %scan3A_45 = arith.constant 1 : i32
    %scan3A_46 = scf.for %scan3A_48 = %scan3A_42 to %scan3A_44 step %scan3A_45 iter_args(%scan3A_49 = %scan3A_41) -> (i32)  : i32 {
      %mul3A_50 = arith.constant 640 : i32
      %mul3A_51 = arith.muli %arg1, %mul3A_50 : i32
      %mul3A_52 = arith.constant 80 : i32
      %mul3A_53 = arith.muli %scan3A_48, %mul3A_52 : i32
      %add3A_54 = arith.addi %mul3A_51, %mul3A_53 : i32
      "tpu.region"() ({
        %run_scoped3A = tpu.sem_alloc : memref<!tpu.dma_semaphore, #tpu.memory_space<semaphore_mem>>
        %dma_start3A = arith.constant 0 : i32
        %dma_start3A_56 = arith.constant 0 : i32
        %dma_start3A_57 = tpu.memref_slice %arg7[%arg0, %dma_start3A, %dma_start3A_56] : memref<2x10240x64xf32, #tpu.memory_space<hbm>> -> memref<1x10240x64xf32, #tpu.memory_space<hbm>>
        %dma_start3A_58 = tpu.memref_squeeze %dma_start3A_57 : memref<1x10240x64xf32, #tpu.memory_space<hbm>> -> memref<10240x64xf32, #tpu.memory_space<hbm>>
        %dma_start3A_59 = arith.constant 0 : i32
        %dma_start3A_60 = tpu.memref_slice %dma_start3A_58[%add3A_54, %dma_start3A_59] : memref<10240x64xf32, #tpu.memory_space<hbm>> -> memref<80x64xf32, #tpu.memory_space<hbm>>
        %dma_start3A_61 = arith.constant 0 : i32
        %dma_start3A_62 = tpu.memref_slice %arg15[%add3A_54, %dma_start3A_61] : memref<10240x64xf32, #tpu.memory_space<vmem_shared>> -> memref<80x64xf32, #tpu.memory_space<vmem_shared>>
        tpu.enqueue_dma source(%dma_start3A_62 : memref<80x64xf32, #tpu.memory_space<vmem_shared>>) target(%dma_start3A_60 : memref<80x64xf32, #tpu.memory_space<hbm>>) target_semaphore(%run_scoped3A : memref<!tpu.dma_semaphore, #tpu.memory_space<semaphore_mem>>)
        %dma_wait3A = arith.constant 0 : i32
        %dma_wait3A_63 = arith.constant 0 : i32
        %dma_wait3A_64 = tpu.memref_slice %arg7[%arg0, %dma_wait3A, %dma_wait3A_63] : memref<2x10240x64xf32, #tpu.memory_space<hbm>> -> memref<1x10240x64xf32, #tpu.memory_space<hbm>>
        %dma_wait3A_65 = tpu.memref_squeeze %dma_wait3A_64 : memref<1x10240x64xf32, #tpu.memory_space<hbm>> -> memref<10240x64xf32, #tpu.memory_space<hbm>>
        %dma_wait3A_66 = arith.constant 0 : i32
        %dma_wait3A_67 = tpu.memref_slice %dma_wait3A_65[%add3A_54, %dma_wait3A_66] : memref<10240x64xf32, #tpu.memory_space<hbm>> -> memref<80x64xf32, #tpu.memory_space<hbm>>
        %dma_wait3A_68 = arith.constant 0 : i32
        %dma_wait3A_69 = tpu.memref_slice %arg15[%add3A_54, %dma_wait3A_68] : memref<10240x64xf32, #tpu.memory_space<vmem_shared>> -> memref<80x64xf32, #tpu.memory_space<vmem_shared>>
        tpu.wait_dma2 semaphore(%run_scoped3A : memref<!tpu.dma_semaphore, #tpu.memory_space<semaphore_mem>>) src(%dma_wait3A_69 : memref<80x64xf32, #tpu.memory_space<vmem_shared>>) dst(%dma_wait3A_67 : memref<80x64xf32, #tpu.memory_space<hbm>>)
        tpu.yield
      }) : () -> ()
      "tpu.region"() ({
        %run_scoped3A = tpu.sem_alloc : memref<!tpu.dma_semaphore, #tpu.memory_space<semaphore_mem>>
        %dma_start3A = arith.constant 0 : i32
        %dma_start3A_56 = arith.constant 0 : i32
        %dma_start3A_57 = tpu.memref_slice %arg8[%arg0, %dma_start3A, %dma_start3A_56] : memref<2x10240x16xf32, #tpu.memory_space<hbm>> -> memref<1x10240x16xf32, #tpu.memory_space<hbm>>
        %dma_start3A_58 = tpu.memref_squeeze %dma_start3A_57 : memref<1x10240x16xf32, #tpu.memory_space<hbm>> -> memref<10240x16xf32, #tpu.memory_space<hbm>>
        %dma_start3A_59 = arith.constant 0 : i32
        %dma_start3A_60 = tpu.memref_slice %dma_start3A_58[%add3A_54, %dma_start3A_59] : memref<10240x16xf32, #tpu.memory_space<hbm>> -> memref<80x16xf32, #tpu.memory_space<hbm>>
        %dma_start3A_61 = arith.constant 0 : i32
        %dma_start3A_62 = tpu.memref_slice %arg16[%add3A_54, %dma_start3A_61] : memref<10240x16xf32, #tpu.memory_space<vmem_shared>> -> memref<80x16xf32, #tpu.memory_space<vmem_shared>>
        tpu.enqueue_dma source(%dma_start3A_62 : memref<80x16xf32, #tpu.memory_space<vmem_shared>>) target(%dma_start3A_60 : memref<80x16xf32, #tpu.memory_space<hbm>>) target_semaphore(%run_scoped3A : memref<!tpu.dma_semaphore, #tpu.memory_space<semaphore_mem>>)
        %dma_wait3A = arith.constant 0 : i32
        %dma_wait3A_63 = arith.constant 0 : i32
        %dma_wait3A_64 = tpu.memref_slice %arg8[%arg0, %dma_wait3A, %dma_wait3A_63] : memref<2x10240x16xf32, #tpu.memory_space<hbm>> -> memref<1x10240x16xf32, #tpu.memory_space<hbm>>
        %dma_wait3A_65 = tpu.memref_squeeze %dma_wait3A_64 : memref<1x10240x16xf32, #tpu.memory_space<hbm>> -> memref<10240x16xf32, #tpu.memory_space<hbm>>
        %dma_wait3A_66 = arith.constant 0 : i32
        %dma_wait3A_67 = tpu.memref_slice %dma_wait3A_65[%add3A_54, %dma_wait3A_66] : memref<10240x16xf32, #tpu.memory_space<hbm>> -> memref<80x16xf32, #tpu.memory_space<hbm>>
        %dma_wait3A_68 = arith.constant 0 : i32
        %dma_wait3A_69 = tpu.memref_slice %arg16[%add3A_54, %dma_wait3A_68] : memref<10240x16xf32, #tpu.memory_space<vmem_shared>> -> memref<80x16xf32, #tpu.memory_space<vmem_shared>>
        tpu.wait_dma2 semaphore(%run_scoped3A : memref<!tpu.dma_semaphore, #tpu.memory_space<semaphore_mem>>) src(%dma_wait3A_69 : memref<80x16xf32, #tpu.memory_space<vmem_shared>>) dst(%dma_wait3A_67 : memref<80x16xf32, #tpu.memory_space<hbm>>)
        tpu.yield
      }) : () -> ()
      %scan3A_55 = arith.constant 0 : i32
      scf.yield %scan3A_55 : i32
    }
    %scan3A_47 = arith.constant 8 : i32
    return
  }
}

module attributes {stable_mosaic.version = 14 : i64} {
  func.func @_proj1_body(%arg0: i32, %arg1: memref<1000x128xf32, #tpu.memory_space<vmem>>, %arg2: memref<128x128xf32, #tpu.memory_space<vmem>>, %arg3: memref<1x128xf32, #tpu.memory_space<vmem>>, %arg4: memref<128x128xf32, #tpu.memory_space<vmem>>, %arg5: memref<1x128xf32, #tpu.memory_space<vmem>>, %arg6: memref<1000x64xf32, #tpu.memory_space<vmem>>, %arg7: memref<1000x64xf32, #tpu.memory_space<vmem>>, %arg8: memref<1000x64xf32, #tpu.memory_space<vmem>>, %arg9: memref<1000x64xf32, #tpu.memory_space<vmem>>) attributes {dimension_semantics = [#tpu.dimension_semantics<arbitrary>], iteration_bounds = array<i64: 10>, scalar_prefetch = 0 : i64, scratch_operands = 0 : i64, tpu.core_type = #tpu.core_type<tc>, window_params = [{transform_indices = @transform_0, window_bounds = array<i64: 1000, 128>}, {pipeline_mode = #tpu.pipeline_mode<synchronous>, transform_indices = @transform_1, window_bounds = array<i64: 128, 128>}, {pipeline_mode = #tpu.pipeline_mode<synchronous>, transform_indices = @transform_2, window_bounds = array<i64: 1, 128>}, {pipeline_mode = #tpu.pipeline_mode<synchronous>, transform_indices = @transform_3, window_bounds = array<i64: 128, 128>}, {pipeline_mode = #tpu.pipeline_mode<synchronous>, transform_indices = @transform_4, window_bounds = array<i64: 1, 128>}, {transform_indices = @transform_5, window_bounds = array<i64: 1000, 64>}, {transform_indices = @transform_6, window_bounds = array<i64: 1000, 64>}, {transform_indices = @transform_7, window_bounds = array<i64: 1000, 64>}, {transform_indices = @transform_8, window_bounds = array<i64: 1000, 64>}]} {
    %get3A = arith.constant 0 : index
    %get3A_0 = arith.constant 0 : index
    %get3A_1 = vector.load %arg1[%get3A, %get3A_0] : memref<1000x128xf32, #tpu.memory_space<vmem>>, vector<1000x128xf32>
    %get3A_2 = arith.constant 0 : index
    %get3A_3 = arith.constant 0 : index
    %get3A_4 = vector.load %arg2[%get3A_2, %get3A_3] : memref<128x128xf32, #tpu.memory_space<vmem>>, vector<128x128xf32>
    %dot_general3A = arith.constant dense<0.000000e+00> : vector<1000x128xf32>
    %dot_general3A_5 = tpu.matmul %get3A_1, %get3A_4, %dot_general3A {dimension_numbers = #tpu.dot_dimension_numbers<[1], [1], [0], [0], [0, 0, 1, 0], [], []>, transpose_lhs_hint = false} : vector<1000x128xf32>, vector<128x128xf32>, vector<1000x128xf32> -> vector<1000x128xf32>
    %get3A_6 = arith.constant 0 : index
    %get3A_7 = arith.constant 0 : index
    %get3A_8 = vector.load %arg3[%get3A_6, %get3A_7] : memref<1x128xf32, #tpu.memory_space<vmem>>, vector<1x128xf32>
    %add3A = vector.broadcast %get3A_8 : vector<1x128xf32> to vector<1000x128xf32>
    %add3A_9 = arith.addf %dot_general3A_5, %add3A : vector<1000x128xf32>
    %get3A_10 = arith.constant 0 : index
    %get3A_11 = arith.constant 0 : index
    %get3A_12 = vector.load %arg4[%get3A_10, %get3A_11] : memref<128x128xf32, #tpu.memory_space<vmem>>, vector<128x128xf32>
    %dot_general3A_13 = arith.constant dense<0.000000e+00> : vector<1000x128xf32>
    %dot_general3A_14 = tpu.matmul %get3A_1, %get3A_12, %dot_general3A_13 {dimension_numbers = #tpu.dot_dimension_numbers<[1], [1], [0], [0], [0, 0, 1, 0], [], []>, transpose_lhs_hint = false} : vector<1000x128xf32>, vector<128x128xf32>, vector<1000x128xf32> -> vector<1000x128xf32>
    %get3A_15 = arith.constant 0 : index
    %get3A_16 = arith.constant 0 : index
    %get3A_17 = vector.load %arg5[%get3A_15, %get3A_16] : memref<1x128xf32, #tpu.memory_space<vmem>>, vector<1x128xf32>
    %add3A_18 = vector.broadcast %get3A_17 : vector<1x128xf32> to vector<1000x128xf32>
    %add3A_19 = arith.addf %dot_general3A_14, %add3A_18 : vector<1000x128xf32>
    %slice3A = vector.extract_strided_slice %add3A_9 {offsets = [0, 0], sizes = [1000, 64], strides = [1, 1]} : vector<1000x128xf32> to vector<1000x64xf32>
    %swap3A = arith.constant 0 : index
    %swap3A_20 = arith.constant 0 : index
    %swap3A_21 = vector.load %arg6[%swap3A, %swap3A_20] : memref<1000x64xf32, #tpu.memory_space<vmem>>, vector<1000x64xf32>
    tpu.vector_store %arg6[%swap3A, %swap3A_20], %slice3A {strides = array<i32>} : memref<1000x64xf32, #tpu.memory_space<vmem>>, vector<1000x64xf32>,
    %slice3A_22 = vector.extract_strided_slice %add3A_9 {offsets = [0, 64], sizes = [1000, 64], strides = [1, 1]} : vector<1000x128xf32> to vector<1000x64xf32>
    %swap3A_23 = arith.constant 0 : index
    %swap3A_24 = arith.constant 0 : index
    %swap3A_25 = vector.load %arg7[%swap3A_23, %swap3A_24] : memref<1000x64xf32, #tpu.memory_space<vmem>>, vector<1000x64xf32>
    tpu.vector_store %arg7[%swap3A_23, %swap3A_24], %slice3A_22 {strides = array<i32>} : memref<1000x64xf32, #tpu.memory_space<vmem>>, vector<1000x64xf32>,
    %slice3A_26 = vector.extract_strided_slice %add3A_19 {offsets = [0, 0], sizes = [1000, 64], strides = [1, 1]} : vector<1000x128xf32> to vector<1000x64xf32>
    %swap3A_27 = arith.constant 0 : index
    %swap3A_28 = arith.constant 0 : index
    %swap3A_29 = vector.load %arg8[%swap3A_27, %swap3A_28] : memref<1000x64xf32, #tpu.memory_space<vmem>>, vector<1000x64xf32>
    tpu.vector_store %arg8[%swap3A_27, %swap3A_28], %slice3A_26 {strides = array<i32>} : memref<1000x64xf32, #tpu.memory_space<vmem>>, vector<1000x64xf32>,
    %slice3A_30 = vector.extract_strided_slice %add3A_19 {offsets = [0, 64], sizes = [1000, 64], strides = [1, 1]} : vector<1000x128xf32> to vector<1000x64xf32>
    %swap3A_31 = arith.constant 0 : index
    %swap3A_32 = arith.constant 0 : index
    %swap3A_33 = vector.load %arg9[%swap3A_31, %swap3A_32] : memref<1000x64xf32, #tpu.memory_space<vmem>>, vector<1000x64xf32>
    tpu.vector_store %arg9[%swap3A_31, %swap3A_32], %slice3A_30 {strides = array<i32>} : memref<1000x64xf32, #tpu.memory_space<vmem>>, vector<1000x64xf32>,
    return
  }
  func.func @transform_0(%arg0: i32) -> (i32, i32) {
    %c0_i32 = arith.constant 0 : i32
    %c0_i32_0 = arith.constant 0 : i32
    return %arg0, %c0_i32 : i32, i32
  }
  func.func @transform_1(%arg0: i32) -> (i32, i32) {
    %c0_i32 = arith.constant 0 : i32
    %c0_i32_0 = arith.constant 0 : i32
    %c0_i32_1 = arith.constant 0 : i32
    return %c0_i32, %c0_i32_0 : i32, i32
  }
  func.func @transform_2(%arg0: i32) -> (i32, i32) {
    %c0_i32 = arith.constant 0 : i32
    %c0_i32_0 = arith.constant 0 : i32
    %c0_i32_1 = arith.constant 0 : i32
    return %c0_i32, %c0_i32_0 : i32, i32
  }
  func.func @transform_3(%arg0: i32) -> (i32, i32) {
    %c0_i32 = arith.constant 0 : i32
    %c0_i32_0 = arith.constant 0 : i32
    %c0_i32_1 = arith.constant 0 : i32
    return %c0_i32, %c0_i32_0 : i32, i32
  }
  func.func @transform_4(%arg0: i32) -> (i32, i32) {
    %c0_i32 = arith.constant 0 : i32
    %c0_i32_0 = arith.constant 0 : i32
    %c0_i32_1 = arith.constant 0 : i32
    return %c0_i32, %c0_i32_0 : i32, i32
  }
  func.func @transform_5(%arg0: i32) -> (i32, i32) {
    %c0_i32 = arith.constant 0 : i32
    %c0_i32_0 = arith.constant 0 : i32
    return %arg0, %c0_i32 : i32, i32
  }
  func.func @transform_6(%arg0: i32) -> (i32, i32) {
    %c0_i32 = arith.constant 0 : i32
    %c0_i32_0 = arith.constant 0 : i32
    return %arg0, %c0_i32 : i32, i32
  }
  func.func @transform_7(%arg0: i32) -> (i32, i32) {
    %c0_i32 = arith.constant 0 : i32
    %c0_i32_0 = arith.constant 0 : i32
    return %arg0, %c0_i32 : i32, i32
  }
  func.func @transform_8(%arg0: i32) -> (i32, i32) {
    %c0_i32 = arith.constant 0 : i32
    %c0_i32_0 = arith.constant 0 : i32
    return %arg0, %c0_i32 : i32, i32
  }
}

module attributes {stable_mosaic.version = 14 : i64} {
  func.func @_fuse_body(%arg0: i32, %arg1: memref<1x1024x64xf32, #tpu.memory_space<vmem>>, %arg2: memref<1x1024x64xf32, #tpu.memory_space<vmem>>, %arg3: memref<1x1024x64xf32, #tpu.memory_space<vmem>>, %arg4: memref<1x1024x64xf32, #tpu.memory_space<vmem>>, %arg5: memref<1x1024x16xf32, #tpu.memory_space<vmem>>, %arg6: memref<1x1024x16xf32, #tpu.memory_space<vmem>>, %arg7: memref<1x1024x16xf32, #tpu.memory_space<vmem>>, %arg8: memref<1x1024x16xf32, #tpu.memory_space<vmem>>, %arg9: memref<1x128xf32, #tpu.memory_space<vmem>>, %arg10: memref<64x128xf32, #tpu.memory_space<vmem>>, %arg11: memref<1x64xf32, #tpu.memory_space<vmem>>, %arg12: memref<64x128xf32, #tpu.memory_space<vmem>>, %arg13: memref<1x64xf32, #tpu.memory_space<vmem>>, %arg14: memref<1024x64xf32, #tpu.memory_space<vmem>>, %arg15: memref<1024x64xf32, #tpu.memory_space<vmem>>) attributes {dimension_semantics = [#tpu.dimension_semantics<arbitrary>], iteration_bounds = array<i64: 10>, scalar_prefetch = 0 : i64, scratch_operands = 0 : i64, tpu.core_type = #tpu.core_type<tc>, window_params = [{transform_indices = @transform_0, window_bounds = array<i64: 1, 1024, 64>}, {transform_indices = @transform_1, window_bounds = array<i64: 1, 1024, 64>}, {transform_indices = @transform_2, window_bounds = array<i64: 1, 1024, 64>}, {transform_indices = @transform_3, window_bounds = array<i64: 1, 1024, 64>}, {transform_indices = @transform_4, window_bounds = array<i64: 1, 1024, 16>}, {transform_indices = @transform_5, window_bounds = array<i64: 1, 1024, 16>}, {transform_indices = @transform_6, window_bounds = array<i64: 1, 1024, 16>}, {transform_indices = @transform_7, window_bounds = array<i64: 1, 1024, 16>}, {pipeline_mode = #tpu.pipeline_mode<synchronous>, transform_indices = @transform_8, window_bounds = array<i64: 1, 128>}, {pipeline_mode = #tpu.pipeline_mode<synchronous>, transform_indices = @transform_9, window_bounds = array<i64: 64, 128>}, {pipeline_mode = #tpu.pipeline_mode<synchronous>, transform_indices = @transform_10, window_bounds = array<i64: 1, 64>}, {pipeline_mode = #tpu.pipeline_mode<synchronous>, transform_indices = @transform_11, window_bounds = array<i64: 64, 128>}, {pipeline_mode = #tpu.pipeline_mode<synchronous>, transform_indices = @transform_12, window_bounds = array<i64: 1, 64>}, {transform_indices = @transform_13, window_bounds = array<i64: 1024, 64>}, {transform_indices = @transform_14, window_bounds = array<i64: 1024, 64>}]} {
    %get3A = arith.constant 0 : index
    %get3A_0 = arith.constant 0 : index
    %get3A_1 = arith.constant 0 : index
    %get3A_2 = vector.load %arg1[%get3A, %get3A_0, %get3A_1] : memref<1x1024x64xf32, #tpu.memory_space<vmem>>, vector<1x1024x64xf32>
    %get3A_3 = vector.shape_cast %get3A_2 : vector<1x1024x64xf32> to vector<1024x64xf32>
    %get3A_4 = arith.constant 0 : index
    %get3A_5 = arith.constant 0 : index
    %get3A_6 = arith.constant 0 : index
    %get3A_7 = vector.load %arg2[%get3A_4, %get3A_5, %get3A_6] : memref<1x1024x64xf32, #tpu.memory_space<vmem>>, vector<1x1024x64xf32>
    %get3A_8 = vector.shape_cast %get3A_7 : vector<1x1024x64xf32> to vector<1024x64xf32>
    %add3A = arith.addf %get3A_3, %get3A_8 : vector<1024x64xf32>
    %get3A_9 = arith.constant 0 : index
    %get3A_10 = arith.constant 0 : index
    %get3A_11 = arith.constant 0 : index
    %get3A_12 = vector.load %arg3[%get3A_9, %get3A_10, %get3A_11] : memref<1x1024x64xf32, #tpu.memory_space<vmem>>, vector<1x1024x64xf32>
    %get3A_13 = vector.shape_cast %get3A_12 : vector<1x1024x64xf32> to vector<1024x64xf32>
    %get3A_14 = arith.constant 0 : index
    %get3A_15 = arith.constant 0 : index
    %get3A_16 = arith.constant 0 : index
    %get3A_17 = vector.load %arg4[%get3A_14, %get3A_15, %get3A_16] : memref<1x1024x64xf32, #tpu.memory_space<vmem>>, vector<1x1024x64xf32>
    %get3A_18 = vector.shape_cast %get3A_17 : vector<1x1024x64xf32> to vector<1024x64xf32>
    %add3A_19 = arith.addf %get3A_13, %get3A_18 : vector<1024x64xf32>
    %get3A_20 = arith.constant 0 : index
    %get3A_21 = arith.constant 0 : index
    %get3A_22 = arith.constant 0 : index
    %get3A_23 = vector.load %arg5[%get3A_20, %get3A_21, %get3A_22] : memref<1x1024x16xf32, #tpu.memory_space<vmem>>, vector<1x1024x16xf32>
    %get3A_24 = vector.shape_cast %get3A_23 : vector<1x1024x16xf32> to vector<1024x16xf32>
    %get3A_25 = arith.constant 0 : index
    %get3A_26 = arith.constant 0 : index
    %get3A_27 = arith.constant 0 : index
    %get3A_28 = vector.load %arg6[%get3A_25, %get3A_26, %get3A_27] : memref<1x1024x16xf32, #tpu.memory_space<vmem>>, vector<1x1024x16xf32>
    %get3A_29 = vector.shape_cast %get3A_28 : vector<1x1024x16xf32> to vector<1024x16xf32>
    %add3A_30 = arith.addf %get3A_24, %get3A_29 : vector<1024x16xf32>
    %get3A_31 = arith.constant 0 : index
    %get3A_32 = arith.constant 0 : index
    %get3A_33 = arith.constant 0 : index
    %get3A_34 = vector.load %arg7[%get3A_31, %get3A_32, %get3A_33] : memref<1x1024x16xf32, #tpu.memory_space<vmem>>, vector<1x1024x16xf32>
    %get3A_35 = vector.shape_cast %get3A_34 : vector<1x1024x16xf32> to vector<1024x16xf32>
    %get3A_36 = arith.constant 0 : index
    %get3A_37 = arith.constant 0 : index
    %get3A_38 = arith.constant 0 : index
    %get3A_39 = vector.load %arg8[%get3A_36, %get3A_37, %get3A_38] : memref<1x1024x16xf32, #tpu.memory_space<vmem>>, vector<1x1024x16xf32>
    %get3A_40 = vector.shape_cast %get3A_39 : vector<1x1024x16xf32> to vector<1024x16xf32>
    %add3A_41 = arith.addf %get3A_35, %get3A_40 : vector<1024x16xf32>
    %concatenate3A = tpu.concatenate %add3A, %add3A_19 in 1 : vector<1024x64xf32>, vector<1024x64xf32> -> vector<1024x128xf32>
    %slice3A = vector.extract_strided_slice %add3A_30 {offsets = [0, 0], sizes = [1024, 4], strides = [1, 1]} : vector<1024x16xf32> to vector<1024x4xf32>
    %slice3A_42 = vector.extract_strided_slice %add3A_41 {offsets = [0, 0], sizes = [1024, 4], strides = [1, 1]} : vector<1024x16xf32> to vector<1024x4xf32>
    %concatenate3A_43 = tpu.concatenate %slice3A, %slice3A_42 in 1 : vector<1024x4xf32>, vector<1024x4xf32> -> vector<1024x8xf32>
    %iota3A = tpu.iota {dimensions = array<i32: 1>} : vector<8x128xi32>
    %jit3A = arith.constant 16 : i32
    %div3A = vector.broadcast %jit3A : i32 to vector<8x128xi32>
    %div3A_44 = arith.divsi %iota3A, %div3A : vector<8x128xi32>
    %sign3A = arith.constant 0 : i32
    %sign3A_45 = vector.broadcast %sign3A : i32 to vector<8x128xi32>
    %sign3A_46 = arith.cmpi sgt, %iota3A, %sign3A_45 : vector<8x128xi32>
    %sign3A_47 = arith.extui %sign3A_46 : vector<8x128xi1> to vector<8x128xi32>
    %sign3A_48 = arith.constant 0 : i32
    %sign3A_49 = vector.broadcast %sign3A_48 : i32 to vector<8x128xi32>
    %sign3A_50 = arith.cmpi slt, %iota3A, %sign3A_49 : vector<8x128xi32>
    %sign3A_51 = arith.extui %sign3A_50 : vector<8x128xi1> to vector<8x128xi32>
    %sign3A_52 = arith.subi %sign3A_47, %sign3A_51 : vector<8x128xi32>
    %sign3A_53 = arith.constant 0 : i32
    %sign3A_54 = arith.cmpi sgt, %jit3A, %sign3A_53 : i32
    %sign3A_55 = arith.extui %sign3A_54 : i1 to i32
    %sign3A_56 = arith.constant 0 : i32
    %sign3A_57 = arith.cmpi slt, %jit3A, %sign3A_56 : i32
    %sign3A_58 = arith.extui %sign3A_57 : i1 to i32
    %sign3A_59 = arith.subi %sign3A_55, %sign3A_58 : i32
    %ne3A = vector.broadcast %sign3A_59 : i32 to vector<8x128xi32>
    %ne3A_60 = arith.cmpi ne, %sign3A_52, %ne3A : vector<8x128xi32>
    %rem3A = vector.broadcast %jit3A : i32 to vector<8x128xi32>
    %rem3A_61 = arith.remsi %iota3A, %rem3A : vector<8x128xi32>
    %ne3A_62 = arith.constant 0 : i32
    %ne3A_63 = vector.broadcast %ne3A_62 : i32 to vector<8x128xi32>
    %ne3A_64 = arith.cmpi ne, %rem3A_61, %ne3A_63 : vector<8x128xi32>
    %and3A = arith.andi %ne3A_60, %ne3A_64 : vector<8x128xi1>
    %sub3A = arith.constant 1 : i32
    %sub3A_65 = vector.broadcast %sub3A : i32 to vector<8x128xi32>
    %sub3A_66 = arith.subi %div3A_44, %sub3A_65 : vector<8x128xi32>
    %select_n3A = arith.select %and3A, %sub3A_66, %div3A_44 : vector<8x128xi1>, vector<8x128xi32>
    %iota3A_67 = tpu.iota {dimensions = array<i32: 0>} : vector<8x128xi32>
    %eq3A = arith.cmpi eq, %select_n3A, %iota3A_67 : vector<8x128xi32>
    %convert_element_type3A = arith.extui %eq3A : vector<8x128xi1> to vector<8x128xi32>
    %convert_element_type3A_68 = arith.sitofp %convert_element_type3A : vector<8x128xi32> to vector<8x128xf32>
    %dot_general3A = arith.constant dense<0.000000e+00> : vector<1024x128xf32>
    %dot_general3A_69 = tpu.matmul %concatenate3A_43, %convert_element_type3A_68, %dot_general3A {dimension_numbers = #tpu.dot_dimension_numbers<[1], [0], [0], [1], [0, 0, 1, 1], [], []>, transpose_lhs_hint = false} : vector<1024x8xf32>, vector<8x128xf32>, vector<1024x128xf32> -> vector<1024x128xf32>
    %add3A_70 = arith.constant 1.000000e-16 : f32
    %add3A_71 = vector.broadcast %add3A_70 : f32 to vector<1024x128xf32>
    %add3A_72 = arith.addf %dot_general3A_69, %add3A_71 : vector<1024x128xf32>
    %div3A_73 = arith.divf %concatenate3A, %add3A_72 : vector<1024x128xf32>
    %get3A_74 = arith.constant 0 : index
    %get3A_75 = arith.constant 0 : index
    %get3A_76 = vector.load %arg9[%get3A_74, %get3A_75] : memref<1x128xf32, #tpu.memory_space<vmem>>, vector<1x128xf32>
    %add3A_77 = vector.broadcast %get3A_76 : vector<1x128xf32> to vector<1024x128xf32>
    %add3A_78 = arith.addf %div3A_73, %add3A_77 : vector<1024x128xf32>
    %gt3A = arith.constant 0.000000e+00 : f32
    %gt3A_79 = vector.broadcast %gt3A : f32 to vector<1024x128xf32>
    %gt3A_80 = arith.cmpf ogt, %add3A_78, %gt3A_79 : vector<1024x128xf32>
    %exp3A = math.exp %add3A_78 : vector<1024x128xf32>
    %sub3A_81 = arith.constant 1.000000e+00 : f32
    %sub3A_82 = vector.broadcast %sub3A_81 : f32 to vector<1024x128xf32>
    %sub3A_83 = arith.subf %exp3A, %sub3A_82 : vector<1024x128xf32>
    %select_n3A_84 = arith.select %gt3A_80, %add3A_78, %sub3A_83 : vector<1024x128xi1>, vector<1024x128xf32>
    %get3A_85 = arith.constant 0 : index
    %get3A_86 = arith.constant 0 : index
    %get3A_87 = vector.load %arg10[%get3A_85, %get3A_86] : memref<64x128xf32, #tpu.memory_space<vmem>>, vector<64x128xf32>
    %dot_general3A_88 = arith.constant dense<0.000000e+00> : vector<1024x64xf32>
    %dot_general3A_89 = tpu.matmul %select_n3A_84, %get3A_87, %dot_general3A_88 {dimension_numbers = #tpu.dot_dimension_numbers<[1], [1], [0], [0], [0, 0, 1, 0], [], []>, transpose_lhs_hint = false} : vector<1024x128xf32>, vector<64x128xf32>, vector<1024x64xf32> -> vector<1024x64xf32>
    %get3A_90 = arith.constant 0 : index
    %get3A_91 = arith.constant 0 : index
    %get3A_92 = vector.load %arg11[%get3A_90, %get3A_91] : memref<1x64xf32, #tpu.memory_space<vmem>>, vector<1x64xf32>
    %add3A_93 = vector.broadcast %get3A_92 : vector<1x64xf32> to vector<1024x64xf32>
    %add3A_94 = arith.addf %dot_general3A_89, %add3A_93 : vector<1024x64xf32>
    %swap3A = arith.constant 0 : index
    %swap3A_95 = arith.constant 0 : index
    %swap3A_96 = vector.load %arg14[%swap3A, %swap3A_95] : memref<1024x64xf32, #tpu.memory_space<vmem>>, vector<1024x64xf32>
    tpu.vector_store %arg14[%swap3A, %swap3A_95], %add3A_94 {strides = array<i32>} : memref<1024x64xf32, #tpu.memory_space<vmem>>, vector<1024x64xf32>,
    %get3A_97 = arith.constant 0 : index
    %get3A_98 = arith.constant 0 : index
    %get3A_99 = vector.load %arg12[%get3A_97, %get3A_98] : memref<64x128xf32, #tpu.memory_space<vmem>>, vector<64x128xf32>
    %dot_general3A_100 = arith.constant dense<0.000000e+00> : vector<1024x64xf32>
    %dot_general3A_101 = tpu.matmul %select_n3A_84, %get3A_99, %dot_general3A_100 {dimension_numbers = #tpu.dot_dimension_numbers<[1], [1], [0], [0], [0, 0, 1, 0], [], []>, transpose_lhs_hint = false} : vector<1024x128xf32>, vector<64x128xf32>, vector<1024x64xf32> -> vector<1024x64xf32>
    %get3A_102 = arith.constant 0 : index
    %get3A_103 = arith.constant 0 : index
    %get3A_104 = vector.load %arg13[%get3A_102, %get3A_103] : memref<1x64xf32, #tpu.memory_space<vmem>>, vector<1x64xf32>
    %add3A_105 = vector.broadcast %get3A_104 : vector<1x64xf32> to vector<1024x64xf32>
    %add3A_106 = arith.addf %dot_general3A_101, %add3A_105 : vector<1024x64xf32>
    %swap3A_107 = arith.constant 0 : index
    %swap3A_108 = arith.constant 0 : index
    %swap3A_109 = vector.load %arg15[%swap3A_107, %swap3A_108] : memref<1024x64xf32, #tpu.memory_space<vmem>>, vector<1024x64xf32>
    tpu.vector_store %arg15[%swap3A_107, %swap3A_108], %add3A_106 {strides = array<i32>} : memref<1024x64xf32, #tpu.memory_space<vmem>>, vector<1024x64xf32>,
    return
  }
  func.func @transform_0(%arg0: i32) -> (i32, i32, i32) {
    %c0_i32 = arith.constant 0 : i32
    %c0_i32_0 = arith.constant 0 : i32
    %c0_i32_1 = arith.constant 0 : i32
    return %c0_i32, %arg0, %c0_i32_0 : i32, i32, i32
  }
  func.func @transform_1(%arg0: i32) -> (i32, i32, i32) {
    %c1_i32 = arith.constant 1 : i32
    %c0_i32 = arith.constant 0 : i32
    %c0_i32_0 = arith.constant 0 : i32
    return %c1_i32, %arg0, %c0_i32 : i32, i32, i32
  }
  func.func @transform_2(%arg0: i32) -> (i32, i32, i32) {
    %c0_i32 = arith.constant 0 : i32
    %c0_i32_0 = arith.constant 0 : i32
    %c0_i32_1 = arith.constant 0 : i32
    return %c0_i32, %arg0, %c0_i32_0 : i32, i32, i32
  }
  func.func @transform_3(%arg0: i32) -> (i32, i32, i32) {
    %c1_i32 = arith.constant 1 : i32
    %c0_i32 = arith.constant 0 : i32
    %c0_i32_0 = arith.constant 0 : i32
    return %c1_i32, %arg0, %c0_i32 : i32, i32, i32
  }
  func.func @transform_4(%arg0: i32) -> (i32, i32, i32) {
    %c0_i32 = arith.constant 0 : i32
    %c0_i32_0 = arith.constant 0 : i32
    %c0_i32_1 = arith.constant 0 : i32
    return %c0_i32, %arg0, %c0_i32_0 : i32, i32, i32
  }
  func.func @transform_5(%arg0: i32) -> (i32, i32, i32) {
    %c1_i32 = arith.constant 1 : i32
    %c0_i32 = arith.constant 0 : i32
    %c0_i32_0 = arith.constant 0 : i32
    return %c1_i32, %arg0, %c0_i32 : i32, i32, i32
  }
  func.func @transform_6(%arg0: i32) -> (i32, i32, i32) {
    %c0_i32 = arith.constant 0 : i32
    %c0_i32_0 = arith.constant 0 : i32
    %c0_i32_1 = arith.constant 0 : i32
    return %c0_i32, %arg0, %c0_i32_0 : i32, i32, i32
  }
  func.func @transform_7(%arg0: i32) -> (i32, i32, i32) {
    %c1_i32 = arith.constant 1 : i32
    %c0_i32 = arith.constant 0 : i32
    %c0_i32_0 = arith.constant 0 : i32
    return %c1_i32, %arg0, %c0_i32 : i32, i32, i32
  }
  func.func @transform_8(%arg0: i32) -> (i32, i32) {
    %c0_i32 = arith.constant 0 : i32
    %c0_i32_0 = arith.constant 0 : i32
    %c0_i32_1 = arith.constant 0 : i32
    return %c0_i32, %c0_i32_0 : i32, i32
  }
  func.func @transform_9(%arg0: i32) -> (i32, i32) {
    %c0_i32 = arith.constant 0 : i32
    %c0_i32_0 = arith.constant 0 : i32
    %c0_i32_1 = arith.constant 0 : i32
    return %c0_i32, %c0_i32_0 : i32, i32
  }
  func.func @transform_10(%arg0: i32) -> (i32, i32) {
    %c0_i32 = arith.constant 0 : i32
    %c0_i32_0 = arith.constant 0 : i32
    %c0_i32_1 = arith.constant 0 : i32
    return %c0_i32, %c0_i32_0 : i32, i32
  }
  func.func @transform_11(%arg0: i32) -> (i32, i32) {
    %c0_i32 = arith.constant 0 : i32
    %c0_i32_0 = arith.constant 0 : i32
    %c0_i32_1 = arith.constant 0 : i32
    return %c0_i32, %c0_i32_0 : i32, i32
  }
  func.func @transform_12(%arg0: i32) -> (i32, i32) {
    %c0_i32 = arith.constant 0 : i32
    %c0_i32_0 = arith.constant 0 : i32
    %c0_i32_1 = arith.constant 0 : i32
    return %c0_i32, %c0_i32_0 : i32, i32
  }
  func.func @transform_13(%arg0: i32) -> (i32, i32) {
    %c0_i32 = arith.constant 0 : i32
    %c0_i32_0 = arith.constant 0 : i32
    return %arg0, %c0_i32 : i32, i32
  }
  func.func @transform_14(%arg0: i32) -> (i32, i32) {
    %c0_i32 = arith.constant 0 : i32
    %c0_i32_0 = arith.constant 0 : i32
    return %arg0, %c0_i32 : i32, i32
  }
}

module attributes {stable_mosaic.version = 14 : i64} {
  func.func @_final_body(%arg0: i32, %arg1: memref<1x1024x64xf32, #tpu.memory_space<vmem>>, %arg2: memref<1x1024x64xf32, #tpu.memory_space<vmem>>, %arg3: memref<1x1024x16xf32, #tpu.memory_space<vmem>>, %arg4: memref<1x1024x16xf32, #tpu.memory_space<vmem>>, %arg5: memref<1x64xf32, #tpu.memory_space<vmem>>, %arg6: memref<1024x64xf32, #tpu.memory_space<vmem>>) attributes {dimension_semantics = [#tpu.dimension_semantics<arbitrary>], iteration_bounds = array<i64: 10>, scalar_prefetch = 0 : i64, scratch_operands = 0 : i64, tpu.core_type = #tpu.core_type<tc>, window_params = [{transform_indices = @transform_0, window_bounds = array<i64: 1, 1024, 64>}, {transform_indices = @transform_1, window_bounds = array<i64: 1, 1024, 64>}, {transform_indices = @transform_2, window_bounds = array<i64: 1, 1024, 16>}, {transform_indices = @transform_3, window_bounds = array<i64: 1, 1024, 16>}, {pipeline_mode = #tpu.pipeline_mode<synchronous>, transform_indices = @transform_4, window_bounds = array<i64: 1, 64>}, {transform_indices = @transform_5, window_bounds = array<i64: 1024, 64>}]} {
    %get3A = arith.constant 0 : index
    %get3A_0 = arith.constant 0 : index
    %get3A_1 = arith.constant 0 : index
    %get3A_2 = vector.load %arg1[%get3A, %get3A_0, %get3A_1] : memref<1x1024x64xf32, #tpu.memory_space<vmem>>, vector<1x1024x64xf32>
    %get3A_3 = vector.shape_cast %get3A_2 : vector<1x1024x64xf32> to vector<1024x64xf32>
    %get3A_4 = arith.constant 0 : index
    %get3A_5 = arith.constant 0 : index
    %get3A_6 = arith.constant 0 : index
    %get3A_7 = vector.load %arg2[%get3A_4, %get3A_5, %get3A_6] : memref<1x1024x64xf32, #tpu.memory_space<vmem>>, vector<1x1024x64xf32>
    %get3A_8 = vector.shape_cast %get3A_7 : vector<1x1024x64xf32> to vector<1024x64xf32>
    %add3A = arith.addf %get3A_3, %get3A_8 : vector<1024x64xf32>
    %get3A_9 = arith.constant 0 : index
    %get3A_10 = arith.constant 0 : index
    %get3A_11 = arith.constant 0 : index
    %get3A_12 = vector.load %arg3[%get3A_9, %get3A_10, %get3A_11] : memref<1x1024x16xf32, #tpu.memory_space<vmem>>, vector<1x1024x16xf32>
    %get3A_13 = vector.shape_cast %get3A_12 : vector<1x1024x16xf32> to vector<1024x16xf32>
    %get3A_14 = arith.constant 0 : index
    %get3A_15 = arith.constant 0 : index
    %get3A_16 = arith.constant 0 : index
    %get3A_17 = vector.load %arg4[%get3A_14, %get3A_15, %get3A_16] : memref<1x1024x16xf32, #tpu.memory_space<vmem>>, vector<1x1024x16xf32>
    %get3A_18 = vector.shape_cast %get3A_17 : vector<1x1024x16xf32> to vector<1024x16xf32>
    %add3A_19 = arith.addf %get3A_13, %get3A_18 : vector<1024x16xf32>
    %slice3A = vector.extract_strided_slice %add3A_19 {offsets = [0, 0], sizes = [1024, 1], strides = [1, 1]} : vector<1024x16xf32> to vector<1024x1xf32>
    %add3A_20 = arith.constant 1.000000e-16 : f32
    %add3A_21 = vector.broadcast %add3A_20 : f32 to vector<1024x1xf32>
    %add3A_22 = arith.addf %slice3A, %add3A_21 : vector<1024x1xf32>
    %div3A = vector.broadcast %add3A_22 : vector<1024x1xf32> to vector<1024x64xf32>
    %div3A_23 = arith.divf %add3A, %div3A : vector<1024x64xf32>
    %get3A_24 = arith.constant 0 : index
    %get3A_25 = arith.constant 0 : index
    %get3A_26 = vector.load %arg5[%get3A_24, %get3A_25] : memref<1x64xf32, #tpu.memory_space<vmem>>, vector<1x64xf32>
    %add3A_27 = vector.broadcast %get3A_26 : vector<1x64xf32> to vector<1024x64xf32>
    %add3A_28 = arith.addf %div3A_23, %add3A_27 : vector<1024x64xf32>
    %swap3A = arith.constant 0 : index
    %swap3A_29 = arith.constant 0 : index
    %swap3A_30 = vector.load %arg6[%swap3A, %swap3A_29] : memref<1024x64xf32, #tpu.memory_space<vmem>>, vector<1024x64xf32>
    tpu.vector_store %arg6[%swap3A, %swap3A_29], %add3A_28 {strides = array<i32>} : memref<1024x64xf32, #tpu.memory_space<vmem>>, vector<1024x64xf32>,
    return
  }
  func.func @transform_0(%arg0: i32) -> (i32, i32, i32) {
    %c0_i32 = arith.constant 0 : i32
    %c0_i32_0 = arith.constant 0 : i32
    %c0_i32_1 = arith.constant 0 : i32
    return %c0_i32, %arg0, %c0_i32_0 : i32, i32, i32
  }
  func.func @transform_1(%arg0: i32) -> (i32, i32, i32) {
    %c1_i32 = arith.constant 1 : i32
    %c0_i32 = arith.constant 0 : i32
    %c0_i32_0 = arith.constant 0 : i32
    return %c1_i32, %arg0, %c0_i32 : i32, i32, i32
  }
  func.func @transform_2(%arg0: i32) -> (i32, i32, i32) {
    %c0_i32 = arith.constant 0 : i32
    %c0_i32_0 = arith.constant 0 : i32
    %c0_i32_1 = arith.constant 0 : i32
    return %c0_i32, %arg0, %c0_i32_0 : i32, i32, i32
  }
  func.func @transform_3(%arg0: i32) -> (i32, i32, i32) {
    %c1_i32 = arith.constant 1 : i32
    %c0_i32 = arith.constant 0 : i32
    %c0_i32_0 = arith.constant 0 : i32
    return %c1_i32, %arg0, %c0_i32 : i32, i32, i32
  }
  func.func @transform_4(%arg0: i32) -> (i32, i32) {
    %c0_i32 = arith.constant 0 : i32
    %c0_i32_0 = arith.constant 0 : i32
    %c0_i32_1 = arith.constant 0 : i32
    return %c0_i32, %c0_i32_0 : i32, i32
  }
  func.func @transform_5(%arg0: i32) -> (i32, i32) {
    %c0_i32 = arith.constant 0 : i32
    %c0_i32_0 = arith.constant 0 : i32
    return %arg0, %c0_i32 : i32, i32
  }
}

</mosaic_0001>

<sc_bundles>
// kernel: kernel.11.cloned.1.call-start
scs
__scs_entry_jumppad:
0x0: {  	(pc) =	sbr.rel $0x88, $3  }
0x1: {  	(tag) =	ssettag $0x0;
	lr =	simm.s32 $0x1  }
0x2: {  	[smem:$0x3F93] =	sst lr;
	_ =	strace $0xD0000000  }
0x3: {  	_ = 	snop  }
0x4: {  	_ = 	snop  }
0x5: {  	_ = 	snop  }
0x6: {  	_ = 	snop  }
0x7: {  	_ = 	snop  }
__scs_overlays_trampoline_lowered:
0x8: {  	[smem:$0x3FA2] =	sst s0  }
0x9: {  	[smem:$0x3FA3] =	sst s1  }
0xa: {  	[smem:$0x3FA4] =	sst s2  }
0xb: {  	[smem:$0x3FA5] =	sst s3  }
0xc: {  	[smem:$0x3FA6] =	sst s4  }
0xd: {  	[smem:$0x3FA7] =	sst s5  }
0xe: {  	[smem:$0x3FA8] =	sst s6  }
0xf: {  	[smem:$0x3FA9] =	sst s7  }
0x10: {  	[smem:$0x3FAA] =	sst s8  }
0x11: {  	[smem:$0x3FAB] =	sst s9;
	s0 =	simm.s32 @!p0 $0x0  }
0x12: {  	s1 =	sld [smem:$0x3F91];
	s0 =	simm.s32 @p0 $0x1  }
0x13: {  	[smem:$0x3FAC] =	sst s0;
	s0 =	simm.s32 @!p1 $0x0  }
0x14: {  	s2 =	sld [smem:$0x3F90];
	s0 =	simm.s32 @p1 $0x1  }
0x15: {  	[smem:$0x3FAD] =	sst s0;
	s0 =	simm.s32 @!p2 $0x0  }
0x16: {  	s3 =	sld [smem:$0x3FDB];
	s0 =	simm.s32 @p2 $0x1  }
0x17: {  	s4 =	simm.s32 $0x1BF5;
	[smem:$0x3FAF] =	sst s0  }
0x18: {  	s0 =	sld [smem:$0x3F92];
	_ =	swait.ge [sflag:s4], $0x0  }
0x19: {  	s7 =	sld [smem:$0x3F93]  }
0x1a: {  	s8 =	sadd.s32 $0xFFFFE003, lr  }
0x1b: {  	s9 =	sadd.s32 $0xFFFFFEF7, lr;
	s5 =	simm.s32 $0xFFFFFFFF;
	p2 =	slt.u32 s8, $0xFFFFF086  }
0x1c: {  	p1 =	slt.u32 s9, $0xF7A;
	s5 =	simm.s32 @!p2 $0x0  }
0x1d: {  	s5 =	simm.s32 @p1 $0x1;
	p0 =	seq.s32 s7, s2  }
0x1e: {  	s7 =	smul.u32 @!p0 $0xF7A, s2;
	p2 =	seq.s32 @!p0 s5, $0x0  }
0x1f: {  	s9 =	smul.u32 $0xF7A, s1;
	s8 =	simm.s32 @!p0 $0x1BF5;
	p2 =	por !p2, p0  }
0x20: {  	[sflag:s8] =	ssyncset.s32 @!p0 $0xFFFFF086;
	s6 =	sadd.s32 @!p0 s3, s7;
	s7 =	simm.s32 @!p0 $0x108  }
0x21: {  	s3 =	sadd.s32 s3, s9;
	s6 =	sadd.s32 @!p0 $0x88, s6;
	s7 =	simm.s32 @p2 $0x1082  }
0x22: {  	[simem:s7], [sflag:s8] =	dma.local @!p0 [hbm:s6], $0xF7A  }
0x23: {  	s9 =	sor.u32 $0xD0000000, s2;
	s6 =	simm.s32 $0x108;
	_ =	swait.ge @!p0 [sflag:s8], $0x0  }
0x24: {  	s3 =	sadd.s32 $0x88, s3;
	s6 =	simm.s32 @!p1 $0x1082;
	[sflag:s4] =	ssyncset.s32 $0xFFFFF086  }
0x25: {  	[simem:s6], [sflag:s4] =	dma.local [hbm:s3], $0xF7A  }
0x26: {  	[smem:$0x3F93] =	sst s1;
	(tag) =	ssettag s2;
	_ =	strace s9  }
0x27: {  	s1 =	sld [smem:$0x3FA3]  }
0x28: {  	s2 =	sld [smem:$0x3FA4]  }
0x29: {  	s4 =	sld [smem:$0x3FA6]  }
0x2a: {  	p0 =	seq.s32 s5, $0x0;
	s5 =	sld [smem:$0x3FA7]  }
0x2b: {  	s6 =	sld [smem:$0x3FA8]  }
0x2c: {  	s7 =	sld [smem:$0x3FA9]  }
0x2d: {  	s3 =	simm.s32 $0x108;
	s8 =	sld [smem:$0x3FAA]  }
0x2e: {  	s3 =	simm.s32 @!p0 $0x1082;
	s9 =	sld [smem:$0x3FAB]  }
0x2f: {  	lr =	sadd.s32 s0, s3;
	s0 =	sld [smem:$0x3FA2]  }
0x30: {  	s3 =	sld [smem:$0x3FA5]  }
0x31: {  	[smem:$0x3FAE] =	sst s10  }
0x32: {  	s10 =	sld [smem:$0x3FAC];
	_ =	sdelay $0x3  }
0x33: {  	p0 =	seq.s32 s10, $0x1;
	s10 =	sld [smem:$0x3FAE];
	_ =	sdelay $0x3  }
0x34: {  	[smem:$0x3FAE] =	sst s10  }
0x35: {  	s10 =	sld [smem:$0x3FAD];
	_ =	sdelay $0x3  }
0x36: {  	p1 =	seq.s32 s10, $0x1;
	s10 =	sld [smem:$0x3FAE];
	_ =	sdelay $0x3  }
0x37: {  	[smem:$0x3FAE] =	sst s10  }
0x38: {  	s10 =	sld [smem:$0x3FAF]  }
0x39: {  	_ = 	snop;
	(pc) =	sbr.ind lr, $3  }
0x3a: {  	_ = 	snop  }
0x3b: {  	_ = 	snop  }
0x3c: {  	p2 =	seq.s32 s10, $0x1;
	s10 =	sld [smem:$0x3FAE]  }
0x3d: {  	_ =	shalt  }
0x3e: {  	_ =	shalt  }
0x3f: {  	_ =	shalt  }
0x40: {  	_ =	shalt  }
0x41: {  	_ =	shalt  }
0x42: {  	_ =	shalt  }
0x43: {  	_ =	shalt  }
0x44: {  	_ =	shalt  }
0x45: {  	_ =	shalt  }
0x46: {  	_ =	shalt  }
0x47: {  	_ =	shalt  }
0x48: {  	_ =	shalt  }
0x49: {  	_ =	shalt  }
0x4a: {  	_ =	shalt  }
0x4b: {  	_ =	shalt  }
0x4c: {  	_ =	shalt  }
0x4d: {  	_ =	shalt  }
0x4e: {  	_ =	shalt  }
0x4f: {  	_ =	shalt  }
0x50: {  	_ =	shalt  }
0x51: {  	_ =	shalt  }
0x52: {  	_ =	shalt  }
0x53: {  	_ =	shalt  }
0x54: {  	_ =	shalt  }
0x55: {  	_ =	shalt  }
0x56: {  	_ =	shalt  }
0x57: {  	_ =	shalt  }
0x58: {  	_ =	shalt  }
0x59: {  	_ =	shalt  }
0x5a: {  	_ =	shalt  }
0x5b: {  	_ =	shalt  }
0x5c: {  	_ =	shalt  }
0x5d: {  	_ =	shalt  }
0x5e: {  	_ =	shalt  }
0x5f: {  	_ =	shalt  }
0x60: {  	_ =	shalt  }
0x61: {  	_ =	shalt  }
0x62: {  	_ =	shalt  }
0x63: {  	_ =	shalt  }
0x64: {  	_ =	shalt  }
0x65: {  	_ =	shalt  }
0x66: {  	_ =	shalt  }
0x67: {  	_ =	shalt  }
0x68: {  	_ =	shalt  }
0x69: {  	_ =	shalt  }
0x6a: {  	_ =	shalt  }
0x6b: {  	_ =	shalt  }
0x6c: {  	_ =	shalt  }
0x6d: {  	_ =	shalt  }
0x6e: {  	_ =	shalt  }
0x6f: {  	_ =	shalt  }
0x70: {  	_ =	shalt  }
0x71: {  	_ =	shalt  }
0x72: {  	_ =	shalt  }
0x73: {  	_ =	shalt  }
0x74: {  	_ =	shalt  }
0x75: {  	_ =	shalt  }
0x76: {  	_ =	shalt  }
0x77: {  	_ =	shalt  }
0x78: {  	_ =	shalt  }
0x79: {  	_ =	shalt  }
0x7a: {  	_ =	shalt  }
0x7b: {  	_ =	shalt  }
0x7c: {  	_ =	shalt  }
0x7d: {  	_ =	shalt  }
0x7e: {  	_ =	shalt  }
0x7f: {  	_ =	shalt  }
0x80: {  	_ =	shalt  }
0x81: {  	_ =	shalt  }
0x82: {  	_ =	shalt  }
0x83: {  	_ =	shalt  }
0x84: {  	_ =	shalt  }
0x85: {  	_ =	shalt  }
0x86: {  	_ =	shalt  }
0x87: {  	_ =	shalt  }
.Lfunc_end0:
.L_simem_size_0:
called_computation.1_lowered:
.L_overlay_start_0:
0x88: {  	s2 =	sld [smem:$0x3FD9]  }
0x89: {  	s3 =	sld [smem:$0x3FFE];
	_ =	sdelay $0x1  }
0x8a: {  	s1 =	srdreg.scid  }
0x8b: {  	s0 =	sand.u32 $0x1, s1  }
0x8c: {  	s16 =	sshll.u32 s0, $0xA;
	s2 =	sadd.s32 s3, s2  }
0x8d: {  	s2 =	sadd.s32 s2, s16  }
0x8e: {  	[smem:$0x3FBA] =	sst s2  }
0x8f: {  	_ = 	snop  }
0x90: {  	(tm) =	ssettm $0x1  }
0x91: {  	s17 =	sld [smem:$0x3FFB];
	_ =	sdelay $0x3  }
0x92: {  	_ =	strace s17  }
0x93: {  	s2 =	sld [smem:$0x3FFC];
	_ =	sdelay $0x3  }
0x94: {  	_ =	strace s2  }
0x95: {  	s2 =	sld [smem:$0x3FFD];
	_ =	sdelay $0x3  }
0x96: {  	_ =	strace s2  }
0x97: {  	_ =	strace $0x8FFFFFFF  }
0x98: {  	s18 =	sld [smem:$0x3FDB];
	_ =	sdelay $0x1  }
0x99: {  	s19 =	simm.s32 $_scs_section_size  }
0x9a: {  	s4 =	simm.s32 $_size__tile_overlayer_lowered;
	s5 =	simm.s32 $_tile_overlayer_lowered  }
0x9b: {  	s22 =	simm.s32 $0x1BFF;
	s21 =	sshll.u32 s5, $0x1;
	s2 =	sadd.s32 s19, s18  }
0x9c: {  	s6 =	simm.s32 $0x0;
	s20 =	sshll.u32 s4, $0x1;
	s4 =	sadd.s32 s21, s2  }
0x9d: {  	[timem:s6], [sflag:s22] =	dma.local [hbm:s4], s20  }
0x9e: {  	_ =	swait.ge [sflag:s22], s20  }
0x9f: {  	s3 =	ssub.s32 $0x0, s20;
	[sflag:s22] =	ssyncset.done $0x0  }
0xa0: {  	[sflag:s22] =	ssyncadd.s32 s3;
	_ =	sdelay $0x1  }
0xa1: {  	s23 =	simm.s32 $0x1B8B  }
0xa2: {  	_ =	swait.ge [sflag:s23], $0x1  }
0xa3: {  	[sflag:s23] =	ssyncset.done $0x0  }
0xa4: {  	s25 =	simm.s32 $0x1B8E;
	s24 =	sld [smem:$0x3FFE];
	[sflag:s23] =	ssyncadd.s32 $0xFFFFFFFF  }
0xa5: {  	s26 =	simm.s32 $execute0_lowered;
	[smem:$0x3FD2] =	sst s25  }
0xa6: {  	s4 =	sshll.u32 s26, $0x1;
	_ =	strace $0x80000046;
	[dreg:$0x1] =	wrdreg $0xFFFFFFFF  }
0xa7: {  	s28 =	simm.s32 $_size_execute0_lowered;
	s2 =	sadd.s32 s2, s4;
	[dreg:$0x0] =	wrdreg $0x0  }
0xa8: {  	s4 =	sshll.u32 s28, $0x1;
	[dreg:$0x2] =	wrdreg s2  }
0xa9: {  	[dreg:$0x3] =	wrdreg s4  }
0xaa: {  	[dreg:$0x4] =	wrdreg $0xC0  }
0xab: {  	_ =	task [dreg:s6], $0x5FFFF  }
0xac: {  	[dreg:$0x1] =	wrdreg $0xFFFFFFFF  }
0xad: {  	[dreg:$0x0] =	wrdreg $0x60  }
0xae: {  	[dreg:$0x2] =	wrdreg s24  }
0xaf: {  	[dreg:$0x3] =	wrdreg $0x7B600  }
0xb0: {  	[dreg:$0x4] =	wrdreg $0x11B600  }
0xb1: {  	[dreg:$0x5] =	wrdreg $0xA  }
0xb2: {  	_ =	task.clear_ibuf [dreg:s6], $0x6FFFF;
	_ =	strace $0x90000046  }
0xb3: {  	s29 =	simm.s32 $0xA;
	_ =	strace $0x80000048  }
0xb4: {  	_ =	swait.ge [sflag:s29], $0x1  }
0xb5: {  	[sflag:s29] =	ssyncadd.s32 $0xFFFFFFFF  }
0xb6: {  	_ =	strace $0x90000048  }
0xb7: {  	_ =	sfence  }
0xb8: {  	s30 =	sld [smem:$0x0];
	_ =	sdelay $0x2  }
0xb9: {  	s31 =	sshll.u32 s1, $0xD;
	s1 =	sshrl.u32 s1, $0x2  }
0xba: {  	s3 =	sand.u32 $0x4000, s31;
	s1 =	sadd.s32 s1, s30  }
0xbb: {  	s0 =	sor.u32 s3, s0;
	s1 =	sshll.u32 s1, $0x11  }
0xbc: {  	s0 =	sor.u32 s1, s0  }
0xbd: {  	s0 =	sadd.s32 $0x8F2B, s0  }
0xbe: {  	[sflag:s0] =	ssyncadd.remote.s32 $0x1  }
0xbf: {  	_ =	sfence.sel $0xFFFF  }
0xc0: {  	[dreg:$0x0] =	wrdreg $0xFFFFFFFF;
	(pc) =	sbr.abs _section_cstart, $3  }
0xc1: {  	[dreg:$0x1] =	wrdreg $0xFFFFFFFF  }
0xc2: {  	_ =	task.clear_ibuf [dreg:s6], $0x2FFFF;
	_ =	strace $0x9FFFFFFF  }
0xc3: {  	(tm) =	ssettm $0x7FFFFFFF  }
tec
execute0_lowered:
.L_overlay_start_1:
0x0: {  	(tag) =	ssettag $0x1  }
0x1: {  	s25 =	stileid.u32  }
0x2: {  	s3 =	rddreg [dreg:$0x0];
	s9 =	smul.u32 $0x280, s25  }
0x3: {  	s0 =	srdreg.scid;
	s14 =	smul.u32 $0x1400, s25  }
0x4: {  	s1 =	rddreg [dreg:$0x1];
	s0 =	sand.u32 $0x1, s0;
	s26 =	smul.u32 $0x500, s25  }
0x5: {  	s2 =	simm.s32 $0x0;
	s4 =	sshll.u32 s25, $0x1;
	s5 =	smul.u32 $0x14000, s0  }
0x6: {  	s4 =	sor.u32 s0, s4;
	s6 =	smul.u32 $0x5000, s0;
	s0 =	ssub.s32 $0x2, s0  }
0x7: {  	[smem:$0x7FF] =	sst s2;
	s7 =	smul.u32 $0x4E2, s4;
	s24 =	sshrl.u32 s0, $0x1  }
0x8: {  	s15 =	sor.u32 $0x50, s9;
	s4 =	sadd.s32 $0xF0, s9;
	s8 =	sadd.s32 $0x190, s9  }
0x9: {  	s10 =	sadd.s32 $0x1E0, s9;
	s11 =	sadd.s32 $0x230, s9;
	s22 =	sadd.s32 s5, s3  }
0xa: {  	s23 =	sadd.s32 s6, s3;
	s6 =	ssub.s32 s0, s24;
	s0 =	sadd.s32 $0xA0, s9  }
0xb: {  	s5 =	sadd.s32 $0x140, s9;
	s16 =	sshll.u32 s15, $0x3;
	s12 =	sadd.s32 $0x3E200, s22  }
0xc: {  	s17 =	sshll.u32 s15, $0x1;
	s20 =	sshll.u32 s4, $0x3;
	s14 =	sadd.s32 s14, s12  }
0xd: {  	s18 =	sshll.u32 s0, $0x3;
	s16 =	sadd.s32 s16, s12;
	[dreg:$0x4] =	wrdreg s14  }
0xe: {  	s13 =	sadd.s32 $0x66200, s23;
	s18 =	sadd.s32 s18, s12;
	[dreg:$0x5] =	wrdreg s16  }
0xf: {  	s21 =	sshll.u32 s5, $0x3;
	s20 =	sadd.s32 s20, s12;
	[dreg:$0x6] =	wrdreg s18  }
0x10: {  	s22 =	sshll.u32 s8, $0x3;
	s21 =	sadd.s32 s21, s12;
	[dreg:$0x7] =	wrdreg s20  }
0x11: {  	s23 =	sshll.u32 s10, $0x3;
	s22 =	sadd.s32 s22, s12;
	[dreg:$0x8] =	wrdreg s21  }
0x12: {  	s24 =	sshll.u32 s11, $0x3;
	s23 =	sadd.s32 s23, s12;
	[dreg:$0x9] =	wrdreg s22  }
0x13: {  	s19 =	sshll.u32 s0, $0x1;
	s12 =	sadd.s32 s24, s12;
	[dreg:$0xa] =	wrdreg s23  }
0x14: {  	s7 =	sadd.s32 s7, s3;
	s9 =	sadd.s32 s26, s13;
	[dreg:$0xb] =	wrdreg s12  }
0x15: {  	s6 =	smax.u32 s6, $0x1;
	s26 =	sadd.s32 s17, s13;
	[dreg:$0xc] =	wrdreg s9  }
0x16: {  	s24 =	sshll.u32 s4, $0x1;
	s17 =	sshll.u32 s5, $0x1;
	[dreg:$0xd] =	wrdreg s26  }
0x17: {  	s14 =	sadd.s32 s19, s13;
	s16 =	sadd.s32 s24, s13;
	s18 =	sshll.u32 s8, $0x1  }
0x18: {  	s9 =	sadd.s32 s17, s13;
	s20 =	sshll.u32 s10, $0x1;
	s23 =	smul.u32 $0x28000, s25  }
0x19: {  	s21 =	sshll.u32 s11, $0x1;
	s24 =	smul.u32 $0xA000, s25;
	[dreg:$0xe] =	wrdreg s14  }
0x1a: {  	s25 =	sadd.s32 $0xD000, s7;
	s7 =	sadd.s32 $0x3200, s7;
	[dreg:$0xf] =	wrdreg s16  }
0x1b: {  	s12 =	sshll.u32 s15, $0x4;
	s17 =	sshll.u32 s5, $0x6;
	[dreg:$0x10] =	wrdreg s9  }
0x1c: {  	s19 =	sadd.s32 s18, s13;
	s18 =	rddreg [dreg:$0x2];
	s9 =	sadd.s32 s20, s13  }
0x1d: {  	s22 =	sadd.s32 s21, s13;
	s21 =	sadd.s32 $0x16E00, s3;
	s13 =	sshll.u32 s0, $0x6  }
0x1e: {  	s0 =	sshll.u32 s0, $0x4;
	s14 =	sshll.u32 s4, $0x6;
	[dreg:$0x11] =	wrdreg s19  }
0x1f: {  	s4 =	sshll.u32 s4, $0x4;
	s20 =	sadd.s32 s17, s1;
	[dreg:$0x12] =	wrdreg s9  }
0x20: {  	v0 =	vimm.s32 $0xFEDCBA98;
	[dreg:$0x13] =	wrdreg s22;
	s22 =	sadd.s32 $0x2A800, s3;
	s3 =	sadd.s32 $0x3000, s3  }
0x21: {  	v1 =	vimm.s32 $0x76543210;
	s17 =	simm.s32 $0x1400;
	_ =	strace $0x80000047;
	[dreg:$0x14] =	wrdreg s3  }
0x22: {  	v2 =	vimm.s32 $0xBA98FEDC;
	v3 =	vimm.s32 $0x32107654;
	v0 =	vunpack.c.l.s4.s8 v0;
	s26 =	sshrl.u32 s23, $0x2;
	s9 =	sshll.u32 s15, $0x6;
	[dreg:$0x15] =	wrdreg s25  }
0x23: {  	vm0 =	vmmov $0xff;
	v5 =	vimm.s32 $0xEFCDAB89;
	v1 =	vunpack.c.l.s4.s8 v1;
	s31 =	sadd.s32 s12, s18;
	s0 =	sadd.s32 s0, s18;
	[dreg:$0x16] =	wrdreg s7  }
0x24: {  	v2 =	vunpack.c.l.s4.s8 v2;
	v3 =	vunpack.c.l.s4.s8 v3;
	v4 =	vunpack.c.0.s8.s32 v0;
	s15 =	sadd.s32 s14, s1;
	s16 =	sadd.s32 s4, s18;
	[dreg:$0x17] =	wrdreg s6  }
0x25: {  	v6 =	vimm.s32 $0x67452301;
	vm1 =	vcmask $0x2F20;
	v1 =	vunpack.c.0.s8.s32 v1;
	s19 =	sshll.u32 s5, $0x4;
	s23 =	sshll.u32 s8, $0x6;
	[dreg:$0x19] =	wrdreg s0  }
0x26: {  	v2 =	vunpack.c.0.s8.s32 v2;
	v3 =	vunpack.c.0.s8.s32 v3;
	v4 =	vand.u32 $0xF, v4;
	s8 =	sshll.u32 s8, $0x4;
	s28 =	sadd.s32 s26, s1;
	[dreg:$0x1a] =	wrdreg s15  }
0x27: {  	v5 =	vunpack.c.l.s4.s8 v5;
	v1 =	vcombine.low v4, v1;
	v4 =	vimm.s32 $0xDCFE98BA;
	s3 =	sshrl.u32 s24, $0x2;
	s30 =	sadd.s32 s9, s1;
	[dreg:$0x1b] =	wrdreg s16  }
0x28: {  	v2 =	vcombine.low v3, v2;
	v3 =	vunpack.c.l.s4.s8 v4;
	v4 =	vimm.s32 $0x54761032;
	[dreg:$0x1c] =	wrdreg s20;
	s6 =	sadd.s32 s19, s18;
	s7 =	sadd.s32 s23, s1  }
0x29: {  	vm2 =	vcmask $0xF00;
	v6 =	vunpack.c.l.s4.s8 v6;
	v4 =	vunpack.c.l.s4.s8 v4;
	s24 =	sshll.u32 s10, $0x6;
	s8 =	sadd.s32 s8, s18;
	s10 =	sshll.u32 s10, $0x4  }
0x2a: {  	v7 =	vimm.s32 $0xC040800;
	v8 =	vimm.s32 $0x4;
	v5 =	vunpack.c.0.s8.s32 v5;
	s25 =	sshll.u32 s11, $0x6;
	s26 =	sshll.u32 s11, $0x4;
	s15 =	simm.s32 $0x2800  }
0x2b: {  	v6 =	vunpack.c.0.s8.s32 v6;
	v3 =	vunpack.c.0.s8.s32 v3;
	v4 =	vunpack.c.0.s8.s32 v4;
	s16 =	simm.s32 $0x50;
	s19 =	simm.s32 $0x1;
	s20 =	simm.s32 $0x2  }
0x2c: {  	v9 =	vimm.s32 $0xC;
	vm1 =	vmor vm2, vm1;
	v0 =	vimm.f32 $0.0e+00;
	s23 =	simm.s32 $0x0;
	s29 =	sadd.s32 s3, s18;
	s3 =	sadd.s32 s13, s1  }
0x2d: {  	v2 =	vand.u32 $0xF, v2;
	s9 =	sadd.s32 s24, s1;
	s10 =	sadd.s32 s10, s18;
	s11 =	sadd.s32 s25, s1;
	v3 =	vcombine.low v4, v3;
	v4 =	vcombine.low v6, v5  }
0x2e: {  	s12 =	sadd.s32 s26, s18;
	s13 =	simm.s32 $0x3;
	[dreg:$0x18] =	wrdreg s3;
	v5 =	vunpack.c.0.s8.s32 v7;
	v6 =	vimm.s32 $0x0;
	v7 =	vimm.s32 $0x8  }
.LBB2_1:
0x2f: {  	s24 =	simm.s32 $0x20  }
0x30: {  	[tilespmem:s24+$0x0] =	vst v0  }
0x31: {  	[tilespmem:s24+$0xFFFFFFE0] =	vst v0  }
0x32: {  	[tilespmem:s24+$0x10] =	vst v0  }
0x33: {  	s25 =	simm.s32 $0x40;
	s26 =	simm.s32 $0x0;
	[tilespmem:s24+$0xFFFFFFF0] =	vst v0  }
.LBB2_2:
0x34: {  	p0 =	sne.s32 s25, $0x13C0  }
0x35: {  	[tilespmem:s26+$0x2800] =	vst v0;
	s24 =	sadd.s32 $0x40, s24;
	s26 =	smov.u32 s25;
	s25 =	sadd.s32 $0x40, s25  }
.Ltmp0:
0x36: {  	[tilespmem:s24+$0x0] =	vst v0;
	(pc) =	sbr.rel @p0 .LBB2_2-.Ltmp0, $4  }
0x37: {  	_ = 	snop  }
0x38: {  	[tilespmem:s24+$0xFFFFFFE0] =	vst v0  }
0x39: {  	[tilespmem:s24+$0x10] =	vst v0  }
0x3a: {  	s26 =	sshra.s32 s26, $0x2;
	[tilespmem:s24+$0xFFFFFFF0] =	vst v0  }
0x3b: {  	[tilespmem:s26+$0x2800] =	vst v0;
	s24 =	simm.s32 $0x0  }
0x3c: {  	[spmem:s28] =	stream.linear.scatter [tilespmem:s24], [sflag:$0x3], $0x1400, $0x38;
	[tilespmem:$0x14360] =	vst v63  }
0x3d: {  	_ =	swait.ge [sflag:s13], $0x1400  }
0x3e: {  	[sflag:s13] =	ssyncset.done $0x0  }
0x3f: {  	[sflag:s13] =	ssyncadd.s32 $0xFFFFEC00  }
0x40: {  	[spmem:s29] =	stream.linear.scatter [tilespmem:s15], [sflag:$0x3], $0x500, $0x38;
	[tilespmem:$0x14360] =	vst v63  }
0x41: {  	_ =	swait.ge [sflag:s13], $0x500  }
0x42: {  	[sflag:s13] =	ssyncset.done $0x0  }
0x43: {  	[sflag:s13] =	ssyncadd.s32 $0xFFFFFB00  }
0x44: {  	[spmem:s30] =	stream.linear.scatter [tilespmem:s24], [sflag:$0x3], $0x1400, $0x38;
	[tilespmem:$0x14360] =	vst v63  }
0x45: {  	_ =	swait.ge [sflag:s13], $0x1400  }
0x46: {  	[sflag:s13] =	ssyncset.done $0x0  }
0x47: {  	[sflag:s13] =	ssyncadd.s32 $0xFFFFEC00  }
0x48: {  	[spmem:s31] =	stream.linear.scatter [tilespmem:s15], [sflag:$0x3], $0x500, $0x38;
	[tilespmem:$0x14360] =	vst v63  }
0x49: {  	_ =	swait.ge [sflag:s13], $0x500  }
0x4a: {  	[sflag:s13] =	ssyncset.done $0x0  }
0x4b: {  	s14 =	rddreg [dreg:$0x18];
	[sflag:s13] =	ssyncadd.s32 $0xFFFFFB00  }
0x4c: {  	[spmem:s14] =	stream.linear.scatter [tilespmem:s24], [sflag:$0x3], $0x1400, $0x38;
	[tilespmem:$0x14360] =	vst v63  }
0x4d: {  	_ =	swait.ge [sflag:s13], $0x1400  }
0x4e: {  	[sflag:s13] =	ssyncset.done $0x0  }
0x4f: {  	s3 =	smov.u32 s29;
	s29 =	rddreg [dreg:$0x19];
	[sflag:s13] =	ssyncadd.s32 $0xFFFFEC00  }
0x50: {  	[spmem:s29] =	stream.linear.scatter [tilespmem:s15], [sflag:$0x3], $0x500, $0x38;
	[tilespmem:$0x14360] =	vst v63  }
0x51: {  	_ =	swait.ge [sflag:s13], $0x500  }
0x52: {  	[sflag:s13] =	ssyncset.done $0x0  }
0x53: {  	s4 =	smov.u32 s30;
	s30 =	rddreg [dreg:$0x1a];
	[sflag:s13] =	ssyncadd.s32 $0xFFFFFB00  }
0x54: {  	[spmem:s30] =	stream.linear.scatter [tilespmem:s24], [sflag:$0x3], $0x1400, $0x38;
	[tilespmem:$0x14360] =	vst v63  }
0x55: {  	_ =	swait.ge [sflag:s13], $0x1400  }
0x56: {  	[sflag:s13] =	ssyncset.done $0x0  }
0x57: {  	s5 =	smov.u32 s31;
	s31 =	rddreg [dreg:$0x1b];
	[sflag:s13] =	ssyncadd.s32 $0xFFFFEC00  }
0x58: {  	[spmem:s31] =	stream.linear.scatter [tilespmem:s15], [sflag:$0x3], $0x500, $0x38;
	[tilespmem:$0x14360] =	vst v63  }
0x59: {  	_ =	swait.ge [sflag:s13], $0x500  }
0x5a: {  	[sflag:s13] =	ssyncset.done $0x0  }
0x5b: {  	s25 =	rddreg [dreg:$0x1c];
	[sflag:s13] =	ssyncadd.s32 $0xFFFFFB00  }
0x5c: {  	[spmem:s25] =	stream.linear.scatter [tilespmem:s24], [sflag:$0x3], $0x1400, $0x38;
	[tilespmem:$0x14360] =	vst v63  }
0x5d: {  	_ =	swait.ge [sflag:s13], $0x1400  }
0x5e: {  	[sflag:s13] =	ssyncset.done $0x0  }
0x5f: {  	[sflag:s13] =	ssyncadd.s32 $0xFFFFEC00  }
0x60: {  	[spmem:s6] =	stream.linear.scatter [tilespmem:s15], [sflag:$0x3], $0x500, $0x38;
	[tilespmem:$0x14360] =	vst v63  }
0x61: {  	_ =	swait.ge [sflag:s13], $0x500  }
0x62: {  	[sflag:s13] =	ssyncset.done $0x0  }
0x63: {  	[sflag:s13] =	ssyncadd.s32 $0xFFFFFB00  }
0x64: {  	[spmem:s7] =	stream.linear.scatter [tilespmem:s24], [sflag:$0x3], $0x1400, $0x38;
	[tilespmem:$0x14360] =	vst v63  }
0x65: {  	_ =	swait.ge [sflag:s13], $0x1400  }
0x66: {  	[sflag:s13] =	ssyncset.done $0x0  }
0x67: {  	[sflag:s13] =	ssyncadd.s32 $0xFFFFEC00  }
0x68: {  	[spmem:s8] =	stream.linear.scatter [tilespmem:s15], [sflag:$0x3], $0x500, $0x38;
	[tilespmem:$0x14360] =	vst v63  }
0x69: {  	_ =	swait.ge [sflag:s13], $0x500  }
0x6a: {  	[sflag:s13] =	ssyncset.done $0x0  }
0x6b: {  	[sflag:s13] =	ssyncadd.s32 $0xFFFFFB00  }
0x6c: {  	[spmem:s9] =	stream.linear.scatter [tilespmem:s24], [sflag:$0x3], $0x1400, $0x38;
	[tilespmem:$0x14360] =	vst v63  }
0x6d: {  	_ =	swait.ge [sflag:s13], $0x1400  }
0x6e: {  	[sflag:s13] =	ssyncset.done $0x0  }
0x6f: {  	[sflag:s13] =	ssyncadd.s32 $0xFFFFEC00  }
0x70: {  	[spmem:s10] =	stream.linear.scatter [tilespmem:s15], [sflag:$0x3], $0x500, $0x38;
	[tilespmem:$0x14360] =	vst v63  }
0x71: {  	_ =	swait.ge [sflag:s13], $0x500  }
0x72: {  	[sflag:s13] =	ssyncset.done $0x0  }
0x73: {  	[sflag:s13] =	ssyncadd.s32 $0xFFFFFB00  }
0x74: {  	[spmem:s11] =	stream.linear.scatter [tilespmem:s24], [sflag:$0x3], $0x1400, $0x38;
	[tilespmem:$0x14360] =	vst v63  }
0x75: {  	_ =	swait.ge [sflag:s13], $0x1400  }
0x76: {  	[sflag:s13] =	ssyncset.done $0x0  }
0x77: {  	[sflag:s13] =	ssyncadd.s32 $0xFFFFEC00  }
0x78: {  	[spmem:s12] =	stream.linear.scatter [tilespmem:s15], [sflag:$0x3], $0x500, $0x38;
	[tilespmem:$0x14360] =	vst v63  }
0x79: {  	_ =	swait.ge [sflag:s13], $0x500  }
0x7a: {  	[sflag:s13] =	ssyncset.done $0x0  }
0x7b: {  	[sflag:s13] =	ssyncadd.s32 $0xFFFFFB00  }
0x7c: {  	[bflag:$0x0] =	sbarrier.arrive $0xFFFF  }
0x7d: {  	s25 =	simm.s32 $0x7B20;
	s26 =	rddreg [dreg:$0x14]  }
0x7e: {  	[tilespmem:s25], [sflag:$0x3] =	stream.linear.gather [hbm4b:s26+s24], $0x40, $0x38;
	[tilespmem:$0x14360] =	vst v63  }
0x7f: {  	_ =	swait.ge [sflag:s13], $0x40  }
0x80: {  	[sflag:s13] =	ssyncset.done $0x0  }
0x81: {  	[sflag:s13] =	ssyncadd.s32 $0xFFFFFFC0  }
0x82: {  	v10 =	vld [tilespmem:$0x7B20]  }
0x83: {  	v11 =	vld [tilespmem:$0x7B30]  }
0x84: {  	s0 =	smov.u32 s28;
	s29 =	simm.s32 $0x2D00;
	s28 =	rddreg [dreg:$0x15];
	v12 =	vld [tilespmem:$0x7B40]  }
0x85: {  	v13 =	vld [tilespmem:$0x7B50];
	[tilespmem:s29], [sflag:$0x3] =	stream.linear.gather [hbm4b:s28+s24], $0x2710, $0x38  }
0x86: {  	_ =	swait.ge [sflag:s13], $0x2710  }
0x87: {  	[sflag:s13] =	ssyncset.done $0x0  }
0x88: {  	s31 =	simm.s32 $0x5410;
	s30 =	rddreg [dreg:$0x16];
	[sflag:s13] =	ssyncadd.s32 $0xFFFFD8F0  }
0x89: {  	[tilespmem:s31], [sflag:$0x3] =	stream.linear.gather [hbm4b:s30+s24], $0x2710, $0x38;
	[tilespmem:$0x14360] =	vst v63  }
0x8a: {  	_ =	swait.ge [sflag:s13], $0x2710  }
0x8b: {  	[sflag:s13] =	ssyncset.done $0x0  }
0x8c: {  	s25 =	simm.s32 $0x0;
	[sflag:s13] =	ssyncadd.s32 $0xFFFFD8F0  }
.LBB2_4:
0x8d: {  	s26 =	smul.u32 $0x50, s25;
	_ =	sdelay $0x1  }
0x8e: {  	s28 =	sadd.s32 $0x2D00, s26  }
0x8f: {  	[tilespmem:s24], [sflag:$0x1] =	stream.indirect.gather [hbm4b:s21+s16], $0x40, s28, s16, $0xb8;
	[tilespmem:$0x14360] =	vst v63  }
0x90: {  	s26 =	sadd.s32 $0x5410, s26  }
0x91: {  	[tilespmem:s17], [sflag:$0x2] =	stream.indirect.gather [hbm4b:s22+s16], $0x40, s26, s16, $0xb8;
	[tilespmem:$0x14360] =	vst v63  }
0x92: {  	_ =	swait.ge [sflag:s19], $0x1400  }
0x93: {  	[sflag:s19] =	ssyncset.done $0x0  }
0x94: {  	[sflag:s19] =	ssyncadd.s32 $0xFFFFEC00  }
0x95: {  	_ =	swait.ge [sflag:s20], $0x1400  }
0x96: {  	[sflag:s20] =	ssyncset.done $0x0  }
0x97: {  	s28 =	simm.s32 $0x0;
	[sflag:s20] =	ssyncadd.s32 $0xFFFFEC00  }
0x98: {  	v18 =	vld [tilespmem:s28+$0x1420]  }
0x99: {  	v19 =	vld [tilespmem:s28+$0x1410]  }
0x9a: {  	v20 =	vld [tilespmem:s28+$0x1430]  }
0x9b: {  	v16 =	vld [tilespmem:s28+$0x30]  }
0x9c: {  	v14 =	vld [tilespmem:s28+$0x20]  }
0x9d: {  	v15 =	vld [tilespmem:s28+$0x10]  }
0x9e: {  	v21 =	vld [tilespmem:s28+$0x1400]  }
0x9f: {  	v17 =	vld [tilespmem:s28+$0x0];
	_ =	sdelay $0x1  }
0xa0: {  	v20 =	vadd.f32 v20, v16  }
0xa1: {  	v18 =	vadd.f32 v18, v14  }
0xa2: {  	v19 =	vadd.f32 v19, v15;
	v22 =	vmul.f32 $2.000000030e-01, v20  }
0xa3: {  	v21 =	vadd.f32 v21, v17;
	v23 =	vmul.f32 $2.000000030e-01, v18  }
0xa4: {  	v24 =	vmul.f32 $2.000000030e-01, v19;
	v20 =	vmax.f32 v20, v22  }
0xa5: {  	v59 =	vmul.f32 $2.000000030e-01, v21;
	v18 =	vmax.f32 v18, v23;
	v20 =	vmul.f32 v20, v13  }
0xa6: {  	v19 =	vmax.f32 v19, v24;
	v18 =	vmul.f32 v18, v12  }
0xa7: {  	v21 =	vmax.f32 v21, v59;
	v19 =	vmul.f32 v19, v11;
	v60 =	vperm.xlane v20, v1  }
0xa8: {  	v21 =	vmul.f32 v21, v10  }
0xa9: {  	v61 =	vperm.xlane v18, v1;
	v62 =	vperm.xlane v19, v1;
	v20 =	vadd.f32 v60, v20  }
0xaa: {  	v63 =	vperm.xlane v21, v1  }
0xab: {  	v18 =	vadd.f32 v61, v18;
	v19 =	vadd.f32 v62, v19;
	v20 =	vperm.xlane v20, v1;
	_ =	sdelay $0x1  }
0xac: {  	v21 =	vadd.f32 v63, v21;
	v19 =	vperm.xlane v19, v1;
	v18 =	vsel vm0, v18, v20  }
0xad: {  	v20 =	vperm.xlane v18, v2  }
0xae: {  	v19 =	vsel vm0, v21, v19  }
0xaf: {  	v21 =	vperm.xlane v19, v2;
	v18 =	vadd.f32 v20, v18;
	_ =	sdelay $0x1  }
0xb0: {  	v19 =	vadd.f32 v21, v19;
	v18 =	vperm.xlane v18, v2;
	_ =	sdelay $0x1  }
0xb1: {  	v18 =	vsel vm1, v19, v18  }
0xb2: {  	v19 =	vperm.xlane v18, v3;
	_ =	sdelay $0x1  }
0xb3: {  	v18 =	vadd.f32 v19, v18;
	_ =	sdelay $0x1  }
0xb4: {  	v19 =	vperm.xlane v18, v4;
	_ =	sdelay $0x1  }
0xb5: {  	v18 =	vadd.f32 v19, v18;
	_ =	sdelay $0x1  }
0xb6: {  	v18 =	vmul.f32 $1.442695020e+00, v18;
	_ =	sdelay $0x1  }
0xb7: {  	s30 =	simm.s32 $0x2800;
	s31 =	simm.s32 $0x100;
	s29 =	simm.s32 $0x2800;
	(erf) = vpow2.f32 v18  }
.LBB2_5:
0xb8: {  	_ =	sdelay $0x5  }
0xb9: {  	p0 =	sne.s32 s31, $0x4F00  }
0xba: {  	s30 =	sadd.s32 $0x10, s30;
	s14 =	smov.u32 s31;
	s31 =	sadd.s32 $0x100, s31  }
0xbb: {  	s14 =	sshra.s32 s14, $0x2;
	v18 =	vpop (erf)  }
0xbc: {  	v19 =	vperm.xlane v18, v5;
	v20 =	vperm.xlane v18, v9  }
0xbd: {  	v21 =	vperm.xlane v18, v6;
	v22 =	vperm.xlane v18, v8  }
0xbe: {  	v18 =	vperm.xlane v18, v7;
	[tilespmem:s29+$0x0] =	vst v19;
	v16 =	vmul.f32 v20, v16;
	s29 =	smov.u32 s30  }
0xbf: {  	v17 =	vmul.f32 v21, v17;
	v14 =	vmul.f32 v22, v14;
	v19 =	vld [tilespmem:s14+$0x1420]  }
0xc0: {  	v15 =	vmul.f32 v18, v15;
	v20 =	vld [tilespmem:s14+$0x1410];
	[tilespmem:s28+$0x30] =	vst v16  }
0xc1: {  	v18 =	vld [tilespmem:s14+$0x1430];
	[tilespmem:s28+$0x20] =	vst v14  }
0xc2: {  	v16 =	vld [tilespmem:s14+$0x30];
	[tilespmem:s28+$0x10] =	vst v15  }
0xc3: {  	v14 =	vld [tilespmem:s14+$0x20];
	[tilespmem:s28+$0x0] =	vst v17;
	s28 =	smov.u32 s14  }
0xc4: {  	v15 =	vld [tilespmem:s28+$0x10]  }
0xc5: {  	v21 =	vld [tilespmem:s28+$0x1400]  }
0xc6: {  	v17 =	vld [tilespmem:s28+$0x0]  }
0xc7: {  	v18 =	vadd.f32 v18, v16  }
0xc8: {  	v19 =	vadd.f32 v19, v14  }
0xc9: {  	v20 =	vadd.f32 v20, v15;
	v22 =	vmul.f32 $2.000000030e-01, v18  }
0xca: {  	v23 =	vmul.f32 $2.000000030e-01, v19  }
0xcb: {  	v21 =	vadd.f32 v21, v17;
	v24 =	vmul.f32 $2.000000030e-01, v20;
	v18 =	vmax.f32 v18, v22  }
0xcc: {  	v19 =	vmax.f32 v19, v23;
	v18 =	vmul.f32 v18, v13  }
0xcd: {  	v22 =	vmul.f32 $2.000000030e-01, v21;
	v20 =	vmax.f32 v20, v24;
	v19 =	vmul.f32 v19, v12  }
0xce: {  	v20 =	vmul.f32 v20, v11;
	v23 =	vperm.xlane v18, v1  }
0xcf: {  	v21 =	vmax.f32 v21, v22;
	v22 =	vperm.xlane v19, v1  }
0xd0: {  	v21 =	vmul.f32 v21, v10;
	v24 =	vperm.xlane v20, v1;
	v18 =	vadd.f32 v23, v18  }
0xd1: {  	v19 =	vadd.f32 v22, v19  }
0xd2: {  	v22 =	vperm.xlane v21, v1;
	v20 =	vadd.f32 v24, v20;
	v18 =	vperm.xlane v18, v1;
	_ =	sdelay $0x1  }
0xd3: {  	v21 =	vadd.f32 v22, v21;
	v20 =	vperm.xlane v20, v1;
	v18 =	vsel vm0, v19, v18  }
0xd4: {  	v19 =	vperm.xlane v18, v2  }
0xd5: {  	v20 =	vsel vm0, v21, v20  }
0xd6: {  	v21 =	vperm.xlane v20, v2;
	v18 =	vadd.f32 v19, v18;
	_ =	sdelay $0x1  }
0xd7: {  	v19 =	vadd.f32 v21, v20;
	v18 =	vperm.xlane v18, v2;
	_ =	sdelay $0x1  }
0xd8: {  	v18 =	vsel vm1, v19, v18  }
0xd9: {  	v19 =	vperm.xlane v18, v3;
	_ =	sdelay $0x1  }
0xda: {  	v18 =	vadd.f32 v19, v18;
	_ =	sdelay $0x1  }
0xdb: {  	v19 =	vperm.xlane v18, v4;
	_ =	sdelay $0x1  }
.Ltmp1:
0xdc: {  	v18 =	vadd.f32 v19, v18;
	(pc) =	sbr.rel @p0 .LBB2_5-.Ltmp1, $3  }
0xdd: {  	_ = 	snop  }
0xde: {  	v18 =	vmul.f32 $1.442695020e+00, v18;
	_ =	sdelay $0x1  }
0xdf: {  	(erf) = vpow2.f32 v18  }
0xe0: {  	_ =	sdelay $0x7  }
0xe1: {  	v18 =	vpop (erf)  }
0xe2: {  	v19 =	vperm.xlane v18, v9  }
0xe3: {  	v20 =	vperm.xlane v18, v5;
	v21 =	vperm.xlane v18, v8  }
0xe4: {  	v22 =	vperm.xlane v18, v7;
	v16 =	vmul.f32 v19, v16  }
0xe5: {  	v18 =	vperm.xlane v18, v6;
	[tilespmem:s29+$0x0] =	vst v20;
	v14 =	vmul.f32 v21, v14  }
0xe6: {  	v15 =	vmul.f32 v22, v15;
	[tilespmem:s28+$0x30] =	vst v16  }
0xe7: {  	v63 =	vmul.f32 v18, v17;
	[tilespmem:s28+$0x20] =	vst v14  }
0xe8: {  	[tilespmem:s28+$0x10] =	vst v15  }
0xe9: {  	[tilespmem:s28+$0x0] =	vst v63  }
0xea: {  	[spmem:s1] =	stream.indirect.scatter.add.f32 [tilespmem:s2], [sflag:$0x3], $0x40, s26, s16, $0xb8;
	[tilespmem:$0x14360] =	vst v63  }
0xeb: {  	s25 =	sadd.s32 $0x1, s25;
	_ =	swait.ge [sflag:s13], $0x1400  }
0xec: {  	p0 =	sne.s32 s25, $0x7D;
	[sflag:s13] =	ssyncset.done $0x0  }
.Ltmp2:
0xed: {  	[sflag:s13] =	ssyncadd.s32 $0xFFFFEC00;
	(pc) =	sbr.rel @p0 .LBB2_4-.Ltmp2, $4  }
0xee: {  	[spmem:s18] =	stream.indirect.scatter.add.f32 [tilespmem:s15], [sflag:$0x3], $0x10, s26, s16, $0xb8;
	[tilespmem:$0x14360] =	vst v63  }
0xef: {  	_ =	swait.ge [sflag:s13], $0x500  }
0xf0: {  	[sflag:s13] =	ssyncset.done $0x0  }
0xf1: {  	[sflag:s13] =	ssyncadd.s32 $0xFFFFFB00  }
0xf2: {  	s14 =	stileid.u32  }
0xf3: {  	[bflag:$0x0] =	sbarrier.arrive $0xFFFF;
	s28 =	smov.u32 s0;
	s14 =	sshll.u32 s14, $0x6  }
0xf4: {  	s0 =	sshrl.u32 s0, $0x3;
	s25 =	rddreg [dreg:$0x4];
	s24 =	sor.u32 $0x1C03, s14  }
0xf5: {  	[hbm:s25], [sflag:s24] =	dma.local [spmem:s0], $0x280  }
0xf6: {  	_ =	swait.ge [sflag:s13], $0x280  }
0xf7: {  	[sflag:s13] =	ssyncset.done $0x0  }
0xf8: {  	s25 =	sshrl.u32 s3, $0x3;
	s26 =	rddreg [dreg:$0xc];
	[sflag:s13] =	ssyncadd.s32 $0xFFFFFD80  }
0xf9: {  	[hbm:s26], [sflag:s24] =	dma.local [spmem:s25], $0xA0  }
0xfa: {  	_ =	swait.ge [sflag:s13], $0xA0  }
0xfb: {  	s29 =	smov.u32 s3;
	[sflag:s13] =	ssyncset.done $0x0  }
0xfc: {  	s0 =	sshrl.u32 s4, $0x3;
	s3 =	rddreg [dreg:$0x5];
	[sflag:s13] =	ssyncadd.s32 $0xFFFFFF60  }
0xfd: {  	[hbm:s3], [sflag:s24] =	dma.local [spmem:s0], $0x280  }
0xfe: {  	_ =	swait.ge [sflag:s13], $0x280  }
0xff: {  	s30 =	smov.u32 s4;
	s31 =	smov.u32 s5;
	[sflag:s13] =	ssyncset.done $0x0  }
0x100: {  	s4 =	sshrl.u32 s5, $0x3;
	s5 =	rddreg [dreg:$0xd];
	[sflag:s13] =	ssyncadd.s32 $0xFFFFFD80  }
0x101: {  	[hbm:s5], [sflag:s24] =	dma.local [spmem:s4], $0xA0  }
0x102: {  	_ =	swait.ge [sflag:s13], $0xA0  }
0x103: {  	[sflag:s13] =	ssyncset.done $0x0;
	s25 =	rddreg [dreg:$0x18]  }
0x104: {  	s0 =	rddreg [dreg:$0x6];
	[sflag:s13] =	ssyncadd.s32 $0xFFFFFF60;
	s26 =	sshrl.u32 s25, $0x3  }
0x105: {  	[hbm:s0], [sflag:s24] =	dma.local [spmem:s26], $0x280  }
0x106: {  	_ =	swait.ge [sflag:s13], $0x280  }
0x107: {  	[sflag:s13] =	ssyncset.done $0x0;
	s3 =	rddreg [dreg:$0x19]  }
0x108: {  	s5 =	rddreg [dreg:$0xe];
	[sflag:s13] =	ssyncadd.s32 $0xFFFFFD80;
	s4 =	sshrl.u32 s3, $0x3  }
0x109: {  	[hbm:s5], [sflag:s24] =	dma.local [spmem:s4], $0xA0  }
0x10a: {  	_ =	swait.ge [sflag:s13], $0xA0  }
0x10b: {  	[sflag:s13] =	ssyncset.done $0x0;
	s25 =	rddreg [dreg:$0x1a]  }
0x10c: {  	s0 =	rddreg [dreg:$0x7];
	[sflag:s13] =	ssyncadd.s32 $0xFFFFFF60;
	s26 =	sshrl.u32 s25, $0x3  }
0x10d: {  	[hbm:s0], [sflag:s24] =	dma.local [spmem:s26], $0x280  }
0x10e: {  	_ =	swait.ge [sflag:s13], $0x280  }
0x10f: {  	[sflag:s13] =	ssyncset.done $0x0;
	s3 =	rddreg [dreg:$0x1b]  }
0x110: {  	s5 =	rddreg [dreg:$0xf];
	[sflag:s13] =	ssyncadd.s32 $0xFFFFFD80;
	s4 =	sshrl.u32 s3, $0x3  }
0x111: {  	[hbm:s5], [sflag:s24] =	dma.local [spmem:s4], $0xA0  }
0x112: {  	_ =	swait.ge [sflag:s13], $0xA0  }
0x113: {  	[sflag:s13] =	ssyncset.done $0x0;
	s26 =	rddreg [dreg:$0x1c]  }
0x114: {  	s3 =	rddreg [dreg:$0x8];
	[sflag:s13] =	ssyncadd.s32 $0xFFFFFF60;
	s0 =	sshrl.u32 s26, $0x3  }
0x115: {  	[hbm:s3], [sflag:s24] =	dma.local [spmem:s0], $0x280  }
0x116: {  	_ =	swait.ge [sflag:s13], $0x280  }
0x117: {  	[sflag:s13] =	ssyncset.done $0x0  }
0x118: {  	s4 =	sshrl.u32 s6, $0x3;
	s5 =	rddreg [dreg:$0x10];
	[sflag:s13] =	ssyncadd.s32 $0xFFFFFD80  }
0x119: {  	[hbm:s5], [sflag:s24] =	dma.local [spmem:s4], $0xA0  }
0x11a: {  	_ =	swait.ge [sflag:s13], $0xA0  }
0x11b: {  	[sflag:s13] =	ssyncset.done $0x0  }
0x11c: {  	s25 =	sshrl.u32 s7, $0x3;
	s26 =	rddreg [dreg:$0x9];
	[sflag:s13] =	ssyncadd.s32 $0xFFFFFF60  }
0x11d: {  	[hbm:s26], [sflag:s24] =	dma.local [spmem:s25], $0x280  }
0x11e: {  	_ =	swait.ge [sflag:s13], $0x280  }
0x11f: {  	[sflag:s13] =	ssyncset.done $0x0  }
0x120: {  	s0 =	sshrl.u32 s8, $0x3;
	s3 =	rddreg [dreg:$0x11];
	[sflag:s13] =	ssyncadd.s32 $0xFFFFFD80  }
0x121: {  	[hbm:s3], [sflag:s24] =	dma.local [spmem:s0], $0xA0  }
0x122: {  	_ =	swait.ge [sflag:s13], $0xA0  }
0x123: {  	[sflag:s13] =	ssyncset.done $0x0  }
0x124: {  	s4 =	sshrl.u32 s9, $0x3;
	s5 =	rddreg [dreg:$0xa];
	[sflag:s13] =	ssyncadd.s32 $0xFFFFFF60  }
0x125: {  	[hbm:s5], [sflag:s24] =	dma.local [spmem:s4], $0x280  }
0x126: {  	_ =	swait.ge [sflag:s13], $0x280  }
0x127: {  	[sflag:s13] =	ssyncset.done $0x0  }
0x128: {  	s25 =	sshrl.u32 s10, $0x3;
	s26 =	rddreg [dreg:$0x12];
	[sflag:s13] =	ssyncadd.s32 $0xFFFFFD80  }
0x129: {  	[hbm:s26], [sflag:s24] =	dma.local [spmem:s25], $0xA0  }
0x12a: {  	_ =	swait.ge [sflag:s13], $0xA0  }
0x12b: {  	[sflag:s13] =	ssyncset.done $0x0  }
0x12c: {  	s0 =	sshrl.u32 s11, $0x3;
	s3 =	rddreg [dreg:$0xb];
	[sflag:s13] =	ssyncadd.s32 $0xFFFFFF60  }
0x12d: {  	[hbm:s3], [sflag:s24] =	dma.local [spmem:s0], $0x280  }
0x12e: {  	_ =	swait.ge [sflag:s13], $0x280  }
0x12f: {  	[sflag:s13] =	ssyncset.done $0x0  }
0x130: {  	s4 =	sshrl.u32 s12, $0x3;
	s5 =	rddreg [dreg:$0x13];
	[sflag:s13] =	ssyncadd.s32 $0xFFFFFD80  }
0x131: {  	[hbm:s5], [sflag:s24] =	dma.local [spmem:s4], $0xA0  }
0x132: {  	_ =	swait.ge [sflag:s13], $0xA0  }
0x133: {  	s23 =	sadd.s32 $0x1, s23;
	s26 =	rddreg [dreg:$0x17]  }
0x134: {  	p0 =	sne.s32 s23, s26  }
.Ltmp3:
0x135: {  	_ = 	snop;
	(pc) =	sbr.rel @p0 .LBB2_1-.Ltmp3, $3  }
0x136: {  	_ =	sdelay $0x1  }
0x137: {  	[sflag:s13] =	ssyncset.done $0x0  }
0x138: {  	[sflag:s13] =	ssyncadd.s32 $0xFFFFFF60  }
0x139: {  	_ =	sfence.sel $0x180000  }
0x13a: {  	[bflag:$0x0] =	sbarrier.arrive $0xFFFF  }
0x13b: {  	_ =	strace $0x90000047  }
0x13c: {  	s0 =	stileid.u32;
	[bflag:$0x2] =	sbarrier.arrive $0xFFFF  }
0x13d: {  	p0 =	sne.s32 s0, $0x0;
	s0 =	rddreg [dreg:$0x3]  }
0x13e: {  	s0 =	sadd.s32 @!p0 $0x100000, s0  }
0x13f: {  	[sflag:s0] =	ssyncadd.tile.s32 @!p0 $0x1;
	_ =	shalt  }
.Lfunc_end2:
_tile_overlayer_lowered:
.L_overlay_start_2:
0x140: {  	(tag) =	ssettag $0x2  }
0x141: {  	s0 =	rddreg [dreg:$0x0];
	s2 =	stileid.u32  }
0x142: {  	s1 =	rddreg [dreg:$0x1];
	p0 =	sne.s32 s2, $0x0  }
0x143: {  	s3 =	rddreg [dreg:$0x2];
	[bflag:$0x3] =	sbarrier.arrive $0xFFFF;
	s2 =	simm.s32 @!p0 $0x1C03  }
0x144: {  	[timem:s3], [sflag:s2] =	dma.local @!p0 [hbm:s0], s1  }
0x145: {  	s0 =	simm.s32 @!p0 $0x3  }
0x146: {  	_ =	swait.ge @!p0 [sflag:s0], s1  }
0x147: {  	s1 =	ssub.s32 @!p0 $0x0, s1;
	[sflag:s0] =	ssyncset.done @!p0 $0x0  }
0x148: {  	[sflag:s0] =	ssyncadd.s32 @!p0 s1  }
0x149: {  	[bflag:$0x3] =	sbarrier.arrive $0xFFFF  }
0x14a: {  	_ =	shalt  }

// kernel: kernel.14.cloned.1.call-start
scs
__scs_entry_jumppad:
0x0: {  	(pc) =	sbr.rel $0x88, $3  }
0x1: {  	(tag) =	ssettag $0x0;
	lr =	simm.s32 $0x1  }
0x2: {  	[smem:$0x3F93] =	sst lr;
	_ =	strace $0xD0000000  }
0x3: {  	_ = 	snop  }
0x4: {  	_ = 	snop  }
0x5: {  	_ = 	snop  }
0x6: {  	_ = 	snop  }
0x7: {  	_ = 	snop  }
__scs_overlays_trampoline_lowered:
0x8: {  	[smem:$0x3FA2] =	sst s0  }
0x9: {  	[smem:$0x3FA3] =	sst s1  }
0xa: {  	[smem:$0x3FA4] =	sst s2  }
0xb: {  	[smem:$0x3FA5] =	sst s3  }
0xc: {  	[smem:$0x3FA6] =	sst s4  }
0xd: {  	[smem:$0x3FA7] =	sst s5  }
0xe: {  	[smem:$0x3FA8] =	sst s6  }
0xf: {  	[smem:$0x3FA9] =	sst s7  }
0x10: {  	[smem:$0x3FAA] =	sst s8  }
0x11: {  	[smem:$0x3FAB] =	sst s9;
	s0 =	simm.s32 @!p0 $0x0  }
0x12: {  	s1 =	sld [smem:$0x3F91];
	s0 =	simm.s32 @p0 $0x1  }
0x13: {  	[smem:$0x3FAC] =	sst s0;
	s0 =	simm.s32 @!p1 $0x0  }
0x14: {  	s2 =	sld [smem:$0x3F90];
	s0 =	simm.s32 @p1 $0x1  }
0x15: {  	[smem:$0x3FAD] =	sst s0;
	s0 =	simm.s32 @!p2 $0x0  }
0x16: {  	s3 =	sld [smem:$0x3FDB];
	s0 =	simm.s32 @p2 $0x1  }
0x17: {  	s4 =	simm.s32 $0x1BF5;
	[smem:$0x3FAF] =	sst s0  }
0x18: {  	s0 =	sld [smem:$0x3F92];
	_ =	swait.ge [sflag:s4], $0x0  }
0x19: {  	s7 =	sld [smem:$0x3F93]  }
0x1a: {  	s8 =	sadd.s32 $0xFFFFE003, lr  }
0x1b: {  	s9 =	sadd.s32 $0xFFFFFEF7, lr;
	s5 =	simm.s32 $0xFFFFFFFF;
	p2 =	slt.u32 s8, $0xFFFFF086  }
0x1c: {  	p1 =	slt.u32 s9, $0xF7A;
	s5 =	simm.s32 @!p2 $0x0  }
0x1d: {  	s5 =	simm.s32 @p1 $0x1;
	p0 =	seq.s32 s7, s2  }
0x1e: {  	s7 =	smul.u32 @!p0 $0xF7A, s2;
	p2 =	seq.s32 @!p0 s5, $0x0  }
0x1f: {  	s9 =	smul.u32 $0xF7A, s1;
	s8 =	simm.s32 @!p0 $0x1BF5;
	p2 =	por !p2, p0  }
0x20: {  	[sflag:s8] =	ssyncset.s32 @!p0 $0xFFFFF086;
	s6 =	sadd.s32 @!p0 s3, s7;
	s7 =	simm.s32 @!p0 $0x108  }
0x21: {  	s3 =	sadd.s32 s3, s9;
	s6 =	sadd.s32 @!p0 $0x88, s6;
	s7 =	simm.s32 @p2 $0x1082  }
0x22: {  	[simem:s7], [sflag:s8] =	dma.local @!p0 [hbm:s6], $0xF7A  }
0x23: {  	s9 =	sor.u32 $0xD0000000, s2;
	s6 =	simm.s32 $0x108;
	_ =	swait.ge @!p0 [sflag:s8], $0x0  }
0x24: {  	s3 =	sadd.s32 $0x88, s3;
	s6 =	simm.s32 @!p1 $0x1082;
	[sflag:s4] =	ssyncset.s32 $0xFFFFF086  }
0x25: {  	[simem:s6], [sflag:s4] =	dma.local [hbm:s3], $0xF7A  }
0x26: {  	[smem:$0x3F93] =	sst s1;
	(tag) =	ssettag s2;
	_ =	strace s9  }
0x27: {  	s1 =	sld [smem:$0x3FA3]  }
0x28: {  	s2 =	sld [smem:$0x3FA4]  }
0x29: {  	s4 =	sld [smem:$0x3FA6]  }
0x2a: {  	p0 =	seq.s32 s5, $0x0;
	s5 =	sld [smem:$0x3FA7]  }
0x2b: {  	s6 =	sld [smem:$0x3FA8]  }
0x2c: {  	s7 =	sld [smem:$0x3FA9]  }
0x2d: {  	s3 =	simm.s32 $0x108;
	s8 =	sld [smem:$0x3FAA]  }
0x2e: {  	s3 =	simm.s32 @!p0 $0x1082;
	s9 =	sld [smem:$0x3FAB]  }
0x2f: {  	lr =	sadd.s32 s0, s3;
	s0 =	sld [smem:$0x3FA2]  }
0x30: {  	s3 =	sld [smem:$0x3FA5]  }
0x31: {  	[smem:$0x3FAE] =	sst s10  }
0x32: {  	s10 =	sld [smem:$0x3FAC];
	_ =	sdelay $0x3  }
0x33: {  	p0 =	seq.s32 s10, $0x1;
	s10 =	sld [smem:$0x3FAE];
	_ =	sdelay $0x3  }
0x34: {  	[smem:$0x3FAE] =	sst s10  }
0x35: {  	s10 =	sld [smem:$0x3FAD];
	_ =	sdelay $0x3  }
0x36: {  	p1 =	seq.s32 s10, $0x1;
	s10 =	sld [smem:$0x3FAE];
	_ =	sdelay $0x3  }
0x37: {  	[smem:$0x3FAE] =	sst s10  }
0x38: {  	s10 =	sld [smem:$0x3FAF]  }
0x39: {  	_ = 	snop;
	(pc) =	sbr.ind lr, $3  }
0x3a: {  	_ = 	snop  }
0x3b: {  	_ = 	snop  }
0x3c: {  	p2 =	seq.s32 s10, $0x1;
	s10 =	sld [smem:$0x3FAE]  }
0x3d: {  	_ =	shalt  }
0x3e: {  	_ =	shalt  }
0x3f: {  	_ =	shalt  }
0x40: {  	_ =	shalt  }
0x41: {  	_ =	shalt  }
0x42: {  	_ =	shalt  }
0x43: {  	_ =	shalt  }
0x44: {  	_ =	shalt  }
0x45: {  	_ =	shalt  }
0x46: {  	_ =	shalt  }
0x47: {  	_ =	shalt  }
0x48: {  	_ =	shalt  }
0x49: {  	_ =	shalt  }
0x4a: {  	_ =	shalt  }
0x4b: {  	_ =	shalt  }
0x4c: {  	_ =	shalt  }
0x4d: {  	_ =	shalt  }
0x4e: {  	_ =	shalt  }
0x4f: {  	_ =	shalt  }
0x50: {  	_ =	shalt  }
0x51: {  	_ =	shalt  }
0x52: {  	_ =	shalt  }
0x53: {  	_ =	shalt  }
0x54: {  	_ =	shalt  }
0x55: {  	_ =	shalt  }
0x56: {  	_ =	shalt  }
0x57: {  	_ =	shalt  }
0x58: {  	_ =	shalt  }
0x59: {  	_ =	shalt  }
0x5a: {  	_ =	shalt  }
0x5b: {  	_ =	shalt  }
0x5c: {  	_ =	shalt  }
0x5d: {  	_ =	shalt  }
0x5e: {  	_ =	shalt  }
0x5f: {  	_ =	shalt  }
0x60: {  	_ =	shalt  }
0x61: {  	_ =	shalt  }
0x62: {  	_ =	shalt  }
0x63: {  	_ =	shalt  }
0x64: {  	_ =	shalt  }
0x65: {  	_ =	shalt  }
0x66: {  	_ =	shalt  }
0x67: {  	_ =	shalt  }
0x68: {  	_ =	shalt  }
0x69: {  	_ =	shalt  }
0x6a: {  	_ =	shalt  }
0x6b: {  	_ =	shalt  }
0x6c: {  	_ =	shalt  }
0x6d: {  	_ =	shalt  }
0x6e: {  	_ =	shalt  }
0x6f: {  	_ =	shalt  }
0x70: {  	_ =	shalt  }
0x71: {  	_ =	shalt  }
0x72: {  	_ =	shalt  }
0x73: {  	_ =	shalt  }
0x74: {  	_ =	shalt  }
0x75: {  	_ =	shalt  }
0x76: {  	_ =	shalt  }
0x77: {  	_ =	shalt  }
0x78: {  	_ =	shalt  }
0x79: {  	_ =	shalt  }
0x7a: {  	_ =	shalt  }
0x7b: {  	_ =	shalt  }
0x7c: {  	_ =	shalt  }
0x7d: {  	_ =	shalt  }
0x7e: {  	_ =	shalt  }
0x7f: {  	_ =	shalt  }
0x80: {  	_ =	shalt  }
0x81: {  	_ =	shalt  }
0x82: {  	_ =	shalt  }
0x83: {  	_ =	shalt  }
0x84: {  	_ =	shalt  }
0x85: {  	_ =	shalt  }
0x86: {  	_ =	shalt  }
0x87: {  	_ =	shalt  }
.Lfunc_end0:
.L_simem_size_0:
called_computation.2_lowered:
.L_overlay_start_0:
0x88: {  	s2 =	sld [smem:$0x3FD9]  }
0x89: {  	s3 =	sld [smem:$0x3FFE];
	_ =	sdelay $0x1  }
0x8a: {  	s1 =	srdreg.scid  }
0x8b: {  	s0 =	sand.u32 $0x1, s1  }
0x8c: {  	s17 =	sshll.u32 s0, $0xA;
	s2 =	sadd.s32 s3, s2  }
0x8d: {  	s2 =	sadd.s32 s2, s17  }
0x8e: {  	[smem:$0x3FBA] =	sst s2  }
0x8f: {  	_ = 	snop  }
0x90: {  	s2 =	sld [smem:$0x3FBD]  }
0x91: {  	s18 =	sld [smem:$0x3FD0];
	(tm) =	ssettm $0x1  }
0x92: {  	s4 =	sld [smem:$0x3FFB];
	_ =	sdelay $0x3  }
0x93: {  	_ =	strace s4  }
0x94: {  	s4 =	sld [smem:$0x3FFC];
	_ =	sdelay $0x3  }
0x95: {  	_ =	strace s4  }
0x96: {  	s4 =	sld [smem:$0x3FFD];
	_ =	sdelay $0x3  }
0x97: {  	_ =	strace s4  }
0x98: {  	_ =	strace $0x8FFFFFFF  }
0x99: {  	s19 =	sld [smem:$0x3FDB];
	_ =	sdelay $0x1  }
0x9a: {  	s5 =	simm.s32 $_scs_section_size  }
0x9b: {  	s6 =	simm.s32 $_size__tile_overlayer_lowered;
	s7 =	simm.s32 $_tile_overlayer_lowered  }
0x9c: {  	s22 =	simm.s32 $0x1BFF;
	s21 =	sshll.u32 s7, $0x1;
	s4 =	sadd.s32 s5, s19  }
0x9d: {  	s8 =	simm.s32 $0x0;
	s20 =	sshll.u32 s6, $0x1;
	s6 =	sadd.s32 s21, s4  }
0x9e: {  	[timem:s8], [sflag:s22] =	dma.local [hbm:s6], s20  }
0x9f: {  	_ =	swait.ge [sflag:s22], s20  }
0xa0: {  	s5 =	ssub.s32 $0x0, s20;
	[sflag:s22] =	ssyncset.done $0x0  }
0xa1: {  	[sflag:s22] =	ssyncadd.s32 s5;
	_ =	sdelay $0x1  }
0xa2: {  	s23 =	simm.s32 $0x1B8B  }
0xa3: {  	_ =	swait.ge [sflag:s23], $0x1  }
0xa4: {  	[sflag:s23] =	ssyncset.done $0x0  }
0xa5: {  	s25 =	simm.s32 $0x1B8E;
	s24 =	sld [smem:$0x3FFE];
	[sflag:s23] =	ssyncadd.s32 $0xFFFFFFFF  }
0xa6: {  	s26 =	simm.s32 $execute0_lowered;
	[smem:$0x3FD2] =	sst s25  }
0xa7: {  	s6 =	sshll.u32 s26, $0x1;
	_ =	strace $0x8000004C;
	[dreg:$0x1] =	wrdreg $0xFFFFFFFF  }
0xa8: {  	s28 =	simm.s32 $_size_execute0_lowered;
	s4 =	sadd.s32 s4, s6;
	[dreg:$0x0] =	wrdreg $0x0  }
0xa9: {  	s6 =	sshll.u32 s28, $0x1;
	[dreg:$0x2] =	wrdreg s4  }
0xaa: {  	[dreg:$0x3] =	wrdreg s6  }
0xab: {  	[dreg:$0x4] =	wrdreg $0xC0  }
0xac: {  	_ =	task [dreg:s8], $0x5FFFF  }
0xad: {  	[dreg:$0x1] =	wrdreg $0xFFFFFFFF  }
0xae: {  	[dreg:$0x0] =	wrdreg $0x60  }
0xaf: {  	[dreg:$0x2] =	wrdreg s24  }
0xb0: {  	[dreg:$0x3] =	wrdreg s2  }
0xb1: {  	[dreg:$0x4] =	wrdreg s18  }
0xb2: {  	[dreg:$0x5] =	wrdreg $0x7B600  }
0xb3: {  	[dreg:$0x6] =	wrdreg $0x11B600  }
0xb4: {  	[dreg:$0x7] =	wrdreg $0x9  }
0xb5: {  	_ =	task.clear_ibuf [dreg:s8], $0x8FFFF;
	_ =	strace $0x9000004C  }
0xb6: {  	s29 =	simm.s32 $0x9;
	_ =	strace $0x8000004E  }
0xb7: {  	_ =	swait.ge [sflag:s29], $0x1  }
0xb8: {  	[sflag:s29] =	ssyncadd.s32 $0xFFFFFFFF  }
0xb9: {  	_ =	strace $0x9000004E  }
0xba: {  	_ =	sfence  }
0xbb: {  	s30 =	sld [smem:$0x0];
	_ =	sdelay $0x2  }
0xbc: {  	s31 =	sshll.u32 s1, $0xD;
	s1 =	sshrl.u32 s1, $0x2  }
0xbd: {  	s3 =	sand.u32 $0x4000, s31;
	s1 =	sadd.s32 s1, s30  }
0xbe: {  	s0 =	sor.u32 s3, s0;
	s1 =	sshll.u32 s1, $0x11  }
0xbf: {  	s0 =	sor.u32 s1, s0  }
0xc0: {  	s0 =	sadd.s32 $0x8F2B, s0  }
0xc1: {  	[sflag:s0] =	ssyncadd.remote.s32 $0x1  }
0xc2: {  	_ =	sfence.sel $0xFFFF  }
0xc3: {  	[dreg:$0x0] =	wrdreg $0xFFFFFFFF;
	(pc) =	sbr.abs _section_cstart, $3  }
0xc4: {  	[dreg:$0x1] =	wrdreg $0xFFFFFFFF  }
0xc5: {  	_ =	task.clear_ibuf [dreg:s8], $0x2FFFF;
	_ =	strace $0x9FFFFFFF  }
0xc6: {  	(tm) =	ssettm $0x7FFFFFFF  }
0xc7: {  	_ =	shalt  }
tec
execute0_lowered:
.L_overlay_start_1:
0x0: {  	(tag) =	ssettag $0x1  }
0x1: {  	s24 =	stileid.u32  }
0x2: {  	s0 =	srdreg.scid;
	s8 =	smul.u32 $0x280, s24  }
0x3: {  	s5 =	rddreg [dreg:$0x0];
	s12 =	smul.u32 $0x1400, s24  }
0x4: {  	s3 =	rddreg [dreg:$0x2];
	s0 =	sand.u32 $0x1, s0;
	s31 =	smul.u32 $0x500, s24  }
0x5: {  	s2 =	simm.s32 $0x0;
	s1 =	sshll.u32 s24, $0x1;
	s4 =	smul.u32 $0x14000, s0  }
0x6: {  	s1 =	sor.u32 s0, s1;
	s6 =	ssub.s32 $0x2, s0;
	s0 =	smul.u32 $0x5000, s0  }
0x7: {  	[smem:$0x7FF] =	sst s2;
	s1 =	smul.u32 $0x4E2, s1  }
0x8: {  	s7 =	sshrl.u32 s6, $0x1;
	s13 =	sor.u32 $0x50, s8;
	s14 =	sadd.s32 $0xA0, s8  }
0x9: {  	s9 =	sadd.s32 $0x1E0, s8;
	s10 =	sadd.s32 $0x230, s8;
	s4 =	sadd.s32 s4, s5  }
0xa: {  	s6 =	ssub.s32 s6, s7;
	s0 =	sadd.s32 s3, s0;
	s3 =	sadd.s32 $0xF0, s8  }
0xb: {  	s7 =	sadd.s32 $0x190, s8;
	s15 =	sshll.u32 s13, $0x3;
	s16 =	sshll.u32 s13, $0x1  }
0xc: {  	s18 =	sshll.u32 s14, $0x1;
	s11 =	sadd.s32 $0x3EE00, s4;
	s4 =	sadd.s32 $0x140, s8  }
0xd: {  	s8 =	sadd.s32 s31, s0;
	s26 =	sadd.s32 s18, s0;
	s18 =	rddreg [dreg:$0x3]  }
0xe: {  	s17 =	sshll.u32 s14, $0x3;
	s25 =	sadd.s32 s16, s0;
	[dreg:$0xe] =	wrdreg s8  }
0xf: {  	s22 =	sshll.u32 s9, $0x3;
	s23 =	sshll.u32 s10, $0x3;
	[dreg:$0xf] =	wrdreg s25  }
0x10: {  	s19 =	sshll.u32 s3, $0x3;
	s12 =	sadd.s32 s12, s11;
	[dreg:$0x10] =	wrdreg s26  }
0x11: {  	s21 =	sshll.u32 s7, $0x3;
	s15 =	sadd.s32 s15, s11;
	[dreg:$0x6] =	wrdreg s12  }
0x12: {  	s16 =	sshll.u32 s9, $0x1;
	s17 =	sadd.s32 s17, s11;
	[dreg:$0x7] =	wrdreg s15  }
0x13: {  	s6 =	smax.u32 s6, $0x1;
	s19 =	sadd.s32 s19, s11;
	[dreg:$0x8] =	wrdreg s17  }
0x14: {  	s20 =	sshll.u32 s4, $0x3;
	s21 =	sadd.s32 s21, s11;
	[dreg:$0x9] =	wrdreg s19  }
0x15: {  	s22 =	sadd.s32 s22, s11;
	s25 =	smul.u32 $0xA000, s24;
	[dreg:$0xb] =	wrdreg s21  }
0x16: {  	s20 =	sadd.s32 s20, s11;
	[dreg:$0xc] =	wrdreg s22;
	s11 =	sadd.s32 s23, s11  }
0x17: {  	s23 =	sshll.u32 s3, $0x1;
	s12 =	sshll.u32 s7, $0x1;
	s19 =	rddreg [dreg:$0x4]  }
0x18: {  	s17 =	sshll.u32 s10, $0x1;
	s21 =	smul.u32 $0x28000, s24;
	s22 =	sadd.s32 $0x16E00, s5  }
0x19: {  	s24 =	sshll.u32 s7, $0x6;
	s7 =	sshll.u32 s7, $0x4;
	[dreg:$0xa] =	wrdreg s20  }
0x1a: {  	[dreg:$0xd] =	wrdreg s11;
	s31 =	sadd.s32 s23, s0;
	s11 =	sshll.u32 s4, $0x1  }
0x1b: {  	s15 =	sadd.s32 s12, s0;
	s20 =	sadd.s32 s1, s5;
	s23 =	sadd.s32 $0x2AE00, s5  }
0x1c: {  	s12 =	sshll.u32 s13, $0x4;
	s7 =	sadd.s32 s7, s19;
	[dreg:$0x11] =	wrdreg s31  }
0x1d: {  	s8 =	sadd.s32 s11, s0;
	[dreg:$0x13] =	wrdreg s15;
	s26 =	sadd.s32 $0xD000, s20  }
0x1e: {  	s31 =	sshrl.u32 s21, $0x2;
	s11 =	sshll.u32 s13, $0x6;
	s13 =	sadd.s32 s12, s19  }
0x1f: {  	s15 =	sshll.u32 s14, $0x6;
	s21 =	sshll.u32 s4, $0x4;
	s12 =	simm.s32 $0x3  }
0x20: {  	[dreg:$0x12] =	wrdreg s8;
	s8 =	sadd.s32 s16, s0;
	s0 =	sadd.s32 s17, s0  }
0x21: {  	s28 =	sadd.s32 s31, s18;
	s30 =	sadd.s32 s11, s18;
	s16 =	sshll.u32 s14, $0x4  }
0x22: {  	v0 =	vimm.s32 $0xFEDCBA98;
	s17 =	sshll.u32 s3, $0x6;
	s3 =	sshll.u32 s3, $0x4;
	s5 =	sadd.s32 s21, s19  }
0x23: {  	v1 =	vimm.s32 $0x76543210;
	v2 =	vimm.s32 $0x3210FEDC;
	s31 =	sshll.u32 s10, $0x4;
	s14 =	simm.s32 $0x50;
	[dreg:$0x14] =	wrdreg s8  }
0x24: {  	v3 =	vimm.s32 $0xBA987654;
	v4 =	vimm.s32 $0x10FEDCBA;
	s21 =	simm.s32 $0x0;
	[dreg:$0x15] =	wrdreg s0;
	s0 =	sadd.s32 $0x3200, s20  }
0x25: {  	v5 =	vimm.s32 $0x98765432;
	v6 =	vimm.s32 $0xFEDCBA9;
	s8 =	sshrl.u32 s25, $0x2;
	_ =	strace $0x8000004D;
	[dreg:$0x16] =	wrdreg s26  }
0x26: {  	v7 =	vimm.s32 $0x87654321;
	v0 =	vunpack.c.l.s4.s8 v0;
	v1 =	vunpack.c.l.s4.s8 v1;
	s3 =	sadd.s32 s3, s19;
	s20 =	sshll.u32 s4, $0x6;
	[dreg:$0x17] =	wrdreg s0  }
0x27: {  	v2 =	vunpack.c.l.s4.s8 v2;
	v3 =	vunpack.c.l.s4.s8 v3;
	v4 =	vunpack.c.l.s4.s8 v4;
	s25 =	sshll.u32 s9, $0x6;
	s9 =	sshll.u32 s9, $0x4;
	[dreg:$0x18] =	wrdreg s6  }
0x28: {  	v5 =	vunpack.c.l.s4.s8 v5;
	v6 =	vunpack.c.l.s4.s8 v6;
	v7 =	vunpack.c.l.s4.s8 v7;
	s11 =	sadd.s32 s31, s19;
	s29 =	sadd.s32 s8, s19;
	[dreg:$0x19] =	wrdreg s13  }
0x29: {  	v0 =	vunpack.c.0.s8.s32 v0;
	v1 =	vunpack.c.0.s8.s32 v1;
	v2 =	vunpack.c.0.s8.s32 v2;
	s0 =	sadd.s32 s15, s18;
	s4 =	sadd.s32 s20, s18;
	s6 =	sadd.s32 s24, s18  }
0x2a: {  	v3 =	vunpack.c.0.s8.s32 v3;
	v4 =	vunpack.c.0.s8.s32 v4;
	v5 =	vunpack.c.0.s8.s32 v5;
	s8 =	sadd.s32 s25, s18;
	s9 =	sadd.s32 s9, s19;
	s26 =	sshll.u32 s10, $0x6  }
0x2b: {  	v6 =	vunpack.c.0.s8.s32 v6;
	v7 =	vunpack.c.0.s8.s32 v7;
	v0 =	vand.u32 $0xF, v0;
	s13 =	simm.s32 $0x2800;
	s15 =	simm.s32 $0x1400;
	s20 =	simm.s32 $0x2  }
0x2c: {  	v0 =	vcombine.low v0, v1;
	v1 =	vcombine.low v3, v2;
	[dreg:$0x1a] =	wrdreg s0;
	s0 =	sadd.s32 s16, s19;
	s10 =	sadd.s32 s26, s18  }
0x2d: {  	v2 =	vcombine.low v5, v4;
	v3 =	vimm.f32 $0.0e+00;
	v4 =	vcombine.low v7, v6;
	s16 =	simm.s32 $0x1;
	[dreg:$0x1b] =	wrdreg s0;
	s0 =	sadd.s32 s17, s18  }
.LBB2_1:
0x2e: {  	s24 =	simm.s32 $0x20  }
0x2f: {  	[tilespmem:s24+$0x0] =	vst v3  }
0x30: {  	[tilespmem:s24+$0xFFFFFFE0] =	vst v3  }
0x31: {  	[tilespmem:s24+$0x10] =	vst v3  }
0x32: {  	s25 =	simm.s32 $0x40;
	s26 =	simm.s32 $0x0;
	[tilespmem:s24+$0xFFFFFFF0] =	vst v3  }
.LBB2_2:
0x33: {  	p0 =	sne.s32 s25, $0x13C0  }
0x34: {  	[tilespmem:s26+$0x2800] =	vst v3;
	s24 =	sadd.s32 $0x40, s24;
	s26 =	smov.u32 s25;
	s25 =	sadd.s32 $0x40, s25  }
.Ltmp0:
0x35: {  	[tilespmem:s24+$0x0] =	vst v3;
	(pc) =	sbr.rel @p0 .LBB2_2-.Ltmp0, $4  }
0x36: {  	_ = 	snop  }
0x37: {  	[tilespmem:s24+$0xFFFFFFE0] =	vst v3  }
0x38: {  	[tilespmem:s24+$0x10] =	vst v3  }
0x39: {  	s26 =	sshra.s32 s26, $0x2;
	[tilespmem:s24+$0xFFFFFFF0] =	vst v3  }
0x3a: {  	[tilespmem:s26+$0x2800] =	vst v3;
	s24 =	simm.s32 $0x0  }
0x3b: {  	[spmem:s28] =	stream.linear.scatter [tilespmem:s24], [sflag:$0x3], $0x1400, $0x38;
	[tilespmem:$0x14360] =	vst v63  }
0x3c: {  	_ =	swait.ge [sflag:s12], $0x1400  }
0x3d: {  	[sflag:s12] =	ssyncset.done $0x0  }
0x3e: {  	[sflag:s12] =	ssyncadd.s32 $0xFFFFEC00  }
0x3f: {  	[spmem:s29] =	stream.linear.scatter [tilespmem:s13], [sflag:$0x3], $0x500, $0x38;
	[tilespmem:$0x14360] =	vst v63  }
0x40: {  	_ =	swait.ge [sflag:s12], $0x500  }
0x41: {  	[sflag:s12] =	ssyncset.done $0x0  }
0x42: {  	[sflag:s12] =	ssyncadd.s32 $0xFFFFFB00  }
0x43: {  	[spmem:s30] =	stream.linear.scatter [tilespmem:s24], [sflag:$0x3], $0x1400, $0x38;
	[tilespmem:$0x14360] =	vst v63  }
0x44: {  	_ =	swait.ge [sflag:s12], $0x1400  }
0x45: {  	[sflag:s12] =	ssyncset.done $0x0  }
0x46: {  	s25 =	rddreg [dreg:$0x19];
	[sflag:s12] =	ssyncadd.s32 $0xFFFFEC00  }
0x47: {  	[spmem:s25] =	stream.linear.scatter [tilespmem:s13], [sflag:$0x3], $0x500, $0x38;
	[tilespmem:$0x14360] =	vst v63  }
0x48: {  	_ =	swait.ge [sflag:s12], $0x500  }
0x49: {  	[sflag:s12] =	ssyncset.done $0x0  }
0x4a: {  	s26 =	rddreg [dreg:$0x1a];
	[sflag:s12] =	ssyncadd.s32 $0xFFFFFB00  }
0x4b: {  	[spmem:s26] =	stream.linear.scatter [tilespmem:s24], [sflag:$0x3], $0x1400, $0x38;
	[tilespmem:$0x14360] =	vst v63  }
0x4c: {  	_ =	swait.ge [sflag:s12], $0x1400  }
0x4d: {  	[sflag:s12] =	ssyncset.done $0x0  }
0x4e: {  	s31 =	smov.u32 s28;
	s28 =	rddreg [dreg:$0x1b];
	[sflag:s12] =	ssyncadd.s32 $0xFFFFEC00  }
0x4f: {  	[spmem:s28] =	stream.linear.scatter [tilespmem:s13], [sflag:$0x3], $0x500, $0x38;
	[tilespmem:$0x14360] =	vst v63  }
0x50: {  	_ =	swait.ge [sflag:s12], $0x500  }
0x51: {  	[sflag:s12] =	ssyncset.done $0x0  }
0x52: {  	[sflag:s12] =	ssyncadd.s32 $0xFFFFFB00  }
0x53: {  	[spmem:s0] =	stream.linear.scatter [tilespmem:s24], [sflag:$0x3], $0x1400, $0x38;
	[tilespmem:$0x14360] =	vst v63  }
0x54: {  	_ =	swait.ge [sflag:s12], $0x1400  }
0x55: {  	[sflag:s12] =	ssyncset.done $0x0  }
0x56: {  	[sflag:s12] =	ssyncadd.s32 $0xFFFFEC00  }
0x57: {  	[spmem:s3] =	stream.linear.scatter [tilespmem:s13], [sflag:$0x3], $0x500, $0x38;
	[tilespmem:$0x14360] =	vst v63  }
0x58: {  	_ =	swait.ge [sflag:s12], $0x500  }
0x59: {  	[sflag:s12] =	ssyncset.done $0x0  }
0x5a: {  	[sflag:s12] =	ssyncadd.s32 $0xFFFFFB00  }
0x5b: {  	[spmem:s4] =	stream.linear.scatter [tilespmem:s24], [sflag:$0x3], $0x1400, $0x38;
	[tilespmem:$0x14360] =	vst v63  }
0x5c: {  	_ =	swait.ge [sflag:s12], $0x1400  }
0x5d: {  	[sflag:s12] =	ssyncset.done $0x0  }
0x5e: {  	[sflag:s12] =	ssyncadd.s32 $0xFFFFEC00  }
0x5f: {  	[spmem:s5] =	stream.linear.scatter [tilespmem:s13], [sflag:$0x3], $0x500, $0x38;
	[tilespmem:$0x14360] =	vst v63  }
0x60: {  	_ =	swait.ge [sflag:s12], $0x500  }
0x61: {  	[sflag:s12] =	ssyncset.done $0x0  }
0x62: {  	[sflag:s12] =	ssyncadd.s32 $0xFFFFFB00  }
0x63: {  	[spmem:s6] =	stream.linear.scatter [tilespmem:s24], [sflag:$0x3], $0x1400, $0x38;
	[tilespmem:$0x14360] =	vst v63  }
0x64: {  	_ =	swait.ge [sflag:s12], $0x1400  }
0x65: {  	[sflag:s12] =	ssyncset.done $0x0  }
0x66: {  	[sflag:s12] =	ssyncadd.s32 $0xFFFFEC00  }
0x67: {  	[spmem:s7] =	stream.linear.scatter [tilespmem:s13], [sflag:$0x3], $0x500, $0x38;
	[tilespmem:$0x14360] =	vst v63  }
0x68: {  	_ =	swait.ge [sflag:s12], $0x500  }
0x69: {  	[sflag:s12] =	ssyncset.done $0x0  }
0x6a: {  	[sflag:s12] =	ssyncadd.s32 $0xFFFFFB00  }
0x6b: {  	[spmem:s8] =	stream.linear.scatter [tilespmem:s24], [sflag:$0x3], $0x1400, $0x38;
	[tilespmem:$0x14360] =	vst v63  }
0x6c: {  	_ =	swait.ge [sflag:s12], $0x1400  }
0x6d: {  	[sflag:s12] =	ssyncset.done $0x0  }
0x6e: {  	[sflag:s12] =	ssyncadd.s32 $0xFFFFEC00  }
0x6f: {  	[spmem:s9] =	stream.linear.scatter [tilespmem:s13], [sflag:$0x3], $0x500, $0x38;
	[tilespmem:$0x14360] =	vst v63  }
0x70: {  	_ =	swait.ge [sflag:s12], $0x500  }
0x71: {  	[sflag:s12] =	ssyncset.done $0x0  }
0x72: {  	[sflag:s12] =	ssyncadd.s32 $0xFFFFFB00  }
0x73: {  	[spmem:s10] =	stream.linear.scatter [tilespmem:s24], [sflag:$0x3], $0x1400, $0x38;
	[tilespmem:$0x14360] =	vst v63  }
0x74: {  	_ =	swait.ge [sflag:s12], $0x1400  }
0x75: {  	[sflag:s12] =	ssyncset.done $0x0  }
0x76: {  	[sflag:s12] =	ssyncadd.s32 $0xFFFFEC00  }
0x77: {  	[spmem:s11] =	stream.linear.scatter [tilespmem:s13], [sflag:$0x3], $0x500, $0x38;
	[tilespmem:$0x14360] =	vst v63  }
0x78: {  	_ =	swait.ge [sflag:s12], $0x500  }
0x79: {  	[sflag:s12] =	ssyncset.done $0x0  }
0x7a: {  	[sflag:s12] =	ssyncadd.s32 $0xFFFFFB00  }
0x7b: {  	s17 =	smov.u32 s29;
	[bflag:$0x0] =	sbarrier.arrive $0xFFFF  }
0x7c: {  	s1 =	smov.u32 s30;
	s30 =	simm.s32 $0x7B20;
	s29 =	rddreg [dreg:$0x1]  }
0x7d: {  	[tilespmem:s30], [sflag:$0x3] =	stream.linear.gather [hbm4b:s29+s24], $0x40, $0x38;
	[tilespmem:$0x14360] =	vst v63  }
0x7e: {  	_ =	swait.ge [sflag:s12], $0x40  }
0x7f: {  	[sflag:s12] =	ssyncset.done $0x0  }
0x80: {  	[sflag:s12] =	ssyncadd.s32 $0xFFFFFFC0  }
0x81: {  	v5 =	vld [tilespmem:$0x7B20]  }
0x82: {  	v6 =	vld [tilespmem:$0x7B30]  }
0x83: {  	s28 =	simm.s32 $0x2D00;
	s26 =	rddreg [dreg:$0x16];
	v7 =	vld [tilespmem:$0x7B40]  }
0x84: {  	v8 =	vld [tilespmem:$0x7B50];
	[tilespmem:s28], [sflag:$0x3] =	stream.linear.gather [hbm4b:s26+s24], $0x2710, $0x38  }
0x85: {  	_ =	swait.ge [sflag:s12], $0x2710  }
0x86: {  	[sflag:s12] =	ssyncset.done $0x0  }
0x87: {  	s30 =	simm.s32 $0x5410;
	s29 =	rddreg [dreg:$0x17];
	[sflag:s12] =	ssyncadd.s32 $0xFFFFD8F0  }
0x88: {  	[tilespmem:s30], [sflag:$0x3] =	stream.linear.gather [hbm4b:s29+s24], $0x2710, $0x38;
	[tilespmem:$0x14360] =	vst v63  }
0x89: {  	_ =	swait.ge [sflag:s12], $0x2710  }
0x8a: {  	[sflag:s12] =	ssyncset.done $0x0  }
0x8b: {  	s25 =	simm.s32 $0x0;
	[sflag:s12] =	ssyncadd.s32 $0xFFFFD8F0  }
.LBB2_4:
0x8c: {  	s26 =	smul.u32 $0x50, s25;
	_ =	sdelay $0x1  }
0x8d: {  	s28 =	sadd.s32 $0x2D00, s26  }
0x8e: {  	[tilespmem:s24], [sflag:$0x1] =	stream.indirect.gather [hbm4b:s22+s14], $0x40, s28, s14, $0xb8;
	[tilespmem:$0x14360] =	vst v63  }
0x8f: {  	s26 =	sadd.s32 $0x5410, s26  }
0x90: {  	[tilespmem:s15], [sflag:$0x2] =	stream.indirect.gather [hbm4b:s23+s14], $0x40, s26, s14, $0xb8;
	[tilespmem:$0x14360] =	vst v63  }
0x91: {  	_ =	swait.ge [sflag:s16], $0x1400  }
0x92: {  	[sflag:s16] =	ssyncset.done $0x0  }
0x93: {  	[sflag:s16] =	ssyncadd.s32 $0xFFFFEC00  }
0x94: {  	_ =	swait.ge [sflag:s20], $0x1400  }
0x95: {  	[sflag:s20] =	ssyncset.done $0x0  }
0x96: {  	s29 =	simm.s32 $0x0;
	[sflag:s20] =	ssyncadd.s32 $0xFFFFEC00  }
0x97: {  	v9 =	vld [tilespmem:s29+$0x1400]  }
0x98: {  	v10 =	vld [tilespmem:s29+$0x0]  }
0x99: {  	v11 =	vld [tilespmem:s29+$0x1410]  }
0x9a: {  	v12 =	vld [tilespmem:s29+$0x10]  }
0x9b: {  	v13 =	vld [tilespmem:s29+$0x1420]  }
0x9c: {  	v14 =	vld [tilespmem:s29+$0x20]  }
0x9d: {  	v15 =	vld [tilespmem:s29+$0x1430];
	v9 =	vadd.f32 v9, v10  }
0x9e: {  	v16 =	vld [tilespmem:s29+$0x30]  }
0x9f: {  	v11 =	vadd.f32 v11, v12;
	v17 =	vmul.f32 $2.000000030e-01, v9;
	_ =	sdelay $0x1  }
0xa0: {  	v13 =	vadd.f32 v13, v14;
	v61 =	vmul.f32 $2.000000030e-01, v11;
	v9 =	vmax.f32 v9, v17  }
0xa1: {  	v9 =	vmul.f32 v9, v5  }
0xa2: {  	v15 =	vadd.f32 v15, v16;
	v62 =	vmul.f32 $2.000000030e-01, v13;
	v11 =	vmax.f32 v11, v61  }
0xa3: {  	v11 =	vmul.f32 v11, v6;
	v9 =	vadd.f32 $0.0e+00, v9  }
0xa4: {  	v63 =	vmul.f32 $2.000000030e-01, v15;
	v13 =	vmax.f32 v13, v62  }
0xa5: {  	v9 =	vadd.f32 v11, v9;
	v11 =	vmul.f32 v13, v7  }
0xa6: {  	v13 =	vmax.f32 v15, v63  }
0xa7: {  	v9 =	vadd.f32 v11, v9;
	v11 =	vmul.f32 v13, v8;
	_ =	sdelay $0x1  }
0xa8: {  	v9 =	vadd.f32 v11, v9;
	_ =	sdelay $0x1  }
0xa9: {  	v11 =	vperm.xlane v9, v0;
	_ =	sdelay $0x1  }
0xaa: {  	v9 =	vadd.f32 v9, v11;
	_ =	sdelay $0x1  }
0xab: {  	v11 =	vperm.xlane v9, v1;
	_ =	sdelay $0x1  }
0xac: {  	v9 =	vadd.f32 v9, v11;
	_ =	sdelay $0x1  }
0xad: {  	v11 =	vperm.xlane v9, v2;
	_ =	sdelay $0x1  }
0xae: {  	v9 =	vadd.f32 v9, v11;
	_ =	sdelay $0x1  }
0xaf: {  	v11 =	vperm.xlane v9, v4;
	_ =	sdelay $0x1  }
0xb0: {  	v9 =	vadd.f32 v9, v11;
	_ =	sdelay $0x1  }
0xb1: {  	v9 =	vmul.f32 $1.442695020e+00, v9;
	_ =	sdelay $0x1  }
0xb2: {  	(erf) = vpow2.f32 v9;
	_ =	sdelay $0x8  }
0xb3: {  	v9 =	vpop (erf)  }
0xb4: {  	v10 =	vmul.f32 v9, v10  }
0xb5: {  	v11 =	vmul.f32 v9, v12  }
0xb6: {  	[tilespmem:s29+$0x0] =	vst v10;
	v10 =	vmul.f32 v9, v14  }
0xb7: {  	[tilespmem:s29+$0x10] =	vst v11;
	v11 =	vmul.f32 v9, v16  }
0xb8: {  	[tilespmem:s29+$0x20] =	vst v10  }
0xb9: {  	s28 =	simm.s32 $0x2800;
	[tilespmem:s29+$0x30] =	vst v11  }
0xba: {  	s29 =	simm.s32 $0x40;
	[tilespmem:s28+$0x0] =	vst v9  }
0xbb: {  	v13 =	vld [tilespmem:s29+$0x1400]  }
0xbc: {  	v9 =	vld [tilespmem:s29+$0x0]  }
0xbd: {  	v12 =	vld [tilespmem:s29+$0x1410]  }
0xbe: {  	v10 =	vld [tilespmem:s29+$0x10]  }
0xbf: {  	s30 =	simm.s32 $0x200;
	v11 =	vld [tilespmem:s29+$0x1420]  }
.LBB2_5:
0xc0: {  	p0 =	sne.s32 s30, $0x4F00;
	v14 =	vld [tilespmem:s29+$0x20]  }
0xc1: {  	v13 =	vadd.f32 v13, v9;
	v15 =	vld [tilespmem:s29+$0x1430]  }
0xc2: {  	v16 =	vld [tilespmem:s29+$0x30]  }
0xc3: {  	v17 =	vmul.f32 $2.000000030e-01, v13;
	v12 =	vadd.f32 v12, v10;
	_ =	sdelay $0x1  }
0xc4: {  	v13 =	vmax.f32 v13, v17;
	v17 =	vmul.f32 $2.000000030e-01, v12;
	v11 =	vadd.f32 v11, v14  }
0xc5: {  	v13 =	vmul.f32 v13, v5  }
0xc6: {  	v12 =	vmax.f32 v12, v17;
	v17 =	vmul.f32 $2.000000030e-01, v11;
	v15 =	vadd.f32 v15, v16  }
0xc7: {  	v13 =	vadd.f32 $0.0e+00, v13;
	v12 =	vmul.f32 v12, v6  }
0xc8: {  	v11 =	vmax.f32 v11, v17;
	v17 =	vmul.f32 $2.000000030e-01, v15  }
0xc9: {  	v12 =	vadd.f32 v12, v13;
	v11 =	vmul.f32 v11, v7  }
0xca: {  	v13 =	vmax.f32 v15, v17  }
0xcb: {  	v11 =	vadd.f32 v11, v12;
	v12 =	vmul.f32 v13, v8;
	_ =	sdelay $0x1  }
0xcc: {  	v11 =	vadd.f32 v12, v11;
	_ =	sdelay $0x1  }
0xcd: {  	v12 =	vperm.xlane v11, v0;
	_ =	sdelay $0x1  }
0xce: {  	v11 =	vadd.f32 v11, v12;
	_ =	sdelay $0x1  }
0xcf: {  	v12 =	vperm.xlane v11, v1;
	_ =	sdelay $0x1  }
0xd0: {  	v11 =	vadd.f32 v11, v12;
	_ =	sdelay $0x1  }
0xd1: {  	v12 =	vperm.xlane v11, v2;
	_ =	sdelay $0x1  }
0xd2: {  	v11 =	vadd.f32 v11, v12;
	_ =	sdelay $0x1  }
0xd3: {  	v12 =	vperm.xlane v11, v4;
	_ =	sdelay $0x1  }
0xd4: {  	v11 =	vadd.f32 v11, v12;
	_ =	sdelay $0x1  }
0xd5: {  	v11 =	vmul.f32 $1.442695020e+00, v11;
	_ =	sdelay $0x1  }
0xd6: {  	(erf) = vpow2.f32 v11;
	_ =	sdelay $0x8  }
0xd7: {  	v11 =	vpop (erf)  }
0xd8: {  	v9 =	vmul.f32 v11, v9  }
0xd9: {  	v10 =	vmul.f32 v11, v10  }
0xda: {  	[tilespmem:s29+$0x0] =	vst v9;
	v9 =	vmul.f32 v11, v14  }
0xdb: {  	[tilespmem:s29+$0x10] =	vst v10;
	v10 =	vmul.f32 v11, v16  }
0xdc: {  	[tilespmem:s29+$0x20] =	vst v9  }
0xdd: {  	s28 =	sadd.s32 $0x10, s28;
	[tilespmem:s29+$0x30] =	vst v10  }
0xde: {  	s29 =	sshra.s32 s30, $0x2;
	[tilespmem:s28+$0x0] =	vst v11  }
.Ltmp1:
0xdf: {  	v13 =	vld [tilespmem:s29+$0x1400];
	(pc) =	sbr.rel @p0 .LBB2_5-.Ltmp1, $4  }
0xe0: {  	v9 =	vld [tilespmem:s29+$0x0]  }
0xe1: {  	v12 =	vld [tilespmem:s29+$0x1410]  }
0xe2: {  	v10 =	vld [tilespmem:s29+$0x10]  }
0xe3: {  	s30 =	sadd.s32 $0x100, s30;
	v11 =	vld [tilespmem:s29+$0x1420]  }
0xe4: {  	v14 =	vld [tilespmem:s29+$0x20]  }
0xe5: {  	v15 =	vld [tilespmem:s29+$0x1430];
	v13 =	vadd.f32 v13, v9  }
0xe6: {  	v16 =	vld [tilespmem:s29+$0x30]  }
0xe7: {  	v17 =	vmul.f32 $2.000000030e-01, v13;
	v12 =	vadd.f32 v12, v10;
	_ =	sdelay $0x1  }
0xe8: {  	v13 =	vmax.f32 v13, v17;
	v59 =	vmul.f32 $2.000000030e-01, v12;
	v11 =	vadd.f32 v11, v14  }
0xe9: {  	v13 =	vmul.f32 v13, v5  }
0xea: {  	v15 =	vadd.f32 v15, v16;
	v12 =	vmax.f32 v12, v59;
	v60 =	vmul.f32 $2.000000030e-01, v11  }
0xeb: {  	v13 =	vadd.f32 $0.0e+00, v13;
	v12 =	vmul.f32 v12, v6  }
0xec: {  	v61 =	vmul.f32 $2.000000030e-01, v15;
	v11 =	vmax.f32 v11, v60  }
0xed: {  	v12 =	vadd.f32 v12, v13;
	v11 =	vmul.f32 v11, v7  }
0xee: {  	v62 =	vmax.f32 v15, v61  }
0xef: {  	v63 =	vmul.f32 v62, v8;
	v11 =	vadd.f32 v11, v12;
	_ =	sdelay $0x1  }
0xf0: {  	v11 =	vadd.f32 v63, v11;
	_ =	sdelay $0x1  }
0xf1: {  	v12 =	vperm.xlane v11, v0;
	_ =	sdelay $0x1  }
0xf2: {  	v11 =	vadd.f32 v11, v12;
	_ =	sdelay $0x1  }
0xf3: {  	v12 =	vperm.xlane v11, v1;
	_ =	sdelay $0x1  }
0xf4: {  	v11 =	vadd.f32 v11, v12;
	_ =	sdelay $0x1  }
0xf5: {  	v12 =	vperm.xlane v11, v2;
	_ =	sdelay $0x1  }
0xf6: {  	v11 =	vadd.f32 v11, v12;
	_ =	sdelay $0x1  }
0xf7: {  	v12 =	vperm.xlane v11, v4;
	_ =	sdelay $0x1  }
0xf8: {  	v11 =	vadd.f32 v11, v12;
	_ =	sdelay $0x1  }
0xf9: {  	v11 =	vmul.f32 $1.442695020e+00, v11;
	_ =	sdelay $0x1  }
0xfa: {  	(erf) = vpow2.f32 v11;
	_ =	sdelay $0x8  }
0xfb: {  	v11 =	vpop (erf)  }
0xfc: {  	v9 =	vmul.f32 v11, v9  }
0xfd: {  	v10 =	vmul.f32 v11, v10  }
0xfe: {  	[tilespmem:s29+$0x0] =	vst v9;
	v9 =	vmul.f32 v11, v14  }
0xff: {  	[tilespmem:s29+$0x10] =	vst v10;
	v10 =	vmul.f32 v11, v16  }
0x100: {  	[tilespmem:s29+$0x20] =	vst v9  }
0x101: {  	s28 =	sadd.s32 $0x10, s28;
	[tilespmem:s29+$0x30] =	vst v10  }
0x102: {  	[tilespmem:s28+$0x0] =	vst v11  }
0x103: {  	[spmem:s18] =	stream.indirect.scatter.add.f32 [tilespmem:s2], [sflag:$0x3], $0x40, s26, s14, $0xb8;
	[tilespmem:$0x14360] =	vst v63  }
0x104: {  	s25 =	sadd.s32 $0x1, s25;
	_ =	swait.ge [sflag:s12], $0x1400  }
0x105: {  	p0 =	sne.s32 s25, $0x7D;
	[sflag:s12] =	ssyncset.done $0x0  }
.Ltmp2:
0x106: {  	[sflag:s12] =	ssyncadd.s32 $0xFFFFEC00;
	(pc) =	sbr.rel @p0 .LBB2_4-.Ltmp2, $4  }
0x107: {  	[spmem:s19] =	stream.indirect.scatter.add.f32 [tilespmem:s13], [sflag:$0x3], $0x10, s26, s14, $0xb8;
	[tilespmem:$0x14360] =	vst v63  }
0x108: {  	_ =	swait.ge [sflag:s12], $0x500  }
0x109: {  	[sflag:s12] =	ssyncset.done $0x0  }
0x10a: {  	[sflag:s12] =	ssyncadd.s32 $0xFFFFFB00  }
0x10b: {  	s24 =	stileid.u32  }
0x10c: {  	[bflag:$0x0] =	sbarrier.arrive $0xFFFF;
	s24 =	sshll.u32 s24, $0x6  }
0x10d: {  	s25 =	sshrl.u32 s31, $0x3;
	s26 =	rddreg [dreg:$0x6];
	s24 =	sor.u32 $0x1C03, s24  }
0x10e: {  	[hbm:s26], [sflag:s24] =	dma.local [spmem:s25], $0x280  }
0x10f: {  	_ =	swait.ge [sflag:s12], $0x280  }
0x110: {  	s28 =	smov.u32 s31;
	[sflag:s12] =	ssyncset.done $0x0  }
0x111: {  	s26 =	sshrl.u32 s17, $0x3;
	s31 =	rddreg [dreg:$0xe];
	[sflag:s12] =	ssyncadd.s32 $0xFFFFFD80  }
0x112: {  	[hbm:s31], [sflag:s24] =	dma.local [spmem:s26], $0xA0  }
0x113: {  	_ =	swait.ge [sflag:s12], $0xA0  }
0x114: {  	s29 =	smov.u32 s17;
	s30 =	smov.u32 s1;
	[sflag:s12] =	ssyncset.done $0x0  }
0x115: {  	s1 =	sshrl.u32 s1, $0x3;
	s17 =	rddreg [dreg:$0x7];
	[sflag:s12] =	ssyncadd.s32 $0xFFFFFF60  }
0x116: {  	[hbm:s17], [sflag:s24] =	dma.local [spmem:s1], $0x280  }
0x117: {  	_ =	swait.ge [sflag:s12], $0x280  }
0x118: {  	[sflag:s12] =	ssyncset.done $0x0;
	s31 =	rddreg [dreg:$0x19]  }
0x119: {  	s17 =	rddreg [dreg:$0xf];
	[sflag:s12] =	ssyncadd.s32 $0xFFFFFD80;
	s1 =	sshrl.u32 s31, $0x3  }
0x11a: {  	[hbm:s17], [sflag:s24] =	dma.local [spmem:s1], $0xA0  }
0x11b: {  	_ =	swait.ge [sflag:s12], $0xA0  }
0x11c: {  	[sflag:s12] =	ssyncset.done $0x0;
	s31 =	rddreg [dreg:$0x1a]  }
0x11d: {  	s17 =	rddreg [dreg:$0x8];
	[sflag:s12] =	ssyncadd.s32 $0xFFFFFF60;
	s1 =	sshrl.u32 s31, $0x3  }
0x11e: {  	[hbm:s17], [sflag:s24] =	dma.local [spmem:s1], $0x280  }
0x11f: {  	_ =	swait.ge [sflag:s12], $0x280  }
0x120: {  	[sflag:s12] =	ssyncset.done $0x0;
	s31 =	rddreg [dreg:$0x1b]  }
0x121: {  	s17 =	rddreg [dreg:$0x10];
	[sflag:s12] =	ssyncadd.s32 $0xFFFFFD80;
	s1 =	sshrl.u32 s31, $0x3  }
0x122: {  	[hbm:s17], [sflag:s24] =	dma.local [spmem:s1], $0xA0  }
0x123: {  	_ =	swait.ge [sflag:s12], $0xA0  }
0x124: {  	[sflag:s12] =	ssyncset.done $0x0  }
0x125: {  	s26 =	sshrl.u32 s0, $0x3;
	s31 =	rddreg [dreg:$0x9];
	[sflag:s12] =	ssyncadd.s32 $0xFFFFFF60  }
0x126: {  	[hbm:s31], [sflag:s24] =	dma.local [spmem:s26], $0x280  }
0x127: {  	_ =	swait.ge [sflag:s12], $0x280  }
0x128: {  	[sflag:s12] =	ssyncset.done $0x0  }
0x129: {  	s1 =	sshrl.u32 s3, $0x3;
	s17 =	rddreg [dreg:$0x11];
	[sflag:s12] =	ssyncadd.s32 $0xFFFFFD80  }
0x12a: {  	[hbm:s17], [sflag:s24] =	dma.local [spmem:s1], $0xA0  }
0x12b: {  	_ =	swait.ge [sflag:s12], $0xA0  }
0x12c: {  	[sflag:s12] =	ssyncset.done $0x0  }
0x12d: {  	s26 =	sshrl.u32 s4, $0x3;
	s31 =	rddreg [dreg:$0xa];
	[sflag:s12] =	ssyncadd.s32 $0xFFFFFF60  }
0x12e: {  	[hbm:s31], [sflag:s24] =	dma.local [spmem:s26], $0x280  }
0x12f: {  	_ =	swait.ge [sflag:s12], $0x280  }
0x130: {  	[sflag:s12] =	ssyncset.done $0x0  }
0x131: {  	s1 =	sshrl.u32 s5, $0x3;
	s17 =	rddreg [dreg:$0x12];
	[sflag:s12] =	ssyncadd.s32 $0xFFFFFD80  }
0x132: {  	[hbm:s17], [sflag:s24] =	dma.local [spmem:s1], $0xA0  }
0x133: {  	_ =	swait.ge [sflag:s12], $0xA0  }
0x134: {  	[sflag:s12] =	ssyncset.done $0x0  }
0x135: {  	s26 =	sshrl.u32 s6, $0x3;
	s31 =	rddreg [dreg:$0xb];
	[sflag:s12] =	ssyncadd.s32 $0xFFFFFF60  }
0x136: {  	[hbm:s31], [sflag:s24] =	dma.local [spmem:s26], $0x280  }
0x137: {  	_ =	swait.ge [sflag:s12], $0x280  }
0x138: {  	[sflag:s12] =	ssyncset.done $0x0  }
0x139: {  	s1 =	sshrl.u32 s7, $0x3;
	s17 =	rddreg [dreg:$0x13];
	[sflag:s12] =	ssyncadd.s32 $0xFFFFFD80  }
0x13a: {  	[hbm:s17], [sflag:s24] =	dma.local [spmem:s1], $0xA0  }
0x13b: {  	_ =	swait.ge [sflag:s12], $0xA0  }
0x13c: {  	[sflag:s12] =	ssyncset.done $0x0  }
0x13d: {  	s26 =	sshrl.u32 s8, $0x3;
	s31 =	rddreg [dreg:$0xc];
	[sflag:s12] =	ssyncadd.s32 $0xFFFFFF60  }
0x13e: {  	[hbm:s31], [sflag:s24] =	dma.local [spmem:s26], $0x280  }
0x13f: {  	_ =	swait.ge [sflag:s12], $0x280  }
0x140: {  	[sflag:s12] =	ssyncset.done $0x0  }
0x141: {  	s1 =	sshrl.u32 s9, $0x3;
	s17 =	rddreg [dreg:$0x14];
	[sflag:s12] =	ssyncadd.s32 $0xFFFFFD80  }
0x142: {  	[hbm:s17], [sflag:s24] =	dma.local [spmem:s1], $0xA0  }
0x143: {  	_ =	swait.ge [sflag:s12], $0xA0  }
0x144: {  	[sflag:s12] =	ssyncset.done $0x0  }
0x145: {  	s26 =	sshrl.u32 s10, $0x3;
	s31 =	rddreg [dreg:$0xd];
	[sflag:s12] =	ssyncadd.s32 $0xFFFFFF60  }
0x146: {  	[hbm:s31], [sflag:s24] =	dma.local [spmem:s26], $0x280  }
0x147: {  	_ =	swait.ge [sflag:s12], $0x280  }
0x148: {  	[sflag:s12] =	ssyncset.done $0x0  }
0x149: {  	s1 =	sshrl.u32 s11, $0x3;
	s17 =	rddreg [dreg:$0x15];
	[sflag:s12] =	ssyncadd.s32 $0xFFFFFD80  }
0x14a: {  	[hbm:s17], [sflag:s24] =	dma.local [spmem:s1], $0xA0  }
0x14b: {  	_ =	swait.ge [sflag:s12], $0xA0  }
0x14c: {  	s21 =	sadd.s32 $0x1, s21;
	s31 =	rddreg [dreg:$0x18]  }
0x14d: {  	p0 =	sne.s32 s21, s31  }
.Ltmp3:
0x14e: {  	_ = 	snop;
	(pc) =	sbr.rel @p0 .LBB2_1-.Ltmp3, $3  }
0x14f: {  	_ =	sdelay $0x1  }
0x150: {  	[sflag:s12] =	ssyncset.done $0x0  }
0x151: {  	[sflag:s12] =	ssyncadd.s32 $0xFFFFFF60  }
0x152: {  	_ =	sfence.sel $0x180000  }
0x153: {  	[bflag:$0x0] =	sbarrier.arrive $0xFFFF  }
0x154: {  	_ =	strace $0x9000004D  }
0x155: {  	s0 =	stileid.u32;
	[bflag:$0x2] =	sbarrier.arrive $0xFFFF  }
0x156: {  	p0 =	sne.s32 s0, $0x0;
	s0 =	rddreg [dreg:$0x5]  }
0x157: {  	s0 =	sadd.s32 @!p0 $0x100000, s0  }
0x158: {  	[sflag:s0] =	ssyncadd.tile.s32 @!p0 $0x1;
	_ =	shalt  }
.Lfunc_end2:
_tile_overlayer_lowered:
.L_overlay_start_2:
0x159: {  	(tag) =	ssettag $0x2  }
0x15a: {  	s0 =	rddreg [dreg:$0x0];
	s2 =	stileid.u32  }
0x15b: {  	s1 =	rddreg [dreg:$0x1];
	p0 =	sne.s32 s2, $0x0  }
0x15c: {  	s3 =	rddreg [dreg:$0x2];
	[bflag:$0x3] =	sbarrier.arrive $0xFFFF;
	s2 =	simm.s32 @!p0 $0x1C03  }
0x15d: {  	[timem:s3], [sflag:s2] =	dma.local @!p0 [hbm:s0], s1  }
0x15e: {  	s0 =	simm.s32 @!p0 $0x3  }
0x15f: {  	_ =	swait.ge @!p0 [sflag:s0], s1  }
0x160: {  	s1 =	ssub.s32 @!p0 $0x0, s1;
	[sflag:s0] =	ssyncset.done @!p0 $0x0  }
0x161: {  	[sflag:s0] =	ssyncadd.s32 @!p0 s1  }
0x162: {  	[bflag:$0x3] =	sbarrier.arrive $0xFFFF  }
0x163: {  	_ =	shalt  }

// kernel: kernel.8.cloned.1.call-start
scs
__scs_entry_jumppad:
0x0: {  	(pc) =	sbr.rel $0x88, $3  }
0x1: {  	(tag) =	ssettag $0x0;
	lr =	simm.s32 $0x1  }
0x2: {  	[smem:$0x3F93] =	sst lr;
	_ =	strace $0xD0000000  }
0x3: {  	_ = 	snop  }
0x4: {  	_ = 	snop  }
0x5: {  	_ = 	snop  }
0x6: {  	_ = 	snop  }
0x7: {  	_ = 	snop  }
__scs_overlays_trampoline_lowered:
0x8: {  	[smem:$0x3FA2] =	sst s0  }
0x9: {  	[smem:$0x3FA3] =	sst s1  }
0xa: {  	[smem:$0x3FA4] =	sst s2  }
0xb: {  	[smem:$0x3FA5] =	sst s3  }
0xc: {  	[smem:$0x3FA6] =	sst s4  }
0xd: {  	[smem:$0x3FA7] =	sst s5  }
0xe: {  	[smem:$0x3FA8] =	sst s6  }
0xf: {  	[smem:$0x3FA9] =	sst s7  }
0x10: {  	[smem:$0x3FAA] =	sst s8  }
0x11: {  	[smem:$0x3FAB] =	sst s9;
	s0 =	simm.s32 @!p0 $0x0  }
0x12: {  	s1 =	sld [smem:$0x3F91];
	s0 =	simm.s32 @p0 $0x1  }
0x13: {  	[smem:$0x3FAC] =	sst s0;
	s0 =	simm.s32 @!p1 $0x0  }
0x14: {  	s2 =	sld [smem:$0x3F90];
	s0 =	simm.s32 @p1 $0x1  }
0x15: {  	[smem:$0x3FAD] =	sst s0;
	s0 =	simm.s32 @!p2 $0x0  }
0x16: {  	s3 =	sld [smem:$0x3FDB];
	s0 =	simm.s32 @p2 $0x1  }
0x17: {  	s4 =	simm.s32 $0x1BF5;
	[smem:$0x3FAF] =	sst s0  }
0x18: {  	s0 =	sld [smem:$0x3F92];
	_ =	swait.ge [sflag:s4], $0x0  }
0x19: {  	s7 =	sld [smem:$0x3F93]  }
0x1a: {  	s8 =	sadd.s32 $0xFFFFE003, lr  }
0x1b: {  	s9 =	sadd.s32 $0xFFFFFEF7, lr;
	s5 =	simm.s32 $0xFFFFFFFF;
	p2 =	slt.u32 s8, $0xFFFFF086  }
0x1c: {  	p1 =	slt.u32 s9, $0xF7A;
	s5 =	simm.s32 @!p2 $0x0  }
0x1d: {  	s5 =	simm.s32 @p1 $0x1;
	p0 =	seq.s32 s7, s2  }
0x1e: {  	s7 =	smul.u32 @!p0 $0xF7A, s2;
	p2 =	seq.s32 @!p0 s5, $0x0  }
0x1f: {  	s9 =	smul.u32 $0xF7A, s1;
	s8 =	simm.s32 @!p0 $0x1BF5;
	p2 =	por !p2, p0  }
0x20: {  	[sflag:s8] =	ssyncset.s32 @!p0 $0xFFFFF086;
	s6 =	sadd.s32 @!p0 s3, s7;
	s7 =	simm.s32 @!p0 $0x108  }
0x21: {  	s3 =	sadd.s32 s3, s9;
	s6 =	sadd.s32 @!p0 $0x88, s6;
	s7 =	simm.s32 @p2 $0x1082  }
0x22: {  	[simem:s7], [sflag:s8] =	dma.local @!p0 [hbm:s6], $0xF7A  }
0x23: {  	s9 =	sor.u32 $0xD0000000, s2;
	s6 =	simm.s32 $0x108;
	_ =	swait.ge @!p0 [sflag:s8], $0x0  }
0x24: {  	s3 =	sadd.s32 $0x88, s3;
	s6 =	simm.s32 @!p1 $0x1082;
	[sflag:s4] =	ssyncset.s32 $0xFFFFF086  }
0x25: {  	[simem:s6], [sflag:s4] =	dma.local [hbm:s3], $0xF7A  }
0x26: {  	[smem:$0x3F93] =	sst s1;
	(tag) =	ssettag s2;
	_ =	strace s9  }
0x27: {  	s1 =	sld [smem:$0x3FA3]  }
0x28: {  	s2 =	sld [smem:$0x3FA4]  }
0x29: {  	s4 =	sld [smem:$0x3FA6]  }
0x2a: {  	p0 =	seq.s32 s5, $0x0;
	s5 =	sld [smem:$0x3FA7]  }
0x2b: {  	s6 =	sld [smem:$0x3FA8]  }
0x2c: {  	s7 =	sld [smem:$0x3FA9]  }
0x2d: {  	s3 =	simm.s32 $0x108;
	s8 =	sld [smem:$0x3FAA]  }
0x2e: {  	s3 =	simm.s32 @!p0 $0x1082;
	s9 =	sld [smem:$0x3FAB]  }
0x2f: {  	lr =	sadd.s32 s0, s3;
	s0 =	sld [smem:$0x3FA2]  }
0x30: {  	s3 =	sld [smem:$0x3FA5]  }
0x31: {  	[smem:$0x3FAE] =	sst s10  }
0x32: {  	s10 =	sld [smem:$0x3FAC];
	_ =	sdelay $0x3  }
0x33: {  	p0 =	seq.s32 s10, $0x1;
	s10 =	sld [smem:$0x3FAE];
	_ =	sdelay $0x3  }
0x34: {  	[smem:$0x3FAE] =	sst s10  }
0x35: {  	s10 =	sld [smem:$0x3FAD];
	_ =	sdelay $0x3  }
0x36: {  	p1 =	seq.s32 s10, $0x1;
	s10 =	sld [smem:$0x3FAE];
	_ =	sdelay $0x3  }
0x37: {  	[smem:$0x3FAE] =	sst s10  }
0x38: {  	s10 =	sld [smem:$0x3FAF]  }
0x39: {  	_ = 	snop;
	(pc) =	sbr.ind lr, $3  }
0x3a: {  	_ = 	snop  }
0x3b: {  	_ = 	snop  }
0x3c: {  	p2 =	seq.s32 s10, $0x1;
	s10 =	sld [smem:$0x3FAE]  }
0x3d: {  	_ =	shalt  }
0x3e: {  	_ =	shalt  }
0x3f: {  	_ =	shalt  }
0x40: {  	_ =	shalt  }
0x41: {  	_ =	shalt  }
0x42: {  	_ =	shalt  }
0x43: {  	_ =	shalt  }
0x44: {  	_ =	shalt  }
0x45: {  	_ =	shalt  }
0x46: {  	_ =	shalt  }
0x47: {  	_ =	shalt  }
0x48: {  	_ =	shalt  }
0x49: {  	_ =	shalt  }
0x4a: {  	_ =	shalt  }
0x4b: {  	_ =	shalt  }
0x4c: {  	_ =	shalt  }
0x4d: {  	_ =	shalt  }
0x4e: {  	_ =	shalt  }
0x4f: {  	_ =	shalt  }
0x50: {  	_ =	shalt  }
0x51: {  	_ =	shalt  }
0x52: {  	_ =	shalt  }
0x53: {  	_ =	shalt  }
0x54: {  	_ =	shalt  }
0x55: {  	_ =	shalt  }
0x56: {  	_ =	shalt  }
0x57: {  	_ =	shalt  }
0x58: {  	_ =	shalt  }
0x59: {  	_ =	shalt  }
0x5a: {  	_ =	shalt  }
0x5b: {  	_ =	shalt  }
0x5c: {  	_ =	shalt  }
0x5d: {  	_ =	shalt  }
0x5e: {  	_ =	shalt  }
0x5f: {  	_ =	shalt  }
0x60: {  	_ =	shalt  }
0x61: {  	_ =	shalt  }
0x62: {  	_ =	shalt  }
0x63: {  	_ =	shalt  }
0x64: {  	_ =	shalt  }
0x65: {  	_ =	shalt  }
0x66: {  	_ =	shalt  }
0x67: {  	_ =	shalt  }
0x68: {  	_ =	shalt  }
0x69: {  	_ =	shalt  }
0x6a: {  	_ =	shalt  }
0x6b: {  	_ =	shalt  }
0x6c: {  	_ =	shalt  }
0x6d: {  	_ =	shalt  }
0x6e: {  	_ =	shalt  }
0x6f: {  	_ =	shalt  }
0x70: {  	_ =	shalt  }
0x71: {  	_ =	shalt  }
0x72: {  	_ =	shalt  }
0x73: {  	_ =	shalt  }
0x74: {  	_ =	shalt  }
0x75: {  	_ =	shalt  }
0x76: {  	_ =	shalt  }
0x77: {  	_ =	shalt  }
0x78: {  	_ =	shalt  }
0x79: {  	_ =	shalt  }
0x7a: {  	_ =	shalt  }
0x7b: {  	_ =	shalt  }
0x7c: {  	_ =	shalt  }
0x7d: {  	_ =	shalt  }
0x7e: {  	_ =	shalt  }
0x7f: {  	_ =	shalt  }
0x80: {  	_ =	shalt  }
0x81: {  	_ =	shalt  }
0x82: {  	_ =	shalt  }
0x83: {  	_ =	shalt  }
0x84: {  	_ =	shalt  }
0x85: {  	_ =	shalt  }
0x86: {  	_ =	shalt  }
0x87: {  	_ =	shalt  }
.Lfunc_end0:
.L_simem_size_0:
called_computation_lowered:
.L_overlay_start_0:
0x88: {  	s2 =	sld [smem:$0x3FD9]  }
0x89: {  	s3 =	sld [smem:$0x3FFE];
	_ =	sdelay $0x1  }
0x8a: {  	s1 =	srdreg.scid  }
0x8b: {  	s0 =	sand.u32 $0x1, s1  }
0x8c: {  	s17 =	sshll.u32 s0, $0xA;
	s2 =	sadd.s32 s3, s2  }
0x8d: {  	s2 =	sadd.s32 s2, s17  }
0x8e: {  	[smem:$0x3FBA] =	sst s2  }
0x8f: {  	_ = 	snop  }
0x90: {  	s18 =	sld [smem:$0x3FD0];
	(tm) =	ssettm $0x1  }
0x91: {  	s19 =	sld [smem:$0x3FFB];
	_ =	sdelay $0x3  }
0x92: {  	_ =	strace s19  }
0x93: {  	s2 =	sld [smem:$0x3FFC];
	_ =	sdelay $0x3  }
0x94: {  	_ =	strace s2  }
0x95: {  	s2 =	sld [smem:$0x3FFD];
	_ =	sdelay $0x3  }
0x96: {  	_ =	strace s2  }
0x97: {  	_ =	strace $0x8FFFFFFF  }
0x98: {  	s20 =	sld [smem:$0x3FDB];
	_ =	sdelay $0x1  }
0x99: {  	s4 =	simm.s32 $_scs_section_size  }
0x9a: {  	s5 =	simm.s32 $_size__tile_overlayer_lowered;
	s6 =	simm.s32 $_tile_overlayer_lowered  }
0x9b: {  	s7 =	simm.s32 $0x1BFF;
	s21 =	sshll.u32 s6, $0x1;
	s4 =	sadd.s32 s4, s20  }
0x9c: {  	s22 =	simm.s32 $0x0;
	s5 =	sshll.u32 s5, $0x1;
	s6 =	sadd.s32 s21, s4  }
0x9d: {  	[timem:s22], [sflag:s7] =	dma.local [hbm:s6], s5  }
0x9e: {  	_ =	swait.ge [sflag:s7], s5  }
0x9f: {  	s5 =	ssub.s32 $0x0, s5;
	[sflag:s7] =	ssyncset.done $0x0  }
0xa0: {  	[sflag:s7] =	ssyncadd.s32 s5;
	_ =	sdelay $0x1  }
0xa1: {  	s23 =	simm.s32 $0x1B8B  }
0xa2: {  	_ =	swait.ge [sflag:s23], $0x1  }
0xa3: {  	[sflag:s23] =	ssyncset.done $0x0  }
0xa4: {  	[sflag:s23] =	ssyncadd.s32 $0xFFFFFFFF  }
0xa5: {  	s5 =	sld [smem:$0x0]  }
0xa6: {  	s6 =	sand.u32 $0xFFFFFFFE, s1  }
0xa7: {  	p0 =	sne.s32 s1, s6  }
0xa8: {  	s6 =	sshll.u32 @p0 s6, $0xE  }
0xa9: {  	s6 =	sadd.s32 @p0 $0x11B8D, s6;
	s7 =	sshll.u32 @p0 s5, $0x11  }
0xaa: {  	s6 =	sor.u32 @p0 s7, s6  }
0xab: {  	[sflag:s6] =	ssyncadd.remote.s32 @p0 $0x1;
	_ =	sdelay $0x1  }
0xac: {  	s6 =	simm.s32 @p0 $0x1B8D  }
0xad: {  	_ =	swait.eq @p0 [sflag:s6], $0x1  }
0xae: {  	[sflag:s6] =	ssyncadd.s32 @p0 $0xFFFFFFFF  }
0xaf: {  	s7 =	sshll.u32 @!p0 s1, $0xE  }
0xb0: {  	s7 =	sor.u32 @!p0 $0x4000, s7;
	s6 =	simm.s32 @!p0 $0x1B8D  }
0xb1: {  	s5 =	sshll.u32 @!p0 s5, $0x11;
	s7 =	sadd.s32 @!p0 $0x11B8D, s7;
	_ =	swait.eq @!p0 [sflag:s6], $0x1  }
0xb2: {  	s5 =	sor.u32 @!p0 s5, s7;
	[sflag:s6] =	ssyncadd.s32 @!p0 $0xFFFFFFFF  }
0xb3: {  	s25 =	simm.s32 $0x1B8E;
	s24 =	sld [smem:$0x3FFE];
	[sflag:s5] =	ssyncadd.remote.s32 @!p0 $0x1  }
0xb4: {  	s26 =	simm.s32 $execute0_lowered;
	[smem:$0x3FD2] =	sst s25  }
0xb5: {  	s6 =	sshll.u32 s26, $0x1;
	_ =	strace $0x80000049;
	[dreg:$0x1] =	wrdreg $0xFFFFFFFF  }
0xb6: {  	s28 =	simm.s32 $_size_execute0_lowered;
	s4 =	sadd.s32 s4, s6;
	[dreg:$0x0] =	wrdreg $0x0  }
0xb7: {  	s6 =	sshll.u32 s28, $0x1;
	[dreg:$0x2] =	wrdreg s4  }
0xb8: {  	[dreg:$0x3] =	wrdreg s6  }
0xb9: {  	[dreg:$0x4] =	wrdreg $0xC0  }
0xba: {  	_ =	task [dreg:s22], $0x5FFFF  }
0xbb: {  	[dreg:$0x1] =	wrdreg $0xFFFFFFFF  }
0xbc: {  	[dreg:$0x0] =	wrdreg $0x60  }
0xbd: {  	[dreg:$0x2] =	wrdreg s18  }
0xbe: {  	[dreg:$0x3] =	wrdreg s24  }
0xbf: {  	[dreg:$0x4] =	wrdreg $0x7B600  }
0xc0: {  	[dreg:$0x5] =	wrdreg $0x11B600  }
0xc1: {  	[dreg:$0x6] =	wrdreg $0x9  }
0xc2: {  	_ =	task.clear_ibuf [dreg:s22], $0x7FFFF;
	_ =	strace $0x90000049  }
0xc3: {  	s29 =	simm.s32 $0x9;
	_ =	strace $0x8000004B  }
0xc4: {  	_ =	swait.ge [sflag:s29], $0x1  }
0xc5: {  	[sflag:s29] =	ssyncadd.s32 $0xFFFFFFFF  }
0xc6: {  	_ =	strace $0x9000004B  }
0xc7: {  	_ =	sfence  }
0xc8: {  	s30 =	sld [smem:$0x0];
	_ =	sdelay $0x2  }
0xc9: {  	s31 =	sshll.u32 s1, $0xD;
	s1 =	sshrl.u32 s1, $0x2  }
0xca: {  	s4 =	sand.u32 $0x4000, s31;
	s1 =	sadd.s32 s1, s30  }
0xcb: {  	s0 =	sor.u32 s4, s0;
	s1 =	sshll.u32 s1, $0x11  }
0xcc: {  	s0 =	sor.u32 s1, s0  }
0xcd: {  	s0 =	sadd.s32 $0x8F2B, s0  }
0xce: {  	[sflag:s0] =	ssyncadd.remote.s32 $0x1  }
0xcf: {  	_ =	sfence.sel $0xFFFF  }
0xd0: {  	[dreg:$0x0] =	wrdreg $0xFFFFFFFF;
	(pc) =	sbr.abs _section_cstart, $3  }
0xd1: {  	[dreg:$0x1] =	wrdreg $0xFFFFFFFF  }
0xd2: {  	_ =	task.clear_ibuf [dreg:s22], $0x2FFFF;
	_ =	strace $0x9FFFFFFF  }
0xd3: {  	(tm) =	ssettm $0x7FFFFFFF  }
tec
execute0_lowered:
.L_overlay_start_1:
0x0: {  	(tag) =	ssettag $0x1  }
0x1: {  	s25 =	stileid.u32  }
0x2: {  	s1 =	rddreg [dreg:$0x0];
	s9 =	smul.u32 $0x280, s25  }
0x3: {  	s0 =	srdreg.scid;
	s14 =	smul.u32 $0x1400, s25  }
0x4: {  	s3 =	rddreg [dreg:$0x1];
	s0 =	sand.u32 $0x1, s0;
	s26 =	smul.u32 $0x500, s25  }
0x5: {  	s2 =	simm.s32 $0x0;
	s4 =	sshll.u32 s25, $0x1;
	s5 =	smul.u32 $0x14000, s0  }
0x6: {  	s4 =	sor.u32 s0, s4;
	s6 =	smul.u32 $0x5000, s0;
	s0 =	ssub.s32 $0x2, s0  }
0x7: {  	[smem:$0x7FF] =	sst s2;
	s7 =	smul.u32 $0x4E2, s4;
	s24 =	sshrl.u32 s0, $0x1  }
0x8: {  	s15 =	sor.u32 $0x50, s9;
	s4 =	sadd.s32 $0xF0, s9;
	s8 =	sadd.s32 $0x190, s9  }
0x9: {  	s10 =	sadd.s32 $0x1E0, s9;
	s11 =	sadd.s32 $0x230, s9;
	s22 =	sadd.s32 s5, s3  }
0xa: {  	s23 =	sadd.s32 s6, s3;
	s6 =	ssub.s32 s0, s24;
	s0 =	sadd.s32 $0xA0, s9  }
0xb: {  	s5 =	sadd.s32 $0x140, s9;
	s16 =	sshll.u32 s15, $0x3;
	s12 =	sadd.s32 $0x83E00, s22  }
0xc: {  	s17 =	sshll.u32 s15, $0x1;
	s20 =	sshll.u32 s4, $0x3;
	s14 =	sadd.s32 s14, s12  }
0xd: {  	s18 =	sshll.u32 s0, $0x3;
	s16 =	sadd.s32 s16, s12;
	[dreg:$0x5] =	wrdreg s14  }
0xe: {  	s13 =	sadd.s32 $0xABE00, s23;
	s18 =	sadd.s32 s18, s12;
	[dreg:$0x6] =	wrdreg s16  }
0xf: {  	s21 =	sshll.u32 s5, $0x3;
	s20 =	sadd.s32 s20, s12;
	[dreg:$0x7] =	wrdreg s18  }
0x10: {  	s22 =	sshll.u32 s8, $0x3;
	s21 =	sadd.s32 s21, s12;
	[dreg:$0x8] =	wrdreg s20  }
0x11: {  	s23 =	sshll.u32 s10, $0x3;
	s22 =	sadd.s32 s22, s12;
	[dreg:$0x9] =	wrdreg s21  }
0x12: {  	s24 =	sshll.u32 s11, $0x3;
	s23 =	sadd.s32 s23, s12;
	[dreg:$0xa] =	wrdreg s22  }
0x13: {  	s19 =	sshll.u32 s0, $0x1;
	s12 =	sadd.s32 s24, s12;
	[dreg:$0xb] =	wrdreg s23  }
0x14: {  	s7 =	sadd.s32 s7, s3;
	s9 =	sadd.s32 s26, s13;
	[dreg:$0xc] =	wrdreg s12  }
0x15: {  	s6 =	smax.u32 s6, $0x1;
	s26 =	sadd.s32 s17, s13;
	[dreg:$0xd] =	wrdreg s9  }
0x16: {  	s24 =	sshll.u32 s4, $0x1;
	s17 =	sshll.u32 s5, $0x1;
	[dreg:$0xe] =	wrdreg s26  }
0x17: {  	s14 =	sadd.s32 s19, s13;
	s16 =	sadd.s32 s24, s13;
	s18 =	sshll.u32 s8, $0x1  }
0x18: {  	s9 =	sadd.s32 s17, s13;
	s20 =	sshll.u32 s10, $0x1;
	s23 =	smul.u32 $0x28000, s25  }
0x19: {  	s21 =	sshll.u32 s11, $0x1;
	s24 =	smul.u32 $0xA000, s25;
	[dreg:$0xf] =	wrdreg s14  }
0x1a: {  	s25 =	sadd.s32 $0xD000, s7;
	s7 =	sadd.s32 $0x3200, s7;
	[dreg:$0x10] =	wrdreg s16  }
0x1b: {  	s12 =	sshll.u32 s15, $0x4;
	s17 =	sshll.u32 s5, $0x6;
	[dreg:$0x11] =	wrdreg s9  }
0x1c: {  	s19 =	sadd.s32 s18, s13;
	s18 =	rddreg [dreg:$0x2];
	s9 =	sadd.s32 s20, s13  }
0x1d: {  	s22 =	sadd.s32 s21, s13;
	s13 =	sshll.u32 s0, $0x6;
	[dreg:$0x12] =	wrdreg s19  }
0x1e: {  	s0 =	sshll.u32 s0, $0x4;
	s14 =	sshll.u32 s4, $0x6;
	s19 =	rddreg [dreg:$0x3]  }
0x1f: {  	s4 =	sshll.u32 s4, $0x4;
	s20 =	sshll.u32 s5, $0x4;
	[dreg:$0x13] =	wrdreg s9  }
0x20: {  	[dreg:$0x14] =	wrdreg s22;
	s22 =	sadd.s32 $0x70400, s3;
	s3 =	sadd.s32 $0x70200, s3  }
0x21: {  	v0 =	vimm.s32 $0xFEDCBA98;
	v1 =	vimm.s32 $0x76543210;
	s26 =	sshrl.u32 s23, $0x2;
	_ =	strace $0x8000004A;
	[dreg:$0x15] =	wrdreg s3  }
0x22: {  	v2 =	vimm.s32 $0xBA98FEDC;
	v3 =	vimm.s32 $0x32107654;
	v0 =	vunpack.c.l.s4.s8 v0;
	s9 =	sshll.u32 s15, $0x6;
	s15 =	sadd.s32 s14, s18;
	[dreg:$0x16] =	wrdreg s25  }
0x23: {  	vm0 =	vmmov $0xff;
	v5 =	vimm.s32 $0xEFCDAB89;
	v1 =	vunpack.c.l.s4.s8 v1;
	s21 =	sadd.s32 s17, s18;
	s23 =	sshll.u32 s8, $0x6;
	[dreg:$0x17] =	wrdreg s7  }
0x24: {  	v2 =	vunpack.c.l.s4.s8 v2;
	v3 =	vunpack.c.l.s4.s8 v3;
	v4 =	vunpack.c.0.s8.s32 v0;
	s8 =	sshll.u32 s8, $0x4;
	s14 =	simm.s32 $0x2800;
	[dreg:$0x18] =	wrdreg s6  }
0x25: {  	v6 =	vimm.s32 $0x67452301;
	vm1 =	vcmask $0x2F20;
	v1 =	vunpack.c.0.s8.s32 v1;
	s28 =	sadd.s32 s26, s18;
	s3 =	sshrl.u32 s24, $0x2;
	s30 =	sadd.s32 s9, s18  }
0x26: {  	v2 =	vunpack.c.0.s8.s32 v2;
	v3 =	vunpack.c.0.s8.s32 v3;
	v4 =	vand.u32 $0xF, v4;
	s31 =	sadd.s32 s12, s19;
	s0 =	sadd.s32 s0, s19;
	[dreg:$0x1b] =	wrdreg s15  }
0x27: {  	v5 =	vunpack.c.l.s4.s8 v5;
	v1 =	vcombine.low v4, v1;
	v4 =	vimm.s32 $0xDCFE98BA;
	s16 =	sadd.s32 s4, s19;
	[dreg:$0x1d] =	wrdreg s21;
	s6 =	sadd.s32 s20, s19  }
0x28: {  	v2 =	vcombine.low v3, v2;
	v3 =	vunpack.c.l.s4.s8 v4;
	v4 =	vimm.s32 $0x54761032;
	s7 =	sadd.s32 s23, s18;
	s24 =	sshll.u32 s10, $0x6;
	s8 =	sadd.s32 s8, s19  }
0x29: {  	vm2 =	vcmask $0xF00;
	v6 =	vunpack.c.l.s4.s8 v6;
	v4 =	vunpack.c.l.s4.s8 v4;
	s10 =	sshll.u32 s10, $0x4;
	s25 =	sshll.u32 s11, $0x6;
	s26 =	sshll.u32 s11, $0x4  }
0x2a: {  	v7 =	vimm.s32 $0xC040800;
	v8 =	vimm.s32 $0x4;
	v5 =	vunpack.c.0.s8.s32 v5;
	s15 =	simm.s32 $0x50;
	s20 =	simm.s32 $0x1;
	s21 =	simm.s32 $0x2  }
0x2b: {  	v6 =	vunpack.c.0.s8.s32 v6;
	v3 =	vunpack.c.0.s8.s32 v3;
	v4 =	vunpack.c.0.s8.s32 v4;
	s23 =	simm.s32 $0x0;
	s29 =	sadd.s32 s3, s19;
	[dreg:$0x1a] =	wrdreg s0  }
0x2c: {  	v9 =	vimm.s32 $0xC;
	vm1 =	vmor vm2, vm1;
	v0 =	vimm.f32 $0.0e+00;
	s3 =	sadd.s32 s13, s18;
	[dreg:$0x1c] =	wrdreg s16;
	s9 =	sadd.s32 s24, s18  }
0x2d: {  	v2 =	vand.u32 $0xF, v2;
	s10 =	sadd.s32 s10, s19;
	s11 =	sadd.s32 s25, s18;
	s12 =	sadd.s32 s26, s19;
	v3 =	vcombine.low v4, v3;
	v4 =	vcombine.low v6, v5  }
0x2e: {  	s13 =	simm.s32 $0x3;
	s16 =	simm.s32 $0x1400;
	[dreg:$0x19] =	wrdreg s3;
	v5 =	vunpack.c.0.s8.s32 v7;
	v6 =	vimm.s32 $0x0;
	v7 =	vimm.s32 $0x8  }
.LBB2_1:
0x2f: {  	s24 =	simm.s32 $0x20  }
0x30: {  	[tilespmem:s24+$0x0] =	vst v0  }
0x31: {  	[tilespmem:s24+$0xFFFFFFE0] =	vst v0  }
0x32: {  	[tilespmem:s24+$0x10] =	vst v0  }
0x33: {  	s25 =	simm.s32 $0x40;
	s26 =	simm.s32 $0x0;
	[tilespmem:s24+$0xFFFFFFF0] =	vst v0  }
.LBB2_2:
0x34: {  	p0 =	sne.s32 s25, $0x13C0  }
0x35: {  	[tilespmem:s26+$0x2800] =	vst v0;
	s24 =	sadd.s32 $0x40, s24;
	s26 =	smov.u32 s25;
	s25 =	sadd.s32 $0x40, s25  }
.Ltmp0:
0x36: {  	[tilespmem:s24+$0x0] =	vst v0;
	(pc) =	sbr.rel @p0 .LBB2_2-.Ltmp0, $4  }
0x37: {  	_ = 	snop  }
0x38: {  	[tilespmem:s24+$0xFFFFFFE0] =	vst v0  }
0x39: {  	[tilespmem:s24+$0x10] =	vst v0  }
0x3a: {  	s26 =	sshra.s32 s26, $0x2;
	[tilespmem:s24+$0xFFFFFFF0] =	vst v0  }
0x3b: {  	[tilespmem:s26+$0x2800] =	vst v0;
	s24 =	simm.s32 $0x0  }
0x3c: {  	[spmem:s28] =	stream.linear.scatter [tilespmem:s24], [sflag:$0x3], $0x1400, $0x38;
	[tilespmem:$0x14360] =	vst v63  }
0x3d: {  	_ =	swait.ge [sflag:s13], $0x1400  }
0x3e: {  	[sflag:s13] =	ssyncset.done $0x0  }
0x3f: {  	[sflag:s13] =	ssyncadd.s32 $0xFFFFEC00  }
0x40: {  	[spmem:s29] =	stream.linear.scatter [tilespmem:s14], [sflag:$0x3], $0x500, $0x38;
	[tilespmem:$0x14360] =	vst v63  }
0x41: {  	_ =	swait.ge [sflag:s13], $0x500  }
0x42: {  	[sflag:s13] =	ssyncset.done $0x0  }
0x43: {  	[sflag:s13] =	ssyncadd.s32 $0xFFFFFB00  }
0x44: {  	[spmem:s30] =	stream.linear.scatter [tilespmem:s24], [sflag:$0x3], $0x1400, $0x38;
	[tilespmem:$0x14360] =	vst v63  }
0x45: {  	_ =	swait.ge [sflag:s13], $0x1400  }
0x46: {  	[sflag:s13] =	ssyncset.done $0x0  }
0x47: {  	[sflag:s13] =	ssyncadd.s32 $0xFFFFEC00  }
0x48: {  	[spmem:s31] =	stream.linear.scatter [tilespmem:s14], [sflag:$0x3], $0x500, $0x38;
	[tilespmem:$0x14360] =	vst v63  }
0x49: {  	_ =	swait.ge [sflag:s13], $0x500  }
0x4a: {  	[sflag:s13] =	ssyncset.done $0x0  }
0x4b: {  	s17 =	rddreg [dreg:$0x19];
	[sflag:s13] =	ssyncadd.s32 $0xFFFFFB00  }
0x4c: {  	[spmem:s17] =	stream.linear.scatter [tilespmem:s24], [sflag:$0x3], $0x1400, $0x38;
	[tilespmem:$0x14360] =	vst v63  }
0x4d: {  	_ =	swait.ge [sflag:s13], $0x1400  }
0x4e: {  	[sflag:s13] =	ssyncset.done $0x0  }
0x4f: {  	s3 =	smov.u32 s29;
	s29 =	rddreg [dreg:$0x1a];
	[sflag:s13] =	ssyncadd.s32 $0xFFFFEC00  }
0x50: {  	[spmem:s29] =	stream.linear.scatter [tilespmem:s14], [sflag:$0x3], $0x500, $0x38;
	[tilespmem:$0x14360] =	vst v63  }
0x51: {  	_ =	swait.ge [sflag:s13], $0x500  }
0x52: {  	[sflag:s13] =	ssyncset.done $0x0  }
0x53: {  	s4 =	smov.u32 s30;
	s30 =	rddreg [dreg:$0x1b];
	[sflag:s13] =	ssyncadd.s32 $0xFFFFFB00  }
0x54: {  	[spmem:s30] =	stream.linear.scatter [tilespmem:s24], [sflag:$0x3], $0x1400, $0x38;
	[tilespmem:$0x14360] =	vst v63  }
0x55: {  	_ =	swait.ge [sflag:s13], $0x1400  }
0x56: {  	[sflag:s13] =	ssyncset.done $0x0  }
0x57: {  	s5 =	smov.u32 s31;
	s31 =	rddreg [dreg:$0x1c];
	[sflag:s13] =	ssyncadd.s32 $0xFFFFEC00  }
0x58: {  	[spmem:s31] =	stream.linear.scatter [tilespmem:s14], [sflag:$0x3], $0x500, $0x38;
	[tilespmem:$0x14360] =	vst v63  }
0x59: {  	_ =	swait.ge [sflag:s13], $0x500  }
0x5a: {  	[sflag:s13] =	ssyncset.done $0x0  }
0x5b: {  	s25 =	rddreg [dreg:$0x1d];
	[sflag:s13] =	ssyncadd.s32 $0xFFFFFB00  }
0x5c: {  	[spmem:s25] =	stream.linear.scatter [tilespmem:s24], [sflag:$0x3], $0x1400, $0x38;
	[tilespmem:$0x14360] =	vst v63  }
0x5d: {  	_ =	swait.ge [sflag:s13], $0x1400  }
0x5e: {  	[sflag:s13] =	ssyncset.done $0x0  }
0x5f: {  	[sflag:s13] =	ssyncadd.s32 $0xFFFFEC00  }
0x60: {  	[spmem:s6] =	stream.linear.scatter [tilespmem:s14], [sflag:$0x3], $0x500, $0x38;
	[tilespmem:$0x14360] =	vst v63  }
0x61: {  	_ =	swait.ge [sflag:s13], $0x500  }
0x62: {  	[sflag:s13] =	ssyncset.done $0x0  }
0x63: {  	[sflag:s13] =	ssyncadd.s32 $0xFFFFFB00  }
0x64: {  	[spmem:s7] =	stream.linear.scatter [tilespmem:s24], [sflag:$0x3], $0x1400, $0x38;
	[tilespmem:$0x14360] =	vst v63  }
0x65: {  	_ =	swait.ge [sflag:s13], $0x1400  }
0x66: {  	[sflag:s13] =	ssyncset.done $0x0  }
0x67: {  	[sflag:s13] =	ssyncadd.s32 $0xFFFFEC00  }
0x68: {  	[spmem:s8] =	stream.linear.scatter [tilespmem:s14], [sflag:$0x3], $0x500, $0x38;
	[tilespmem:$0x14360] =	vst v63  }
0x69: {  	_ =	swait.ge [sflag:s13], $0x500  }
0x6a: {  	[sflag:s13] =	ssyncset.done $0x0  }
0x6b: {  	[sflag:s13] =	ssyncadd.s32 $0xFFFFFB00  }
0x6c: {  	[spmem:s9] =	stream.linear.scatter [tilespmem:s24], [sflag:$0x3], $0x1400, $0x38;
	[tilespmem:$0x14360] =	vst v63  }
0x6d: {  	_ =	swait.ge [sflag:s13], $0x1400  }
0x6e: {  	[sflag:s13] =	ssyncset.done $0x0  }
0x6f: {  	[sflag:s13] =	ssyncadd.s32 $0xFFFFEC00  }
0x70: {  	[spmem:s10] =	stream.linear.scatter [tilespmem:s14], [sflag:$0x3], $0x500, $0x38;
	[tilespmem:$0x14360] =	vst v63  }
0x71: {  	_ =	swait.ge [sflag:s13], $0x500  }
0x72: {  	[sflag:s13] =	ssyncset.done $0x0  }
0x73: {  	[sflag:s13] =	ssyncadd.s32 $0xFFFFFB00  }
0x74: {  	[spmem:s11] =	stream.linear.scatter [tilespmem:s24], [sflag:$0x3], $0x1400, $0x38;
	[tilespmem:$0x14360] =	vst v63  }
0x75: {  	_ =	swait.ge [sflag:s13], $0x1400  }
0x76: {  	[sflag:s13] =	ssyncset.done $0x0  }
0x77: {  	[sflag:s13] =	ssyncadd.s32 $0xFFFFEC00  }
0x78: {  	[spmem:s12] =	stream.linear.scatter [tilespmem:s14], [sflag:$0x3], $0x500, $0x38;
	[tilespmem:$0x14360] =	vst v63  }
0x79: {  	_ =	swait.ge [sflag:s13], $0x500  }
0x7a: {  	[sflag:s13] =	ssyncset.done $0x0  }
0x7b: {  	[sflag:s13] =	ssyncadd.s32 $0xFFFFFB00  }
0x7c: {  	[bflag:$0x0] =	sbarrier.arrive $0xFFFF  }
0x7d: {  	s25 =	simm.s32 $0x7B20;
	s26 =	rddreg [dreg:$0x15]  }
0x7e: {  	[tilespmem:s25], [sflag:$0x3] =	stream.linear.gather [hbm4b:s26+s24], $0x40, $0x38;
	[tilespmem:$0x14360] =	vst v63  }
0x7f: {  	_ =	swait.ge [sflag:s13], $0x40  }
0x80: {  	[sflag:s13] =	ssyncset.done $0x0  }
0x81: {  	[sflag:s13] =	ssyncadd.s32 $0xFFFFFFC0  }
0x82: {  	v10 =	vld [tilespmem:$0x7B20]  }
0x83: {  	v11 =	vld [tilespmem:$0x7B30]  }
0x84: {  	s0 =	smov.u32 s28;
	s29 =	simm.s32 $0x2D00;
	s28 =	rddreg [dreg:$0x16];
	v12 =	vld [tilespmem:$0x7B40]  }
0x85: {  	v13 =	vld [tilespmem:$0x7B50];
	[tilespmem:s29], [sflag:$0x3] =	stream.linear.gather [hbm4b:s28+s24], $0x2710, $0x38  }
0x86: {  	_ =	swait.ge [sflag:s13], $0x2710  }
0x87: {  	[sflag:s13] =	ssyncset.done $0x0  }
0x88: {  	s31 =	simm.s32 $0x5410;
	s30 =	rddreg [dreg:$0x17];
	[sflag:s13] =	ssyncadd.s32 $0xFFFFD8F0  }
0x89: {  	[tilespmem:s31], [sflag:$0x3] =	stream.linear.gather [hbm4b:s30+s24], $0x2710, $0x38;
	[tilespmem:$0x14360] =	vst v63  }
0x8a: {  	_ =	swait.ge [sflag:s13], $0x2710  }
0x8b: {  	[sflag:s13] =	ssyncset.done $0x0  }
0x8c: {  	s25 =	simm.s32 $0x0;
	[sflag:s13] =	ssyncadd.s32 $0xFFFFD8F0  }
.LBB2_4:
0x8d: {  	s26 =	smul.u32 $0x50, s25;
	_ =	sdelay $0x1  }
0x8e: {  	s28 =	sadd.s32 $0x2D00, s26  }
0x8f: {  	[tilespmem:s24], [sflag:$0x1] =	stream.indirect.gather [hbm4b:s1+s15], $0x40, s28, s15, $0xb8;
	[tilespmem:$0x14360] =	vst v63  }
0x90: {  	s26 =	sadd.s32 $0x5410, s26  }
0x91: {  	[tilespmem:s16], [sflag:$0x2] =	stream.indirect.gather [hbm4b:s22+s15], $0x40, s26, s15, $0xb8;
	[tilespmem:$0x14360] =	vst v63  }
0x92: {  	_ =	swait.ge [sflag:s20], $0x1400  }
0x93: {  	[sflag:s20] =	ssyncset.done $0x0  }
0x94: {  	[sflag:s20] =	ssyncadd.s32 $0xFFFFEC00  }
0x95: {  	_ =	swait.ge [sflag:s21], $0x1400  }
0x96: {  	[sflag:s21] =	ssyncset.done $0x0  }
0x97: {  	s28 =	simm.s32 $0x0;
	[sflag:s21] =	ssyncadd.s32 $0xFFFFEC00  }
0x98: {  	v18 =	vld [tilespmem:s28+$0x1420]  }
0x99: {  	v19 =	vld [tilespmem:s28+$0x1410]  }
0x9a: {  	v20 =	vld [tilespmem:s28+$0x1430]  }
0x9b: {  	v16 =	vld [tilespmem:s28+$0x30]  }
0x9c: {  	v14 =	vld [tilespmem:s28+$0x20]  }
0x9d: {  	v15 =	vld [tilespmem:s28+$0x10]  }
0x9e: {  	v21 =	vld [tilespmem:s28+$0x1400]  }
0x9f: {  	v17 =	vld [tilespmem:s28+$0x0];
	_ =	sdelay $0x1  }
0xa0: {  	v20 =	vadd.f32 v20, v16  }
0xa1: {  	v18 =	vadd.f32 v18, v14  }
0xa2: {  	v19 =	vadd.f32 v19, v15;
	v22 =	vmul.f32 $2.000000030e-01, v20  }
0xa3: {  	v21 =	vadd.f32 v21, v17;
	v23 =	vmul.f32 $2.000000030e-01, v18  }
0xa4: {  	v24 =	vmul.f32 $2.000000030e-01, v19;
	v20 =	vmax.f32 v20, v22  }
0xa5: {  	v59 =	vmul.f32 $2.000000030e-01, v21;
	v18 =	vmax.f32 v18, v23;
	v20 =	vmul.f32 v20, v13  }
0xa6: {  	v19 =	vmax.f32 v19, v24;
	v18 =	vmul.f32 v18, v12  }
0xa7: {  	v21 =	vmax.f32 v21, v59;
	v19 =	vmul.f32 v19, v11;
	v60 =	vperm.xlane v20, v1  }
0xa8: {  	v21 =	vmul.f32 v21, v10  }
0xa9: {  	v61 =	vperm.xlane v18, v1;
	v62 =	vperm.xlane v19, v1;
	v20 =	vadd.f32 v60, v20  }
0xaa: {  	v63 =	vperm.xlane v21, v1  }
0xab: {  	v18 =	vadd.f32 v61, v18;
	v19 =	vadd.f32 v62, v19;
	v20 =	vperm.xlane v20, v1;
	_ =	sdelay $0x1  }
0xac: {  	v21 =	vadd.f32 v63, v21;
	v19 =	vperm.xlane v19, v1;
	v18 =	vsel vm0, v18, v20  }
0xad: {  	v20 =	vperm.xlane v18, v2  }
0xae: {  	v19 =	vsel vm0, v21, v19  }
0xaf: {  	v21 =	vperm.xlane v19, v2;
	v18 =	vadd.f32 v20, v18;
	_ =	sdelay $0x1  }
0xb0: {  	v19 =	vadd.f32 v21, v19;
	v18 =	vperm.xlane v18, v2;
	_ =	sdelay $0x1  }
0xb1: {  	v18 =	vsel vm1, v19, v18  }
0xb2: {  	v19 =	vperm.xlane v18, v3;
	_ =	sdelay $0x1  }
0xb3: {  	v18 =	vadd.f32 v19, v18;
	_ =	sdelay $0x1  }
0xb4: {  	v19 =	vperm.xlane v18, v4;
	_ =	sdelay $0x1  }
0xb5: {  	v18 =	vadd.f32 v19, v18;
	_ =	sdelay $0x1  }
0xb6: {  	v18 =	vmul.f32 $1.442695020e+00, v18;
	_ =	sdelay $0x1  }
0xb7: {  	s30 =	simm.s32 $0x2800;
	s31 =	simm.s32 $0x100;
	s29 =	simm.s32 $0x2800;
	(erf) = vpow2.f32 v18  }
.LBB2_5:
0xb8: {  	_ =	sdelay $0x5  }
0xb9: {  	p0 =	sne.s32 s31, $0x4F00  }
0xba: {  	s30 =	sadd.s32 $0x10, s30;
	s17 =	smov.u32 s31;
	s31 =	sadd.s32 $0x100, s31  }
0xbb: {  	s17 =	sshra.s32 s17, $0x2;
	v18 =	vpop (erf)  }
0xbc: {  	v19 =	vperm.xlane v18, v5;
	v20 =	vperm.xlane v18, v9  }
0xbd: {  	v21 =	vperm.xlane v18, v6;
	v22 =	vperm.xlane v18, v8  }
0xbe: {  	v18 =	vperm.xlane v18, v7;
	[tilespmem:s29+$0x0] =	vst v19;
	v16 =	vmul.f32 v20, v16;
	s29 =	smov.u32 s30  }
0xbf: {  	v17 =	vmul.f32 v21, v17;
	v14 =	vmul.f32 v22, v14;
	v19 =	vld [tilespmem:s17+$0x1420]  }
0xc0: {  	v15 =	vmul.f32 v18, v15;
	v20 =	vld [tilespmem:s17+$0x1410];
	[tilespmem:s28+$0x30] =	vst v16  }
0xc1: {  	v18 =	vld [tilespmem:s17+$0x1430];
	[tilespmem:s28+$0x20] =	vst v14  }
0xc2: {  	v16 =	vld [tilespmem:s17+$0x30];
	[tilespmem:s28+$0x10] =	vst v15  }
0xc3: {  	v14 =	vld [tilespmem:s17+$0x20];
	[tilespmem:s28+$0x0] =	vst v17;
	s28 =	smov.u32 s17  }
0xc4: {  	v15 =	vld [tilespmem:s28+$0x10]  }
0xc5: {  	v21 =	vld [tilespmem:s28+$0x1400]  }
0xc6: {  	v17 =	vld [tilespmem:s28+$0x0]  }
0xc7: {  	v18 =	vadd.f32 v18, v16  }
0xc8: {  	v19 =	vadd.f32 v19, v14  }
0xc9: {  	v20 =	vadd.f32 v20, v15;
	v22 =	vmul.f32 $2.000000030e-01, v18  }
0xca: {  	v23 =	vmul.f32 $2.000000030e-01, v19  }
0xcb: {  	v21 =	vadd.f32 v21, v17;
	v24 =	vmul.f32 $2.000000030e-01, v20;
	v18 =	vmax.f32 v18, v22  }
0xcc: {  	v19 =	vmax.f32 v19, v23;
	v18 =	vmul.f32 v18, v13  }
0xcd: {  	v22 =	vmul.f32 $2.000000030e-01, v21;
	v20 =	vmax.f32 v20, v24;
	v19 =	vmul.f32 v19, v12  }
0xce: {  	v20 =	vmul.f32 v20, v11;
	v23 =	vperm.xlane v18, v1  }
0xcf: {  	v21 =	vmax.f32 v21, v22;
	v22 =	vperm.xlane v19, v1  }
0xd0: {  	v21 =	vmul.f32 v21, v10;
	v24 =	vperm.xlane v20, v1;
	v18 =	vadd.f32 v23, v18  }
0xd1: {  	v19 =	vadd.f32 v22, v19  }
0xd2: {  	v22 =	vperm.xlane v21, v1;
	v20 =	vadd.f32 v24, v20;
	v18 =	vperm.xlane v18, v1;
	_ =	sdelay $0x1  }
0xd3: {  	v21 =	vadd.f32 v22, v21;
	v20 =	vperm.xlane v20, v1;
	v18 =	vsel vm0, v19, v18  }
0xd4: {  	v19 =	vperm.xlane v18, v2  }
0xd5: {  	v20 =	vsel vm0, v21, v20  }
0xd6: {  	v21 =	vperm.xlane v20, v2;
	v18 =	vadd.f32 v19, v18;
	_ =	sdelay $0x1  }
0xd7: {  	v19 =	vadd.f32 v21, v20;
	v18 =	vperm.xlane v18, v2;
	_ =	sdelay $0x1  }
0xd8: {  	v18 =	vsel vm1, v19, v18  }
0xd9: {  	v19 =	vperm.xlane v18, v3;
	_ =	sdelay $0x1  }
0xda: {  	v18 =	vadd.f32 v19, v18;
	_ =	sdelay $0x1  }
0xdb: {  	v19 =	vperm.xlane v18, v4;
	_ =	sdelay $0x1  }
.Ltmp1:
0xdc: {  	v18 =	vadd.f32 v19, v18;
	(pc) =	sbr.rel @p0 .LBB2_5-.Ltmp1, $3  }
0xdd: {  	_ = 	snop  }
0xde: {  	v18 =	vmul.f32 $1.442695020e+00, v18;
	_ =	sdelay $0x1  }
0xdf: {  	(erf) = vpow2.f32 v18  }
0xe0: {  	_ =	sdelay $0x7  }
0xe1: {  	v18 =	vpop (erf)  }
0xe2: {  	v19 =	vperm.xlane v18, v9  }
0xe3: {  	v20 =	vperm.xlane v18, v5;
	v21 =	vperm.xlane v18, v8  }
0xe4: {  	v22 =	vperm.xlane v18, v7;
	v16 =	vmul.f32 v19, v16  }
0xe5: {  	v18 =	vperm.xlane v18, v6;
	[tilespmem:s29+$0x0] =	vst v20;
	v14 =	vmul.f32 v21, v14  }
0xe6: {  	v15 =	vmul.f32 v22, v15;
	[tilespmem:s28+$0x30] =	vst v16  }
0xe7: {  	v63 =	vmul.f32 v18, v17;
	[tilespmem:s28+$0x20] =	vst v14  }
0xe8: {  	[tilespmem:s28+$0x10] =	vst v15  }
0xe9: {  	[tilespmem:s28+$0x0] =	vst v63  }
0xea: {  	[spmem:s18] =	stream.indirect.scatter.add.f32 [tilespmem:s2], [sflag:$0x3], $0x40, s26, s15, $0xb8;
	[tilespmem:$0x14360] =	vst v63  }
0xeb: {  	s25 =	sadd.s32 $0x1, s25;
	_ =	swait.ge [sflag:s13], $0x1400  }
0xec: {  	p0 =	sne.s32 s25, $0x7D;
	[sflag:s13] =	ssyncset.done $0x0  }
.Ltmp2:
0xed: {  	[sflag:s13] =	ssyncadd.s32 $0xFFFFEC00;
	(pc) =	sbr.rel @p0 .LBB2_4-.Ltmp2, $4  }
0xee: {  	[spmem:s19] =	stream.indirect.scatter.add.f32 [tilespmem:s14], [sflag:$0x3], $0x10, s26, s15, $0xb8;
	[tilespmem:$0x14360] =	vst v63  }
0xef: {  	_ =	swait.ge [sflag:s13], $0x500  }
0xf0: {  	[sflag:s13] =	ssyncset.done $0x0  }
0xf1: {  	[sflag:s13] =	ssyncadd.s32 $0xFFFFFB00  }
0xf2: {  	s17 =	stileid.u32  }
0xf3: {  	[bflag:$0x0] =	sbarrier.arrive $0xFFFF;
	s28 =	smov.u32 s0;
	s17 =	sshll.u32 s17, $0x6  }
0xf4: {  	s0 =	sshrl.u32 s0, $0x3;
	s25 =	rddreg [dreg:$0x5];
	s24 =	sor.u32 $0x1C03, s17  }
0xf5: {  	[hbm:s25], [sflag:s24] =	dma.local [spmem:s0], $0x280  }
0xf6: {  	_ =	swait.ge [sflag:s13], $0x280  }
0xf7: {  	[sflag:s13] =	ssyncset.done $0x0  }
0xf8: {  	s25 =	sshrl.u32 s3, $0x3;
	s26 =	rddreg [dreg:$0xd];
	[sflag:s13] =	ssyncadd.s32 $0xFFFFFD80  }
0xf9: {  	[hbm:s26], [sflag:s24] =	dma.local [spmem:s25], $0xA0  }
0xfa: {  	_ =	swait.ge [sflag:s13], $0xA0  }
0xfb: {  	s29 =	smov.u32 s3;
	[sflag:s13] =	ssyncset.done $0x0  }
0xfc: {  	s0 =	sshrl.u32 s4, $0x3;
	s3 =	rddreg [dreg:$0x6];
	[sflag:s13] =	ssyncadd.s32 $0xFFFFFF60  }
0xfd: {  	[hbm:s3], [sflag:s24] =	dma.local [spmem:s0], $0x280  }
0xfe: {  	_ =	swait.ge [sflag:s13], $0x280  }
0xff: {  	s30 =	smov.u32 s4;
	s31 =	smov.u32 s5;
	[sflag:s13] =	ssyncset.done $0x0  }
0x100: {  	s4 =	sshrl.u32 s5, $0x3;
	s5 =	rddreg [dreg:$0xe];
	[sflag:s13] =	ssyncadd.s32 $0xFFFFFD80  }
0x101: {  	[hbm:s5], [sflag:s24] =	dma.local [spmem:s4], $0xA0  }
0x102: {  	_ =	swait.ge [sflag:s13], $0xA0  }
0x103: {  	[sflag:s13] =	ssyncset.done $0x0;
	s25 =	rddreg [dreg:$0x19]  }
0x104: {  	s0 =	rddreg [dreg:$0x7];
	[sflag:s13] =	ssyncadd.s32 $0xFFFFFF60;
	s26 =	sshrl.u32 s25, $0x3  }
0x105: {  	[hbm:s0], [sflag:s24] =	dma.local [spmem:s26], $0x280  }
0x106: {  	_ =	swait.ge [sflag:s13], $0x280  }
0x107: {  	[sflag:s13] =	ssyncset.done $0x0;
	s3 =	rddreg [dreg:$0x1a]  }
0x108: {  	s5 =	rddreg [dreg:$0xf];
	[sflag:s13] =	ssyncadd.s32 $0xFFFFFD80;
	s4 =	sshrl.u32 s3, $0x3  }
0x109: {  	[hbm:s5], [sflag:s24] =	dma.local [spmem:s4], $0xA0  }
0x10a: {  	_ =	swait.ge [sflag:s13], $0xA0  }
0x10b: {  	[sflag:s13] =	ssyncset.done $0x0;
	s25 =	rddreg [dreg:$0x1b]  }
0x10c: {  	s0 =	rddreg [dreg:$0x8];
	[sflag:s13] =	ssyncadd.s32 $0xFFFFFF60;
	s26 =	sshrl.u32 s25, $0x3  }
0x10d: {  	[hbm:s0], [sflag:s24] =	dma.local [spmem:s26], $0x280  }
0x10e: {  	_ =	swait.ge [sflag:s13], $0x280  }
0x10f: {  	[sflag:s13] =	ssyncset.done $0x0;
	s3 =	rddreg [dreg:$0x1c]  }
0x110: {  	s5 =	rddreg [dreg:$0x10];
	[sflag:s13] =	ssyncadd.s32 $0xFFFFFD80;
	s4 =	sshrl.u32 s3, $0x3  }
0x111: {  	[hbm:s5], [sflag:s24] =	dma.local [spmem:s4], $0xA0  }
0x112: {  	_ =	swait.ge [sflag:s13], $0xA0  }
0x113: {  	[sflag:s13] =	ssyncset.done $0x0;
	s26 =	rddreg [dreg:$0x1d]  }
0x114: {  	s3 =	rddreg [dreg:$0x9];
	[sflag:s13] =	ssyncadd.s32 $0xFFFFFF60;
	s0 =	sshrl.u32 s26, $0x3  }
0x115: {  	[hbm:s3], [sflag:s24] =	dma.local [spmem:s0], $0x280  }
0x116: {  	_ =	swait.ge [sflag:s13], $0x280  }
0x117: {  	[sflag:s13] =	ssyncset.done $0x0  }
0x118: {  	s4 =	sshrl.u32 s6, $0x3;
	s5 =	rddreg [dreg:$0x11];
	[sflag:s13] =	ssyncadd.s32 $0xFFFFFD80  }
0x119: {  	[hbm:s5], [sflag:s24] =	dma.local [spmem:s4], $0xA0  }
0x11a: {  	_ =	swait.ge [sflag:s13], $0xA0  }
0x11b: {  	[sflag:s13] =	ssyncset.done $0x0  }
0x11c: {  	s25 =	sshrl.u32 s7, $0x3;
	s26 =	rddreg [dreg:$0xa];
	[sflag:s13] =	ssyncadd.s32 $0xFFFFFF60  }
0x11d: {  	[hbm:s26], [sflag:s24] =	dma.local [spmem:s25], $0x280  }
0x11e: {  	_ =	swait.ge [sflag:s13], $0x280  }
0x11f: {  	[sflag:s13] =	ssyncset.done $0x0  }
0x120: {  	s0 =	sshrl.u32 s8, $0x3;
	s3 =	rddreg [dreg:$0x12];
	[sflag:s13] =	ssyncadd.s32 $0xFFFFFD80  }
0x121: {  	[hbm:s3], [sflag:s24] =	dma.local [spmem:s0], $0xA0  }
0x122: {  	_ =	swait.ge [sflag:s13], $0xA0  }
0x123: {  	[sflag:s13] =	ssyncset.done $0x0  }
0x124: {  	s4 =	sshrl.u32 s9, $0x3;
	s5 =	rddreg [dreg:$0xb];
	[sflag:s13] =	ssyncadd.s32 $0xFFFFFF60  }
0x125: {  	[hbm:s5], [sflag:s24] =	dma.local [spmem:s4], $0x280  }
0x126: {  	_ =	swait.ge [sflag:s13], $0x280  }
0x127: {  	[sflag:s13] =	ssyncset.done $0x0  }
0x128: {  	s25 =	sshrl.u32 s10, $0x3;
	s26 =	rddreg [dreg:$0x13];
	[sflag:s13] =	ssyncadd.s32 $0xFFFFFD80  }
0x129: {  	[hbm:s26], [sflag:s24] =	dma.local [spmem:s25], $0xA0  }
0x12a: {  	_ =	swait.ge [sflag:s13], $0xA0  }
0x12b: {  	[sflag:s13] =	ssyncset.done $0x0  }
0x12c: {  	s0 =	sshrl.u32 s11, $0x3;
	s3 =	rddreg [dreg:$0xc];
	[sflag:s13] =	ssyncadd.s32 $0xFFFFFF60  }
0x12d: {  	[hbm:s3], [sflag:s24] =	dma.local [spmem:s0], $0x280  }
0x12e: {  	_ =	swait.ge [sflag:s13], $0x280  }
0x12f: {  	[sflag:s13] =	ssyncset.done $0x0  }
0x130: {  	s4 =	sshrl.u32 s12, $0x3;
	s5 =	rddreg [dreg:$0x14];
	[sflag:s13] =	ssyncadd.s32 $0xFFFFFD80  }
0x131: {  	[hbm:s5], [sflag:s24] =	dma.local [spmem:s4], $0xA0  }
0x132: {  	_ =	swait.ge [sflag:s13], $0xA0  }
0x133: {  	s23 =	sadd.s32 $0x1, s23;
	s26 =	rddreg [dreg:$0x18]  }
0x134: {  	p0 =	sne.s32 s23, s26  }
.Ltmp3:
0x135: {  	_ = 	snop;
	(pc) =	sbr.rel @p0 .LBB2_1-.Ltmp3, $3  }
0x136: {  	_ =	sdelay $0x1  }
0x137: {  	[sflag:s13] =	ssyncset.done $0x0  }
0x138: {  	[sflag:s13] =	ssyncadd.s32 $0xFFFFFF60  }
0x139: {  	_ =	sfence.sel $0x180000  }
0x13a: {  	[bflag:$0x0] =	sbarrier.arrive $0xFFFF  }
0x13b: {  	_ =	strace $0x9000004A  }
0x13c: {  	s0 =	stileid.u32;
	[bflag:$0x2] =	sbarrier.arrive $0xFFFF  }
0x13d: {  	p0 =	sne.s32 s0, $0x0;
	s0 =	rddreg [dreg:$0x4]  }
0x13e: {  	s0 =	sadd.s32 @!p0 $0x100000, s0  }
0x13f: {  	[sflag:s0] =	ssyncadd.tile.s32 @!p0 $0x1;
	_ =	shalt  }
.Lfunc_end2:
_tile_overlayer_lowered:
.L_overlay_start_2:
0x140: {  	(tag) =	ssettag $0x2  }
0x141: {  	s0 =	rddreg [dreg:$0x0];
	s2 =	stileid.u32  }
0x142: {  	s1 =	rddreg [dreg:$0x1];
	p0 =	sne.s32 s2, $0x0  }
0x143: {  	s3 =	rddreg [dreg:$0x2];
	[bflag:$0x3] =	sbarrier.arrive $0xFFFF;
	s2 =	simm.s32 @!p0 $0x1C03  }
0x144: {  	[timem:s3], [sflag:s2] =	dma.local @!p0 [hbm:s0], s1  }
0x145: {  	s0 =	simm.s32 @!p0 $0x3  }
0x146: {  	_ =	swait.ge @!p0 [sflag:s0], s1  }
0x147: {  	s1 =	ssub.s32 @!p0 $0x0, s1;
	[sflag:s0] =	ssyncset.done @!p0 $0x0  }
0x148: {  	[sflag:s0] =	ssyncadd.s32 @!p0 s1  }
0x149: {  	[bflag:$0x3] =	sbarrier.arrive $0xFFFF  }
0x14a: {  	_ =	shalt  }

</sc_bundles>
